<compile_context>
chip_gen: v7x
topology: tpu7x:2x2x1
jax: 0.10.2.dev20260603
libtpu: 0.0.44.dev20260713+nightly
codegen_flags: <defaults>
</compile_context>

<pallas_src>
import functools

import jax
import jax.numpy as jnp
from jax import lax
from jax.experimental import pallas as pl
from jax.experimental.pallas import tpu as pltpu
from jax.experimental.pallas import tpu_sc as plsc

N = 10000
E = 320000
D = 128

NC, NS = 2, 16
NW = NC * NS
CHUNK = 128
NCHUNK = 2560
ITERS = NCHUNK // NW
EPAD = NCHUNK * CHUNK
NPAD = 10240
DEG_PER_TILE = NPAD // NS
ROWS_PER_TILE = NPAD // NS

_mesh = plsc.VectorSubcoreMesh(core_axis_name="c", subcore_axis_name="s")


@functools.partial(
    pl.kernel,
    out_type=jax.ShapeDtypeStruct((NC * NPAD,), jnp.float32),
    mesh=_mesh,
    scratch_types=[
        pltpu.VMEM((ITERS, CHUNK), jnp.int32),
        pltpu.VMEM((CHUNK,), jnp.float32),
        pltpu.VMEM((DEG_PER_TILE,), jnp.float32),
        pltpu.VMEM_SHARED((NPAD,), jnp.float32),
        pltpu.SemaphoreType.DMA,
    ],
)
def _deg_kernel(dst_hbm, out_hbm, di_v, ones_v, buf_v, acc_sh, sem):
    del sem
    cid = lax.axis_index("c")
    sid = lax.axis_index("s")
    wid = sid * NC + cid

    for j in range(CHUNK // 16):
        ones_v[pl.ds(j * 16, 16)] = jnp.ones((16,), jnp.float32)

    def _zero(i, carry):
        buf_v[pl.ds(i * 16, 16)] = jnp.zeros((16,), jnp.float32)
        return carry

    lax.fori_loop(0, DEG_PER_TILE // 16, _zero, 0)
    pltpu.sync_copy(buf_v, acc_sh.at[pl.ds(sid * DEG_PER_TILE, DEG_PER_TILE)])
    plsc.subcore_barrier()

    pltpu.sync_copy(dst_hbm.at[pl.ds(wid * ITERS, ITERS)], di_v)

    def _body(j, carry):
        pltpu.sync_copy(ones_v, acc_sh.at[di_v.at[j]], add=True)
        return carry

    lax.fori_loop(0, ITERS, _body, 0)
    plsc.subcore_barrier()

    pltpu.sync_copy(
        acc_sh.at[pl.ds(sid * DEG_PER_TILE, DEG_PER_TILE)],
        out_hbm.at[pl.ds(cid * NPAD + sid * DEG_PER_TILE, DEG_PER_TILE)],
    )


CC = 64
ITERS_C = EPAD // CC // NW
IBLK = ITERS_C // 4
NBUF = 4


@functools.partial(
    pl.kernel,
    out_type=jax.ShapeDtypeStruct((NC * NPAD, D), jnp.float32),
    mesh=_mesh,
    scratch_types=[
        pltpu.VMEM((IBLK, CC), jnp.int32),
        pltpu.VMEM((IBLK, CC), jnp.int32),
        pltpu.VMEM((CC, D), jnp.float32),
        pltpu.VMEM((CC, D), jnp.float32),
        pltpu.VMEM((CC, D), jnp.float32),
        pltpu.VMEM((CC, D), jnp.float32),
        pltpu.VMEM_SHARED((NPAD, D), jnp.float32),
        pltpu.SemaphoreType.DMA,
        pltpu.SemaphoreType.DMA,
        pltpu.SemaphoreType.DMA,
        pltpu.SemaphoreType.DMA,
    ],
)
def _scatter_kernel(src_hbm, dst_hbm, hp_hbm, out_hbm, si_v, di_v, rows0_v,
                    rows1_v, rows2_v, rows3_v, acc_sh, sem0, sem1, sem2, sem3):
    cid = lax.axis_index("c")
    sid = lax.axis_index("s")
    wid = sid * NC + cid
    rows = [rows0_v, rows1_v, rows2_v, rows3_v]
    sems = [sem0, sem1, sem2, sem3]

    def _zero(i, carry):
        for j in range(D // 16):
            rows0_v[i, pl.ds(j * 16, 16)] = jnp.zeros((16,), jnp.float32)
        return carry

    lax.fori_loop(0, CC, _zero, 0)

    r0 = sid * ROWS_PER_TILE
    for t in range(ROWS_PER_TILE // CC):
        pltpu.sync_copy(rows0_v, acc_sh.at[pl.ds(r0 + t * CC, CC)])
    plsc.subcore_barrier()

    for h in range(4):
        base = wid * ITERS_C + h * IBLK
        pltpu.sync_copy(src_hbm.at[pl.ds(base, IBLK)], si_v)
        pltpu.sync_copy(dst_hbm.at[pl.ds(base, IBLK)], di_v)

        for b in range(NBUF - 1):
            pltpu.async_copy(hp_hbm.at[si_v.at[b]], rows[b], sems[b])

        def _body(g, carry):
            for b in range(NBUF):
                jb = NBUF * g + b
                pltpu.make_async_copy(
                    hp_hbm.at[si_v.at[jb]], rows[b], sems[b]).wait()
                nb = (b + NBUF - 1) % NBUF

                @pl.when(jb + NBUF - 1 < IBLK)
                def _():
                    pltpu.async_copy(
                        hp_hbm.at[si_v.at[jb + NBUF - 1]], rows[nb], sems[nb])

                pltpu.sync_copy(rows[b], acc_sh.at[di_v.at[jb]], add=True)
            return carry

        lax.fori_loop(0, IBLK // NBUF, _body, 0)

    plsc.subcore_barrier()

    pltpu.sync_copy(acc_sh.at[pl.ds(r0, ROWS_PER_TILE)],
                    out_hbm.at[pl.ds(cid * NPAD + r0, ROWS_PER_TILE)])


def _mm_body(x_ref, w_ref, degp_ref, hp_ref, dis_ref):
    degp = degp_ref[...]
    deg = 1.0 + degp[:N] + degp[NPAD:NPAD + N]
    dis = lax.rsqrt(deg)
    h = jnp.dot(x_ref[...], w_ref[...], preferred_element_type=jnp.float32)
    hp_ref[...] = h * dis
    dis_ref[...] = dis


_mm_call = pl.pallas_call(
    _mm_body,
    out_shape=[
        jax.ShapeDtypeStruct((N, D), jnp.float32),
        jax.ShapeDtypeStruct((N, 1), jnp.float32),
    ],
)


def _final_body(acc_ref, hp_ref, dis_ref, b_ref, o_ref):
    acc = acc_ref[...]
    s = acc[0, :N] + acc[1, :N] + hp_ref[...]
    o_ref[...] = jnp.maximum(s * dis_ref[...] + b_ref[...], 0.0)


_final_call = pl.pallas_call(
    _final_body,
    out_shape=jax.ShapeDtypeStruct((N, D), jnp.float32),
)


@jax.jit
def kernel(x, edge_index, W, b):
    src = edge_index[0].astype(jnp.int32)
    dst = edge_index[1].astype(jnp.int32)

    npad_e = EPAD - E
    pad_iota = jnp.arange(npad_e, dtype=jnp.int32)
    srcp = jnp.concatenate([src, pad_iota % N]).reshape(NCHUNK, CHUNK)
    dstp = jnp.concatenate(
        [dst, N + pad_iota % (NPAD - N)]).reshape(NCHUNK, CHUNK)

    degp = _deg_kernel(dstp)

    hp, dis = _mm_call(x, W, degp.reshape(NC * NPAD, 1))

    acc = _scatter_kernel(
        srcp.reshape(EPAD // CC, CC), dstp.reshape(EPAD // CC, CC),
        hp).reshape(NC, NPAD, D)

    return _final_call(acc, hp, dis, b.reshape(1, D))

# --- scband reference (transcript-rebuilt; emitter-appended) ---
"""Pipeline reference for scband-gcnwrapper-86870008529626 (READ-ONLY COPY).

The authoritative reference and input builder live on the scoring server;
editing this copy changes nothing except your own understanding.
"""

import jax, jax.numpy as jnp
import numpy as np

N_NODES = 10000
N_EDGES = 320000
D_IN = 128
D_OUT = 128

def setup_inputs(seed: int = 0) -> dict:
    key = jax.random.key(seed)
    k1, k2, k3, k4 = jax.random.split(key, 4)
    x = jax.random.normal(k1, (N_NODES, D_IN), dtype=jnp.float32)
    edge_index = jax.random.randint(k2, (2, N_EDGES), 0, N_NODES, dtype=jnp.int64)
    # GCNConv parameters (glorot-style init for weight, zeros for bias)
    limit = float(np.sqrt(6.0 / (D_IN + D_OUT)))
    W = jax.random.uniform(k3, (D_IN, D_OUT), dtype=jnp.float32, minval=-limit, maxval=limit)
    b = jnp.zeros((D_OUT,), dtype=jnp.float32)
    return {"x": x, "edge_index": edge_index, "W": W, "b": b}

def reference(x, edge_index, W, b):
    N = x.shape[0]
    src = edge_index[0]
    dst = edge_index[1]
    # add self-loops (PyG GCNConv default add_self_loops=True)
    loop = jnp.arange(N, dtype=edge_index.dtype)
    src = jnp.concatenate([src, loop], axis=0)
    dst = jnp.concatenate([dst, loop], axis=0)
    # symmetric normalization: deg^{-1/2}[src] * deg^{-1/2}[dst]
    deg = jnp.zeros((N,), dtype=x.dtype).at[dst].add(1.0)
    deg_inv_sqrt = jnp.where(deg > 0, 1.0 / jnp.sqrt(deg), 0.0)
    norm = deg_inv_sqrt[src] * deg_inv_sqrt[dst]
    # linear transform then message passing (scatter-add over dst)
    h = x @ W
    msg = h[src] * norm[:, None]
    out = jnp.zeros((N, h.shape[1]), dtype=x.dtype).at[dst].add(msg)
    out = out + b
    # GCNWrapper: ReLU (dropout_value=0.0 so dropout is a no-op)
    return jax.nn.relu(out)

if __name__ == "__main__":
    import jax
    _d = setup_inputs()
    print(jax.jit(kernel)(*tuple(_d.values())))

</pallas_src>

<mosaic_0001>
#map = affine_map<(d0, d1) -> (0, 0)>
#map1 = affine_map<(d0, d1) -> (0)>
module attributes {stable_mosaic.version = 14 : i64} {
  func.func @_deg_kernel(%arg0: i32, %arg1: i32, %arg2: memref<2560x128xi32, #tpu.memory_space<hbm>>, %arg3: memref<20480xf32, #tpu.memory_space<hbm>>, %arg4: memref<80x128xi32, #tpu.memory_space<vmem>>, %arg5: memref<128xf32, #tpu.memory_space<vmem>>, %arg6: memref<640xf32, #tpu.memory_space<vmem>>, %arg7: memref<10240xf32, #tpu.memory_space<vmem_shared>>, %arg8: memref<!tpu.dma_semaphore, #tpu.memory_space<semaphore_mem>>) attributes {dimension_semantics = [#tpu.dimension_semantics<core_parallel>, #tpu.dimension_semantics<subcore_parallel>], iteration_bounds = array<i64: 2, 16>, scalar_prefetch = 0 : i64, scratch_operands = 5 : i64, tpu.core_type = #tpu.core_type<sc_vector_subcore>, window_params = [{transform_indices = #map}, {transform_indices = #map1}]} {
    %mul3A = arith.constant 2 : i32
    %mul3A_0 = arith.muli %arg1, %mul3A : i32
    %add3A = arith.addi %mul3A_0, %arg0 : i32
    %broadcast_in_dim3A = arith.constant 1.000000e+00 : f32
    %broadcast_in_dim3A_1 = vector.broadcast %broadcast_in_dim3A : f32 to vector<16xf32>
    %swap3A = arith.constant 0 : index
    %swap3A_2 = tpu.vector_load %arg5[%swap3A] {strides = array<i32>} : memref<128xf32, #tpu.memory_space<vmem>>, vector<16xf32>,
    %swap3A_3 = vector.shape_cast %swap3A_2 : vector<16xf32> to vector<16xf32>
    %swap3A_4 = vector.shape_cast %broadcast_in_dim3A_1 : vector<16xf32> to vector<16xf32>
    tpu.vector_store %arg5[%swap3A], %swap3A_4 {strides = array<i32>} : memref<128xf32, #tpu.memory_space<vmem>>, vector<16xf32>,
    %broadcast_in_dim3A_5 = arith.constant 1.000000e+00 : f32
    %broadcast_in_dim3A_6 = vector.broadcast %broadcast_in_dim3A_5 : f32 to vector<16xf32>
    %swap3A_7 = arith.constant 16 : index
    %swap3A_8 = tpu.vector_load %arg5[%swap3A_7] {strides = array<i32>} : memref<128xf32, #tpu.memory_space<vmem>>, vector<16xf32>,
    %swap3A_9 = vector.shape_cast %swap3A_8 : vector<16xf32> to vector<16xf32>
    %swap3A_10 = vector.shape_cast %broadcast_in_dim3A_6 : vector<16xf32> to vector<16xf32>
    tpu.vector_store %arg5[%swap3A_7], %swap3A_10 {strides = array<i32>} : memref<128xf32, #tpu.memory_space<vmem>>, vector<16xf32>,
    %broadcast_in_dim3A_11 = arith.constant 1.000000e+00 : f32
    %broadcast_in_dim3A_12 = vector.broadcast %broadcast_in_dim3A_11 : f32 to vector<16xf32>
    %swap3A_13 = arith.constant 32 : index
    %swap3A_14 = tpu.vector_load %arg5[%swap3A_13] {strides = array<i32>} : memref<128xf32, #tpu.memory_space<vmem>>, vector<16xf32>,
    %swap3A_15 = vector.shape_cast %swap3A_14 : vector<16xf32> to vector<16xf32>
    %swap3A_16 = vector.shape_cast %broadcast_in_dim3A_12 : vector<16xf32> to vector<16xf32>
    tpu.vector_store %arg5[%swap3A_13], %swap3A_16 {strides = array<i32>} : memref<128xf32, #tpu.memory_space<vmem>>, vector<16xf32>,
    %broadcast_in_dim3A_17 = arith.constant 1.000000e+00 : f32
    %broadcast_in_dim3A_18 = vector.broadcast %broadcast_in_dim3A_17 : f32 to vector<16xf32>
    %swap3A_19 = arith.constant 48 : index
    %swap3A_20 = tpu.vector_load %arg5[%swap3A_19] {strides = array<i32>} : memref<128xf32, #tpu.memory_space<vmem>>, vector<16xf32>,
    %swap3A_21 = vector.shape_cast %swap3A_20 : vector<16xf32> to vector<16xf32>
    %swap3A_22 = vector.shape_cast %broadcast_in_dim3A_18 : vector<16xf32> to vector<16xf32>
    tpu.vector_store %arg5[%swap3A_19], %swap3A_22 {strides = array<i32>} : memref<128xf32, #tpu.memory_space<vmem>>, vector<16xf32>,
    %broadcast_in_dim3A_23 = arith.constant 1.000000e+00 : f32
    %broadcast_in_dim3A_24 = vector.broadcast %broadcast_in_dim3A_23 : f32 to vector<16xf32>
    %swap3A_25 = arith.constant 64 : index
    %swap3A_26 = tpu.vector_load %arg5[%swap3A_25] {strides = array<i32>} : memref<128xf32, #tpu.memory_space<vmem>>, vector<16xf32>,
    %swap3A_27 = vector.shape_cast %swap3A_26 : vector<16xf32> to vector<16xf32>
    %swap3A_28 = vector.shape_cast %broadcast_in_dim3A_24 : vector<16xf32> to vector<16xf32>
    tpu.vector_store %arg5[%swap3A_25], %swap3A_28 {strides = array<i32>} : memref<128xf32, #tpu.memory_space<vmem>>, vector<16xf32>,
    %broadcast_in_dim3A_29 = arith.constant 1.000000e+00 : f32
    %broadcast_in_dim3A_30 = vector.broadcast %broadcast_in_dim3A_29 : f32 to vector<16xf32>
    %swap3A_31 = arith.constant 80 : index
    %swap3A_32 = tpu.vector_load %arg5[%swap3A_31] {strides = array<i32>} : memref<128xf32, #tpu.memory_space<vmem>>, vector<16xf32>,
    %swap3A_33 = vector.shape_cast %swap3A_32 : vector<16xf32> to vector<16xf32>
    %swap3A_34 = vector.shape_cast %broadcast_in_dim3A_30 : vector<16xf32> to vector<16xf32>
    tpu.vector_store %arg5[%swap3A_31], %swap3A_34 {strides = array<i32>} : memref<128xf32, #tpu.memory_space<vmem>>, vector<16xf32>,
    %broadcast_in_dim3A_35 = arith.constant 1.000000e+00 : f32
    %broadcast_in_dim3A_36 = vector.broadcast %broadcast_in_dim3A_35 : f32 to vector<16xf32>
    %swap3A_37 = arith.constant 96 : index
    %swap3A_38 = tpu.vector_load %arg5[%swap3A_37] {strides = array<i32>} : memref<128xf32, #tpu.memory_space<vmem>>, vector<16xf32>,
    %swap3A_39 = vector.shape_cast %swap3A_38 : vector<16xf32> to vector<16xf32>
    %swap3A_40 = vector.shape_cast %broadcast_in_dim3A_36 : vector<16xf32> to vector<16xf32>
    tpu.vector_store %arg5[%swap3A_37], %swap3A_40 {strides = array<i32>} : memref<128xf32, #tpu.memory_space<vmem>>, vector<16xf32>,
    %broadcast_in_dim3A_41 = arith.constant 1.000000e+00 : f32
    %broadcast_in_dim3A_42 = vector.broadcast %broadcast_in_dim3A_41 : f32 to vector<16xf32>
    %swap3A_43 = arith.constant 112 : index
    %swap3A_44 = tpu.vector_load %arg5[%swap3A_43] {strides = array<i32>} : memref<128xf32, #tpu.memory_space<vmem>>, vector<16xf32>,
    %swap3A_45 = vector.shape_cast %swap3A_44 : vector<16xf32> to vector<16xf32>
    %swap3A_46 = vector.shape_cast %broadcast_in_dim3A_42 : vector<16xf32> to vector<16xf32>
    tpu.vector_store %arg5[%swap3A_43], %swap3A_46 {strides = array<i32>} : memref<128xf32, #tpu.memory_space<vmem>>, vector<16xf32>,
    %scan3A = arith.constant 0 : i32
    %scan3A_47 = arith.constant 0 : i32
    %scan3A_48 = arith.constant 40 : i32
    %scan3A_49 = arith.addi %scan3A_47, %scan3A_48 : i32
    %scan3A_50 = arith.constant 1 : i32
    scf.for %scan3A_70 = %scan3A_47 to %scan3A_49 step %scan3A_50  : i32 {
      %broadcast_in_dim3A_71 = arith.constant 0.000000e+00 : f32
      %broadcast_in_dim3A_72 = vector.broadcast %broadcast_in_dim3A_71 : f32 to vector<16xf32>
      %mul3A_73 = arith.constant 16 : i32
      %mul3A_74 = arith.muli %scan3A_70, %mul3A_73 : i32
      %swap3A_75 = arith.index_cast %mul3A_74 : i32 to index
      %swap3A_76 = tpu.vector_load %arg6[%swap3A_75] {strides = array<i32>} : memref<640xf32, #tpu.memory_space<vmem>>, vector<16xf32>,
      %swap3A_77 = vector.shape_cast %swap3A_76 : vector<16xf32> to vector<16xf32>
      %swap3A_78 = vector.shape_cast %broadcast_in_dim3A_72 : vector<16xf32> to vector<16xf32>
      tpu.vector_store %arg6[%swap3A_75], %swap3A_78 {strides = array<i32>} : memref<640xf32, #tpu.memory_space<vmem>>, vector<16xf32>,
    }
    %scan3A_51 = arith.constant 40 : i32
    %mul3A_52 = arith.constant 640 : i32
    %mul3A_53 = arith.muli %arg1, %mul3A_52 : i32
    "tpu.region"() ({
      %run_scoped3A = tpu.sem_alloc : memref<!tpu.dma_semaphore, #tpu.memory_space<semaphore_mem>>
      %dma_start3A = tpu.memref_slice %arg7[%mul3A_53] : memref<10240xf32, #tpu.memory_space<vmem_shared>> -> memref<640xf32, #tpu.memory_space<vmem_shared>>
      %dma_start3A_70 = tpu.memref_slice %arg7[%mul3A_53] : memref<10240xf32, #tpu.memory_space<vmem_shared>> -> memref<640xf32, #tpu.memory_space<vmem_shared>>
      tpu.enqueue_dma source(%arg6 : memref<640xf32, #tpu.memory_space<vmem>>) target(%dma_start3A_70 : memref<640xf32, #tpu.memory_space<vmem_shared>>) target_semaphore(%run_scoped3A : memref<!tpu.dma_semaphore, #tpu.memory_space<semaphore_mem>>)
      %dma_wait3A = tpu.memref_slice %arg7[%mul3A_53] : memref<10240xf32, #tpu.memory_space<vmem_shared>> -> memref<640xf32, #tpu.memory_space<vmem_shared>>
      %dma_wait3A_71 = tpu.memref_slice %arg7[%mul3A_53] : memref<10240xf32, #tpu.memory_space<vmem_shared>> -> memref<640xf32, #tpu.memory_space<vmem_shared>>
      tpu.wait_dma2 semaphore(%run_scoped3A : memref<!tpu.dma_semaphore, #tpu.memory_space<semaphore_mem>>) src(%arg6 : memref<640xf32, #tpu.memory_space<vmem>>) dst(%dma_wait3A_71 : memref<640xf32, #tpu.memory_space<vmem_shared>>)
      tpu.yield
    }) : () -> ()
    %barrier3A = arith.constant 0 : index
    tpu.barrier barrier_id(%barrier3A)
    %mul3A_54 = arith.constant 80 : i32
    %mul3A_55 = arith.muli %add3A, %mul3A_54 : i32
    "tpu.region"() ({
      %run_scoped3A = tpu.sem_alloc : memref<!tpu.dma_semaphore, #tpu.memory_space<semaphore_mem>>
      %dma_start3A = arith.constant 0 : i32
      %dma_start3A_70 = tpu.memref_slice %arg2[%mul3A_55, %dma_start3A] : memref<2560x128xi32, #tpu.memory_space<hbm>> -> memref<80x128xi32, #tpu.memory_space<hbm>>
      %dma_start3A_71 = arith.constant 0 : i32
      %dma_start3A_72 = tpu.memref_slice %arg2[%mul3A_55, %dma_start3A_71] : memref<2560x128xi32, #tpu.memory_space<hbm>> -> memref<80x128xi32, #tpu.memory_space<hbm>>
      tpu.enqueue_dma source(%dma_start3A_72 : memref<80x128xi32, #tpu.memory_space<hbm>>) target(%arg4 : memref<80x128xi32, #tpu.memory_space<vmem>>) target_semaphore(%run_scoped3A : memref<!tpu.dma_semaphore, #tpu.memory_space<semaphore_mem>>)
      %dma_wait3A = arith.constant 0 : i32
      %dma_wait3A_73 = tpu.memref_slice %arg2[%mul3A_55, %dma_wait3A] : memref<2560x128xi32, #tpu.memory_space<hbm>> -> memref<80x128xi32, #tpu.memory_space<hbm>>
      %dma_wait3A_74 = arith.constant 0 : i32
      %dma_wait3A_75 = tpu.memref_slice %arg2[%mul3A_55, %dma_wait3A_74] : memref<2560x128xi32, #tpu.memory_space<hbm>> -> memref<80x128xi32, #tpu.memory_space<hbm>>
      tpu.wait_dma2 semaphore(%run_scoped3A : memref<!tpu.dma_semaphore, #tpu.memory_space<semaphore_mem>>) src(%dma_wait3A_75 : memref<80x128xi32, #tpu.memory_space<hbm>>) dst(%arg4 : memref<80x128xi32, #tpu.memory_space<vmem>>)
      tpu.yield
    }) : () -> ()
    %scan3A_56 = arith.constant 0 : i32
    %scan3A_57 = arith.constant 0 : i32
    %scan3A_58 = arith.constant 80 : i32
    %scan3A_59 = arith.addi %scan3A_57, %scan3A_58 : i32
    %scan3A_60 = arith.constant 1 : i32
    scf.for %scan3A_70 = %scan3A_57 to %scan3A_59 step %scan3A_60  : i32 {
      "tpu.region"() ({
        %run_scoped3A = tpu.sem_alloc : memref<!tpu.dma_semaphore, #tpu.memory_space<semaphore_mem>>
        %dma_start3A = arith.constant 0 : i32
        %dma_start3A_71 = tpu.memref_slice %arg4[%scan3A_70, %dma_start3A] : memref<80x128xi32, #tpu.memory_space<vmem>> -> memref<1x128xi32, #tpu.memory_space<vmem>>
        %dma_start3A_72 = tpu.memref_squeeze %dma_start3A_71 : memref<1x128xi32, #tpu.memory_space<vmem>> -> memref<128xi32, #tpu.memory_space<vmem>>
        %dma_start3A_73 = arith.constant 0 : i32
        %dma_start3A_74 = tpu.memref_slice %arg7[%dma_start3A_73] : memref<10240xf32, #tpu.memory_space<vmem_shared>> -> memref<10240xf32, #tpu.memory_space<vmem_shared>>
        tpu.enqueue_indirect_dma source(%arg5 : memref<128xf32, #tpu.memory_space<vmem>>) target(%dma_start3A_74 : memref<10240xf32, #tpu.memory_space<vmem_shared>>) offsets(%dma_start3A_72 : memref<128xi32, #tpu.memory_space<vmem>>) semaphore(%run_scoped3A : memref<!tpu.dma_semaphore, #tpu.memory_space<semaphore_mem>>) {add = true}
        %dma_wait3A = arith.constant 0 : i32
        %dma_wait3A_75 = tpu.memref_slice %arg4[%scan3A_70, %dma_wait3A] : memref<80x128xi32, #tpu.memory_space<vmem>> -> memref<1x128xi32, #tpu.memory_space<vmem>>
        %dma_wait3A_76 = tpu.memref_squeeze %dma_wait3A_75 : memref<1x128xi32, #tpu.memory_space<vmem>> -> memref<128xi32, #tpu.memory_space<vmem>>
        %dma_wait3A_77 = arith.constant 0 : i32
        %dma_wait3A_78 = tpu.memref_slice %arg7[%dma_wait3A_77] : memref<10240xf32, #tpu.memory_space<vmem_shared>> -> memref<10240xf32, #tpu.memory_space<vmem_shared>>
        tpu.wait_indirect_dma semaphore(%run_scoped3A : memref<!tpu.dma_semaphore, #tpu.memory_space<semaphore_mem>>) src(%arg5 : memref<128xf32, #tpu.memory_space<vmem>>) dst(%dma_wait3A_78 : memref<10240xf32, #tpu.memory_space<vmem_shared>>)
        tpu.yield
      }) : () -> ()
    }
    %scan3A_61 = arith.constant 80 : i32
    %barrier3A_62 = arith.constant 0 : index
    tpu.barrier barrier_id(%barrier3A_62)
    %mul3A_63 = arith.constant 640 : i32
    %mul3A_64 = arith.muli %arg1, %mul3A_63 : i32
    %mul3A_65 = arith.constant 10240 : i32
    %mul3A_66 = arith.muli %arg0, %mul3A_65 : i32
    %mul3A_67 = arith.constant 640 : i32
    %mul3A_68 = arith.muli %arg1, %mul3A_67 : i32
    %add3A_69 = arith.addi %mul3A_66, %mul3A_68 : i32
    "tpu.region"() ({
      %run_scoped3A = tpu.sem_alloc : memref<!tpu.dma_semaphore, #tpu.memory_space<semaphore_mem>>
      %dma_start3A = tpu.memref_slice %arg3[%add3A_69] : memref<20480xf32, #tpu.memory_space<hbm>> -> memref<640xf32, #tpu.memory_space<hbm>>
      %dma_start3A_70 = tpu.memref_slice %arg7[%mul3A_64] : memref<10240xf32, #tpu.memory_space<vmem_shared>> -> memref<640xf32, #tpu.memory_space<vmem_shared>>
      tpu.enqueue_dma source(%dma_start3A_70 : memref<640xf32, #tpu.memory_space<vmem_shared>>) target(%dma_start3A : memref<640xf32, #tpu.memory_space<hbm>>) target_semaphore(%run_scoped3A : memref<!tpu.dma_semaphore, #tpu.memory_space<semaphore_mem>>)
      %dma_wait3A = tpu.memref_slice %arg3[%add3A_69] : memref<20480xf32, #tpu.memory_space<hbm>> -> memref<640xf32, #tpu.memory_space<hbm>>
      %dma_wait3A_71 = tpu.memref_slice %arg7[%mul3A_64] : memref<10240xf32, #tpu.memory_space<vmem_shared>> -> memref<640xf32, #tpu.memory_space<vmem_shared>>
      tpu.wait_dma2 semaphore(%run_scoped3A : memref<!tpu.dma_semaphore, #tpu.memory_space<semaphore_mem>>) src(%dma_wait3A_71 : memref<640xf32, #tpu.memory_space<vmem_shared>>) dst(%dma_wait3A : memref<640xf32, #tpu.memory_space<hbm>>)
      tpu.yield
    }) : () -> ()
    return
  }
}

#map = affine_map<(d0, d1) -> (0, 0)>
module attributes {stable_mosaic.version = 14 : i64} {
  func.func @_scatter_kernel(%arg0: i32, %arg1: i32, %arg2: memref<5120x64xi32, #tpu.memory_space<hbm>>, %arg3: memref<5120x64xi32, #tpu.memory_space<hbm>>, %arg4: memref<10000x128xf32, #tpu.memory_space<hbm>>, %arg5: memref<20480x128xf32, #tpu.memory_space<hbm>>, %arg6: memref<40x64xi32, #tpu.memory_space<vmem>>, %arg7: memref<40x64xi32, #tpu.memory_space<vmem>>, %arg8: memref<64x128xf32, #tpu.memory_space<vmem>>, %arg9: memref<64x128xf32, #tpu.memory_space<vmem>>, %arg10: memref<64x128xf32, #tpu.memory_space<vmem>>, %arg11: memref<64x128xf32, #tpu.memory_space<vmem>>, %arg12: memref<10240x128xf32, #tpu.memory_space<vmem_shared>>, %arg13: memref<!tpu.dma_semaphore, #tpu.memory_space<semaphore_mem>>, %arg14: memref<!tpu.dma_semaphore, #tpu.memory_space<semaphore_mem>>, %arg15: memref<!tpu.dma_semaphore, #tpu.memory_space<semaphore_mem>>, %arg16: memref<!tpu.dma_semaphore, #tpu.memory_space<semaphore_mem>>) attributes {dimension_semantics = [#tpu.dimension_semantics<core_parallel>, #tpu.dimension_semantics<subcore_parallel>], iteration_bounds = array<i64: 2, 16>, scalar_prefetch = 0 : i64, scratch_operands = 11 : i64, tpu.core_type = #tpu.core_type<sc_vector_subcore>, window_params = [{transform_indices = #map}, {transform_indices = #map}, {transform_indices = #map}, {transform_indices = #map}]} {
    %mul3A = arith.constant 2 : i32
    %mul3A_0 = arith.muli %arg1, %mul3A : i32
    %add3A = arith.addi %mul3A_0, %arg0 : i32
    %scan3A = arith.constant 0 : i32
    %scan3A_1 = arith.constant 0 : i32
    %scan3A_2 = arith.constant 64 : i32
    %scan3A_3 = arith.addi %scan3A_1, %scan3A_2 : i32
    %scan3A_4 = arith.constant 1 : i32
    scf.for %scan3A_155 = %scan3A_1 to %scan3A_3 step %scan3A_4  : i32 {
      %broadcast_in_dim3A = arith.constant 0.000000e+00 : f32
      %broadcast_in_dim3A_156 = vector.broadcast %broadcast_in_dim3A : f32 to vector<16xf32>
      %swap3A = arith.index_cast %scan3A_155 : i32 to index
      %swap3A_157 = arith.constant 0 : index
      %swap3A_158 = tpu.vector_load %arg8[%swap3A, %swap3A_157] {strides = array<i32>} : memref<64x128xf32, #tpu.memory_space<vmem>>, vector<1x16xf32>,
      %swap3A_159 = vector.shape_cast %swap3A_158 : vector<1x16xf32> to vector<16xf32>
      %swap3A_160 = vector.shape_cast %broadcast_in_dim3A_156 : vector<16xf32> to vector<1x16xf32>
      tpu.vector_store %arg8[%swap3A, %swap3A_157], %swap3A_160 {strides = array<i32>} : memref<64x128xf32, #tpu.memory_space<vmem>>, vector<1x16xf32>,
      %broadcast_in_dim3A_161 = arith.constant 0.000000e+00 : f32
      %broadcast_in_dim3A_162 = vector.broadcast %broadcast_in_dim3A_161 : f32 to vector<16xf32>
      %swap3A_163 = arith.index_cast %scan3A_155 : i32 to index
      %swap3A_164 = arith.constant 16 : index
      %swap3A_165 = tpu.vector_load %arg8[%swap3A_163, %swap3A_164] {strides = array<i32>} : memref<64x128xf32, #tpu.memory_space<vmem>>, vector<1x16xf32>,
      %swap3A_166 = vector.shape_cast %swap3A_165 : vector<1x16xf32> to vector<16xf32>
      %swap3A_167 = vector.shape_cast %broadcast_in_dim3A_162 : vector<16xf32> to vector<1x16xf32>
      tpu.vector_store %arg8[%swap3A_163, %swap3A_164], %swap3A_167 {strides = array<i32>} : memref<64x128xf32, #tpu.memory_space<vmem>>, vector<1x16xf32>,
      %broadcast_in_dim3A_168 = arith.constant 0.000000e+00 : f32
      %broadcast_in_dim3A_169 = vector.broadcast %broadcast_in_dim3A_168 : f32 to vector<16xf32>
      %swap3A_170 = arith.index_cast %scan3A_155 : i32 to index
      %swap3A_171 = arith.constant 32 : index
      %swap3A_172 = tpu.vector_load %arg8[%swap3A_170, %swap3A_171] {strides = array<i32>} : memref<64x128xf32, #tpu.memory_space<vmem>>, vector<1x16xf32>,
      %swap3A_173 = vector.shape_cast %swap3A_172 : vector<1x16xf32> to vector<16xf32>
      %swap3A_174 = vector.shape_cast %broadcast_in_dim3A_169 : vector<16xf32> to vector<1x16xf32>
      tpu.vector_store %arg8[%swap3A_170, %swap3A_171], %swap3A_174 {strides = array<i32>} : memref<64x128xf32, #tpu.memory_space<vmem>>, vector<1x16xf32>,
      %broadcast_in_dim3A_175 = arith.constant 0.000000e+00 : f32
      %broadcast_in_dim3A_176 = vector.broadcast %broadcast_in_dim3A_175 : f32 to vector<16xf32>
      %swap3A_177 = arith.index_cast %scan3A_155 : i32 to index
      %swap3A_178 = arith.constant 48 : index
      %swap3A_179 = tpu.vector_load %arg8[%swap3A_177, %swap3A_178] {strides = array<i32>} : memref<64x128xf32, #tpu.memory_space<vmem>>, vector<1x16xf32>,
      %swap3A_180 = vector.shape_cast %swap3A_179 : vector<1x16xf32> to vector<16xf32>
      %swap3A_181 = vector.shape_cast %broadcast_in_dim3A_176 : vector<16xf32> to vector<1x16xf32>
      tpu.vector_store %arg8[%swap3A_177, %swap3A_178], %swap3A_181 {strides = array<i32>} : memref<64x128xf32, #tpu.memory_space<vmem>>, vector<1x16xf32>,
      %broadcast_in_dim3A_182 = arith.constant 0.000000e+00 : f32
      %broadcast_in_dim3A_183 = vector.broadcast %broadcast_in_dim3A_182 : f32 to vector<16xf32>
      %swap3A_184 = arith.index_cast %scan3A_155 : i32 to index
      %swap3A_185 = arith.constant 64 : index
      %swap3A_186 = tpu.vector_load %arg8[%swap3A_184, %swap3A_185] {strides = array<i32>} : memref<64x128xf32, #tpu.memory_space<vmem>>, vector<1x16xf32>,
      %swap3A_187 = vector.shape_cast %swap3A_186 : vector<1x16xf32> to vector<16xf32>
      %swap3A_188 = vector.shape_cast %broadcast_in_dim3A_183 : vector<16xf32> to vector<1x16xf32>
      tpu.vector_store %arg8[%swap3A_184, %swap3A_185], %swap3A_188 {strides = array<i32>} : memref<64x128xf32, #tpu.memory_space<vmem>>, vector<1x16xf32>,
      %broadcast_in_dim3A_189 = arith.constant 0.000000e+00 : f32
      %broadcast_in_dim3A_190 = vector.broadcast %broadcast_in_dim3A_189 : f32 to vector<16xf32>
      %swap3A_191 = arith.index_cast %scan3A_155 : i32 to index
      %swap3A_192 = arith.constant 80 : index
      %swap3A_193 = tpu.vector_load %arg8[%swap3A_191, %swap3A_192] {strides = array<i32>} : memref<64x128xf32, #tpu.memory_space<vmem>>, vector<1x16xf32>,
      %swap3A_194 = vector.shape_cast %swap3A_193 : vector<1x16xf32> to vector<16xf32>
      %swap3A_195 = vector.shape_cast %broadcast_in_dim3A_190 : vector<16xf32> to vector<1x16xf32>
      tpu.vector_store %arg8[%swap3A_191, %swap3A_192], %swap3A_195 {strides = array<i32>} : memref<64x128xf32, #tpu.memory_space<vmem>>, vector<1x16xf32>,
      %broadcast_in_dim3A_196 = arith.constant 0.000000e+00 : f32
      %broadcast_in_dim3A_197 = vector.broadcast %broadcast_in_dim3A_196 : f32 to vector<16xf32>
      %swap3A_198 = arith.index_cast %scan3A_155 : i32 to index
      %swap3A_199 = arith.constant 96 : index
      %swap3A_200 = tpu.vector_load %arg8[%swap3A_198, %swap3A_199] {strides = array<i32>} : memref<64x128xf32, #tpu.memory_space<vmem>>, vector<1x16xf32>,
      %swap3A_201 = vector.shape_cast %swap3A_200 : vector<1x16xf32> to vector<16xf32>
      %swap3A_202 = vector.shape_cast %broadcast_in_dim3A_197 : vector<16xf32> to vector<1x16xf32>
      tpu.vector_store %arg8[%swap3A_198, %swap3A_199], %swap3A_202 {strides = array<i32>} : memref<64x128xf32, #tpu.memory_space<vmem>>, vector<1x16xf32>,
      %broadcast_in_dim3A_203 = arith.constant 0.000000e+00 : f32
      %broadcast_in_dim3A_204 = vector.broadcast %broadcast_in_dim3A_203 : f32 to vector<16xf32>
      %swap3A_205 = arith.index_cast %scan3A_155 : i32 to index
      %swap3A_206 = arith.constant 112 : index
      %swap3A_207 = tpu.vector_load %arg8[%swap3A_205, %swap3A_206] {strides = array<i32>} : memref<64x128xf32, #tpu.memory_space<vmem>>, vector<1x16xf32>,
      %swap3A_208 = vector.shape_cast %swap3A_207 : vector<1x16xf32> to vector<16xf32>
      %swap3A_209 = vector.shape_cast %broadcast_in_dim3A_204 : vector<16xf32> to vector<1x16xf32>
      tpu.vector_store %arg8[%swap3A_205, %swap3A_206], %swap3A_209 {strides = array<i32>} : memref<64x128xf32, #tpu.memory_space<vmem>>, vector<1x16xf32>,
    }
    %scan3A_5 = arith.constant 64 : i32
    %mul3A_6 = arith.constant 640 : i32
    %mul3A_7 = arith.muli %arg1, %mul3A_6 : i32
    %add3A_8 = arith.constant 0 : i32
    %add3A_9 = arith.addi %mul3A_7, %add3A_8 : i32
    "tpu.region"() ({
      %run_scoped3A = tpu.sem_alloc : memref<!tpu.dma_semaphore, #tpu.memory_space<semaphore_mem>>
      %dma_start3A_155 = arith.constant 0 : i32
      %dma_start3A_156 = tpu.memref_slice %arg12[%add3A_9, %dma_start3A_155] : memref<10240x128xf32, #tpu.memory_space<vmem_shared>> -> memref<64x128xf32, #tpu.memory_space<vmem_shared>>
      %dma_start3A_157 = arith.constant 0 : i32
      %dma_start3A_158 = tpu.memref_slice %arg12[%add3A_9, %dma_start3A_157] : memref<10240x128xf32, #tpu.memory_space<vmem_shared>> -> memref<64x128xf32, #tpu.memory_space<vmem_shared>>
      tpu.enqueue_dma source(%arg8 : memref<64x128xf32, #tpu.memory_space<vmem>>) target(%dma_start3A_158 : memref<64x128xf32, #tpu.memory_space<vmem_shared>>) target_semaphore(%run_scoped3A : memref<!tpu.dma_semaphore, #tpu.memory_space<semaphore_mem>>)
      %dma_wait3A = arith.constant 0 : i32
      %dma_wait3A_159 = tpu.memref_slice %arg12[%add3A_9, %dma_wait3A] : memref<10240x128xf32, #tpu.memory_space<vmem_shared>> -> memref<64x128xf32, #tpu.memory_space<vmem_shared>>
      %dma_wait3A_160 = arith.constant 0 : i32
      %dma_wait3A_161 = tpu.memref_slice %arg12[%add3A_9, %dma_wait3A_160] : memref<10240x128xf32, #tpu.memory_space<vmem_shared>> -> memref<64x128xf32, #tpu.memory_space<vmem_shared>>
      tpu.wait_dma2 semaphore(%run_scoped3A : memref<!tpu.dma_semaphore, #tpu.memory_space<semaphore_mem>>) src(%arg8 : memref<64x128xf32, #tpu.memory_space<vmem>>) dst(%dma_wait3A_161 : memref<64x128xf32, #tpu.memory_space<vmem_shared>>)
      tpu.yield
    }) : () -> ()
    %add3A_10 = arith.constant 64 : i32
    %add3A_11 = arith.addi %mul3A_7, %add3A_10 : i32
    "tpu.region"() ({
      %run_scoped3A = tpu.sem_alloc : memref<!tpu.dma_semaphore, #tpu.memory_space<semaphore_mem>>
      %dma_start3A_155 = arith.constant 0 : i32
      %dma_start3A_156 = tpu.memref_slice %arg12[%add3A_11, %dma_start3A_155] : memref<10240x128xf32, #tpu.memory_space<vmem_shared>> -> memref<64x128xf32, #tpu.memory_space<vmem_shared>>
      %dma_start3A_157 = arith.constant 0 : i32
      %dma_start3A_158 = tpu.memref_slice %arg12[%add3A_11, %dma_start3A_157] : memref<10240x128xf32, #tpu.memory_space<vmem_shared>> -> memref<64x128xf32, #tpu.memory_space<vmem_shared>>
      tpu.enqueue_dma source(%arg8 : memref<64x128xf32, #tpu.memory_space<vmem>>) target(%dma_start3A_158 : memref<64x128xf32, #tpu.memory_space<vmem_shared>>) target_semaphore(%run_scoped3A : memref<!tpu.dma_semaphore, #tpu.memory_space<semaphore_mem>>)
      %dma_wait3A = arith.constant 0 : i32
      %dma_wait3A_159 = tpu.memref_slice %arg12[%add3A_11, %dma_wait3A] : memref<10240x128xf32, #tpu.memory_space<vmem_shared>> -> memref<64x128xf32, #tpu.memory_space<vmem_shared>>
      %dma_wait3A_160 = arith.constant 0 : i32
      %dma_wait3A_161 = tpu.memref_slice %arg12[%add3A_11, %dma_wait3A_160] : memref<10240x128xf32, #tpu.memory_space<vmem_shared>> -> memref<64x128xf32, #tpu.memory_space<vmem_shared>>
      tpu.wait_dma2 semaphore(%run_scoped3A : memref<!tpu.dma_semaphore, #tpu.memory_space<semaphore_mem>>) src(%arg8 : memref<64x128xf32, #tpu.memory_space<vmem>>) dst(%dma_wait3A_161 : memref<64x128xf32, #tpu.memory_space<vmem_shared>>)
      tpu.yield
    }) : () -> ()
    %add3A_12 = arith.constant 128 : i32
    %add3A_13 = arith.addi %mul3A_7, %add3A_12 : i32
    "tpu.region"() ({
      %run_scoped3A = tpu.sem_alloc : memref<!tpu.dma_semaphore, #tpu.memory_space<semaphore_mem>>
      %dma_start3A_155 = arith.constant 0 : i32
      %dma_start3A_156 = tpu.memref_slice %arg12[%add3A_13, %dma_start3A_155] : memref<10240x128xf32, #tpu.memory_space<vmem_shared>> -> memref<64x128xf32, #tpu.memory_space<vmem_shared>>
      %dma_start3A_157 = arith.constant 0 : i32
      %dma_start3A_158 = tpu.memref_slice %arg12[%add3A_13, %dma_start3A_157] : memref<10240x128xf32, #tpu.memory_space<vmem_shared>> -> memref<64x128xf32, #tpu.memory_space<vmem_shared>>
      tpu.enqueue_dma source(%arg8 : memref<64x128xf32, #tpu.memory_space<vmem>>) target(%dma_start3A_158 : memref<64x128xf32, #tpu.memory_space<vmem_shared>>) target_semaphore(%run_scoped3A : memref<!tpu.dma_semaphore, #tpu.memory_space<semaphore_mem>>)
      %dma_wait3A = arith.constant 0 : i32
      %dma_wait3A_159 = tpu.memref_slice %arg12[%add3A_13, %dma_wait3A] : memref<10240x128xf32, #tpu.memory_space<vmem_shared>> -> memref<64x128xf32, #tpu.memory_space<vmem_shared>>
      %dma_wait3A_160 = arith.constant 0 : i32
      %dma_wait3A_161 = tpu.memref_slice %arg12[%add3A_13, %dma_wait3A_160] : memref<10240x128xf32, #tpu.memory_space<vmem_shared>> -> memref<64x128xf32, #tpu.memory_space<vmem_shared>>
      tpu.wait_dma2 semaphore(%run_scoped3A : memref<!tpu.dma_semaphore, #tpu.memory_space<semaphore_mem>>) src(%arg8 : memref<64x128xf32, #tpu.memory_space<vmem>>) dst(%dma_wait3A_161 : memref<64x128xf32, #tpu.memory_space<vmem_shared>>)
      tpu.yield
    }) : () -> ()
    %add3A_14 = arith.constant 192 : i32
    %add3A_15 = arith.addi %mul3A_7, %add3A_14 : i32
    "tpu.region"() ({
      %run_scoped3A = tpu.sem_alloc : memref<!tpu.dma_semaphore, #tpu.memory_space<semaphore_mem>>
      %dma_start3A_155 = arith.constant 0 : i32
      %dma_start3A_156 = tpu.memref_slice %arg12[%add3A_15, %dma_start3A_155] : memref<10240x128xf32, #tpu.memory_space<vmem_shared>> -> memref<64x128xf32, #tpu.memory_space<vmem_shared>>
      %dma_start3A_157 = arith.constant 0 : i32
      %dma_start3A_158 = tpu.memref_slice %arg12[%add3A_15, %dma_start3A_157] : memref<10240x128xf32, #tpu.memory_space<vmem_shared>> -> memref<64x128xf32, #tpu.memory_space<vmem_shared>>
      tpu.enqueue_dma source(%arg8 : memref<64x128xf32, #tpu.memory_space<vmem>>) target(%dma_start3A_158 : memref<64x128xf32, #tpu.memory_space<vmem_shared>>) target_semaphore(%run_scoped3A : memref<!tpu.dma_semaphore, #tpu.memory_space<semaphore_mem>>)
      %dma_wait3A = arith.constant 0 : i32
      %dma_wait3A_159 = tpu.memref_slice %arg12[%add3A_15, %dma_wait3A] : memref<10240x128xf32, #tpu.memory_space<vmem_shared>> -> memref<64x128xf32, #tpu.memory_space<vmem_shared>>
      %dma_wait3A_160 = arith.constant 0 : i32
      %dma_wait3A_161 = tpu.memref_slice %arg12[%add3A_15, %dma_wait3A_160] : memref<10240x128xf32, #tpu.memory_space<vmem_shared>> -> memref<64x128xf32, #tpu.memory_space<vmem_shared>>
      tpu.wait_dma2 semaphore(%run_scoped3A : memref<!tpu.dma_semaphore, #tpu.memory_space<semaphore_mem>>) src(%arg8 : memref<64x128xf32, #tpu.memory_space<vmem>>) dst(%dma_wait3A_161 : memref<64x128xf32, #tpu.memory_space<vmem_shared>>)
      tpu.yield
    }) : () -> ()
    %add3A_16 = arith.constant 256 : i32
    %add3A_17 = arith.addi %mul3A_7, %add3A_16 : i32
    "tpu.region"() ({
      %run_scoped3A = tpu.sem_alloc : memref<!tpu.dma_semaphore, #tpu.memory_space<semaphore_mem>>
      %dma_start3A_155 = arith.constant 0 : i32
      %dma_start3A_156 = tpu.memref_slice %arg12[%add3A_17, %dma_start3A_155] : memref<10240x128xf32, #tpu.memory_space<vmem_shared>> -> memref<64x128xf32, #tpu.memory_space<vmem_shared>>
      %dma_start3A_157 = arith.constant 0 : i32
      %dma_start3A_158 = tpu.memref_slice %arg12[%add3A_17, %dma_start3A_157] : memref<10240x128xf32, #tpu.memory_space<vmem_shared>> -> memref<64x128xf32, #tpu.memory_space<vmem_shared>>
      tpu.enqueue_dma source(%arg8 : memref<64x128xf32, #tpu.memory_space<vmem>>) target(%dma_start3A_158 : memref<64x128xf32, #tpu.memory_space<vmem_shared>>) target_semaphore(%run_scoped3A : memref<!tpu.dma_semaphore, #tpu.memory_space<semaphore_mem>>)
      %dma_wait3A = arith.constant 0 : i32
      %dma_wait3A_159 = tpu.memref_slice %arg12[%add3A_17, %dma_wait3A] : memref<10240x128xf32, #tpu.memory_space<vmem_shared>> -> memref<64x128xf32, #tpu.memory_space<vmem_shared>>
      %dma_wait3A_160 = arith.constant 0 : i32
      %dma_wait3A_161 = tpu.memref_slice %arg12[%add3A_17, %dma_wait3A_160] : memref<10240x128xf32, #tpu.memory_space<vmem_shared>> -> memref<64x128xf32, #tpu.memory_space<vmem_shared>>
      tpu.wait_dma2 semaphore(%run_scoped3A : memref<!tpu.dma_semaphore, #tpu.memory_space<semaphore_mem>>) src(%arg8 : memref<64x128xf32, #tpu.memory_space<vmem>>) dst(%dma_wait3A_161 : memref<64x128xf32, #tpu.memory_space<vmem_shared>>)
      tpu.yield
    }) : () -> ()
    %add3A_18 = arith.constant 320 : i32
    %add3A_19 = arith.addi %mul3A_7, %add3A_18 : i32
    "tpu.region"() ({
      %run_scoped3A = tpu.sem_alloc : memref<!tpu.dma_semaphore, #tpu.memory_space<semaphore_mem>>
      %dma_start3A_155 = arith.constant 0 : i32
      %dma_start3A_156 = tpu.memref_slice %arg12[%add3A_19, %dma_start3A_155] : memref<10240x128xf32, #tpu.memory_space<vmem_shared>> -> memref<64x128xf32, #tpu.memory_space<vmem_shared>>
      %dma_start3A_157 = arith.constant 0 : i32
      %dma_start3A_158 = tpu.memref_slice %arg12[%add3A_19, %dma_start3A_157] : memref<10240x128xf32, #tpu.memory_space<vmem_shared>> -> memref<64x128xf32, #tpu.memory_space<vmem_shared>>
      tpu.enqueue_dma source(%arg8 : memref<64x128xf32, #tpu.memory_space<vmem>>) target(%dma_start3A_158 : memref<64x128xf32, #tpu.memory_space<vmem_shared>>) target_semaphore(%run_scoped3A : memref<!tpu.dma_semaphore, #tpu.memory_space<semaphore_mem>>)
      %dma_wait3A = arith.constant 0 : i32
      %dma_wait3A_159 = tpu.memref_slice %arg12[%add3A_19, %dma_wait3A] : memref<10240x128xf32, #tpu.memory_space<vmem_shared>> -> memref<64x128xf32, #tpu.memory_space<vmem_shared>>
      %dma_wait3A_160 = arith.constant 0 : i32
      %dma_wait3A_161 = tpu.memref_slice %arg12[%add3A_19, %dma_wait3A_160] : memref<10240x128xf32, #tpu.memory_space<vmem_shared>> -> memref<64x128xf32, #tpu.memory_space<vmem_shared>>
      tpu.wait_dma2 semaphore(%run_scoped3A : memref<!tpu.dma_semaphore, #tpu.memory_space<semaphore_mem>>) src(%arg8 : memref<64x128xf32, #tpu.memory_space<vmem>>) dst(%dma_wait3A_161 : memref<64x128xf32, #tpu.memory_space<vmem_shared>>)
      tpu.yield
    }) : () -> ()
    %add3A_20 = arith.constant 384 : i32
    %add3A_21 = arith.addi %mul3A_7, %add3A_20 : i32
    "tpu.region"() ({
      %run_scoped3A = tpu.sem_alloc : memref<!tpu.dma_semaphore, #tpu.memory_space<semaphore_mem>>
      %dma_start3A_155 = arith.constant 0 : i32
      %dma_start3A_156 = tpu.memref_slice %arg12[%add3A_21, %dma_start3A_155] : memref<10240x128xf32, #tpu.memory_space<vmem_shared>> -> memref<64x128xf32, #tpu.memory_space<vmem_shared>>
      %dma_start3A_157 = arith.constant 0 : i32
      %dma_start3A_158 = tpu.memref_slice %arg12[%add3A_21, %dma_start3A_157] : memref<10240x128xf32, #tpu.memory_space<vmem_shared>> -> memref<64x128xf32, #tpu.memory_space<vmem_shared>>
      tpu.enqueue_dma source(%arg8 : memref<64x128xf32, #tpu.memory_space<vmem>>) target(%dma_start3A_158 : memref<64x128xf32, #tpu.memory_space<vmem_shared>>) target_semaphore(%run_scoped3A : memref<!tpu.dma_semaphore, #tpu.memory_space<semaphore_mem>>)
      %dma_wait3A = arith.constant 0 : i32
      %dma_wait3A_159 = tpu.memref_slice %arg12[%add3A_21, %dma_wait3A] : memref<10240x128xf32, #tpu.memory_space<vmem_shared>> -> memref<64x128xf32, #tpu.memory_space<vmem_shared>>
      %dma_wait3A_160 = arith.constant 0 : i32
      %dma_wait3A_161 = tpu.memref_slice %arg12[%add3A_21, %dma_wait3A_160] : memref<10240x128xf32, #tpu.memory_space<vmem_shared>> -> memref<64x128xf32, #tpu.memory_space<vmem_shared>>
      tpu.wait_dma2 semaphore(%run_scoped3A : memref<!tpu.dma_semaphore, #tpu.memory_space<semaphore_mem>>) src(%arg8 : memref<64x128xf32, #tpu.memory_space<vmem>>) dst(%dma_wait3A_161 : memref<64x128xf32, #tpu.memory_space<vmem_shared>>)
      tpu.yield
    }) : () -> ()
    %add3A_22 = arith.constant 448 : i32
    %add3A_23 = arith.addi %mul3A_7, %add3A_22 : i32
    "tpu.region"() ({
      %run_scoped3A = tpu.sem_alloc : memref<!tpu.dma_semaphore, #tpu.memory_space<semaphore_mem>>
      %dma_start3A_155 = arith.constant 0 : i32
      %dma_start3A_156 = tpu.memref_slice %arg12[%add3A_23, %dma_start3A_155] : memref<10240x128xf32, #tpu.memory_space<vmem_shared>> -> memref<64x128xf32, #tpu.memory_space<vmem_shared>>
      %dma_start3A_157 = arith.constant 0 : i32
      %dma_start3A_158 = tpu.memref_slice %arg12[%add3A_23, %dma_start3A_157] : memref<10240x128xf32, #tpu.memory_space<vmem_shared>> -> memref<64x128xf32, #tpu.memory_space<vmem_shared>>
      tpu.enqueue_dma source(%arg8 : memref<64x128xf32, #tpu.memory_space<vmem>>) target(%dma_start3A_158 : memref<64x128xf32, #tpu.memory_space<vmem_shared>>) target_semaphore(%run_scoped3A : memref<!tpu.dma_semaphore, #tpu.memory_space<semaphore_mem>>)
      %dma_wait3A = arith.constant 0 : i32
      %dma_wait3A_159 = tpu.memref_slice %arg12[%add3A_23, %dma_wait3A] : memref<10240x128xf32, #tpu.memory_space<vmem_shared>> -> memref<64x128xf32, #tpu.memory_space<vmem_shared>>
      %dma_wait3A_160 = arith.constant 0 : i32
      %dma_wait3A_161 = tpu.memref_slice %arg12[%add3A_23, %dma_wait3A_160] : memref<10240x128xf32, #tpu.memory_space<vmem_shared>> -> memref<64x128xf32, #tpu.memory_space<vmem_shared>>
      tpu.wait_dma2 semaphore(%run_scoped3A : memref<!tpu.dma_semaphore, #tpu.memory_space<semaphore_mem>>) src(%arg8 : memref<64x128xf32, #tpu.memory_space<vmem>>) dst(%dma_wait3A_161 : memref<64x128xf32, #tpu.memory_space<vmem_shared>>)
      tpu.yield
    }) : () -> ()
    %add3A_24 = arith.constant 512 : i32
    %add3A_25 = arith.addi %mul3A_7, %add3A_24 : i32
    "tpu.region"() ({
      %run_scoped3A = tpu.sem_alloc : memref<!tpu.dma_semaphore, #tpu.memory_space<semaphore_mem>>
      %dma_start3A_155 = arith.constant 0 : i32
      %dma_start3A_156 = tpu.memref_slice %arg12[%add3A_25, %dma_start3A_155] : memref<10240x128xf32, #tpu.memory_space<vmem_shared>> -> memref<64x128xf32, #tpu.memory_space<vmem_shared>>
      %dma_start3A_157 = arith.constant 0 : i32
      %dma_start3A_158 = tpu.memref_slice %arg12[%add3A_25, %dma_start3A_157] : memref<10240x128xf32, #tpu.memory_space<vmem_shared>> -> memref<64x128xf32, #tpu.memory_space<vmem_shared>>
      tpu.enqueue_dma source(%arg8 : memref<64x128xf32, #tpu.memory_space<vmem>>) target(%dma_start3A_158 : memref<64x128xf32, #tpu.memory_space<vmem_shared>>) target_semaphore(%run_scoped3A : memref<!tpu.dma_semaphore, #tpu.memory_space<semaphore_mem>>)
      %dma_wait3A = arith.constant 0 : i32
      %dma_wait3A_159 = tpu.memref_slice %arg12[%add3A_25, %dma_wait3A] : memref<10240x128xf32, #tpu.memory_space<vmem_shared>> -> memref<64x128xf32, #tpu.memory_space<vmem_shared>>
      %dma_wait3A_160 = arith.constant 0 : i32
      %dma_wait3A_161 = tpu.memref_slice %arg12[%add3A_25, %dma_wait3A_160] : memref<10240x128xf32, #tpu.memory_space<vmem_shared>> -> memref<64x128xf32, #tpu.memory_space<vmem_shared>>
      tpu.wait_dma2 semaphore(%run_scoped3A : memref<!tpu.dma_semaphore, #tpu.memory_space<semaphore_mem>>) src(%arg8 : memref<64x128xf32, #tpu.memory_space<vmem>>) dst(%dma_wait3A_161 : memref<64x128xf32, #tpu.memory_space<vmem_shared>>)
      tpu.yield
    }) : () -> ()
    %add3A_26 = arith.constant 576 : i32
    %add3A_27 = arith.addi %mul3A_7, %add3A_26 : i32
    "tpu.region"() ({
      %run_scoped3A = tpu.sem_alloc : memref<!tpu.dma_semaphore, #tpu.memory_space<semaphore_mem>>
      %dma_start3A_155 = arith.constant 0 : i32
      %dma_start3A_156 = tpu.memref_slice %arg12[%add3A_27, %dma_start3A_155] : memref<10240x128xf32, #tpu.memory_space<vmem_shared>> -> memref<64x128xf32, #tpu.memory_space<vmem_shared>>
      %dma_start3A_157 = arith.constant 0 : i32
      %dma_start3A_158 = tpu.memref_slice %arg12[%add3A_27, %dma_start3A_157] : memref<10240x128xf32, #tpu.memory_space<vmem_shared>> -> memref<64x128xf32, #tpu.memory_space<vmem_shared>>
      tpu.enqueue_dma source(%arg8 : memref<64x128xf32, #tpu.memory_space<vmem>>) target(%dma_start3A_158 : memref<64x128xf32, #tpu.memory_space<vmem_shared>>) target_semaphore(%run_scoped3A : memref<!tpu.dma_semaphore, #tpu.memory_space<semaphore_mem>>)
      %dma_wait3A = arith.constant 0 : i32
      %dma_wait3A_159 = tpu.memref_slice %arg12[%add3A_27, %dma_wait3A] : memref<10240x128xf32, #tpu.memory_space<vmem_shared>> -> memref<64x128xf32, #tpu.memory_space<vmem_shared>>
      %dma_wait3A_160 = arith.constant 0 : i32
      %dma_wait3A_161 = tpu.memref_slice %arg12[%add3A_27, %dma_wait3A_160] : memref<10240x128xf32, #tpu.memory_space<vmem_shared>> -> memref<64x128xf32, #tpu.memory_space<vmem_shared>>
      tpu.wait_dma2 semaphore(%run_scoped3A : memref<!tpu.dma_semaphore, #tpu.memory_space<semaphore_mem>>) src(%arg8 : memref<64x128xf32, #tpu.memory_space<vmem>>) dst(%dma_wait3A_161 : memref<64x128xf32, #tpu.memory_space<vmem_shared>>)
      tpu.yield
    }) : () -> ()
    %barrier3A = arith.constant 0 : index
    tpu.barrier barrier_id(%barrier3A)
    %mul3A_28 = arith.constant 160 : i32
    %mul3A_29 = arith.muli %add3A, %mul3A_28 : i32
    %add3A_30 = arith.constant 0 : i32
    %add3A_31 = arith.addi %mul3A_29, %add3A_30 : i32
    "tpu.region"() ({
      %run_scoped3A = tpu.sem_alloc : memref<!tpu.dma_semaphore, #tpu.memory_space<semaphore_mem>>
      %dma_start3A_155 = arith.constant 0 : i32
      %dma_start3A_156 = tpu.memref_slice %arg2[%add3A_31, %dma_start3A_155] : memref<5120x64xi32, #tpu.memory_space<hbm>> -> memref<40x64xi32, #tpu.memory_space<hbm>>
      %dma_start3A_157 = arith.constant 0 : i32
      %dma_start3A_158 = tpu.memref_slice %arg2[%add3A_31, %dma_start3A_157] : memref<5120x64xi32, #tpu.memory_space<hbm>> -> memref<40x64xi32, #tpu.memory_space<hbm>>
      tpu.enqueue_dma source(%dma_start3A_158 : memref<40x64xi32, #tpu.memory_space<hbm>>) target(%arg6 : memref<40x64xi32, #tpu.memory_space<vmem>>) target_semaphore(%run_scoped3A : memref<!tpu.dma_semaphore, #tpu.memory_space<semaphore_mem>>)
      %dma_wait3A = arith.constant 0 : i32
      %dma_wait3A_159 = tpu.memref_slice %arg2[%add3A_31, %dma_wait3A] : memref<5120x64xi32, #tpu.memory_space<hbm>> -> memref<40x64xi32, #tpu.memory_space<hbm>>
      %dma_wait3A_160 = arith.constant 0 : i32
      %dma_wait3A_161 = tpu.memref_slice %arg2[%add3A_31, %dma_wait3A_160] : memref<5120x64xi32, #tpu.memory_space<hbm>> -> memref<40x64xi32, #tpu.memory_space<hbm>>
      tpu.wait_dma2 semaphore(%run_scoped3A : memref<!tpu.dma_semaphore, #tpu.memory_space<semaphore_mem>>) src(%dma_wait3A_161 : memref<40x64xi32, #tpu.memory_space<hbm>>) dst(%arg6 : memref<40x64xi32, #tpu.memory_space<vmem>>)
      tpu.yield
    }) : () -> ()
    "tpu.region"() ({
      %run_scoped3A = tpu.sem_alloc : memref<!tpu.dma_semaphore, #tpu.memory_space<semaphore_mem>>
      %dma_start3A_155 = arith.constant 0 : i32
      %dma_start3A_156 = tpu.memref_slice %arg3[%add3A_31, %dma_start3A_155] : memref<5120x64xi32, #tpu.memory_space<hbm>> -> memref<40x64xi32, #tpu.memory_space<hbm>>
      %dma_start3A_157 = arith.constant 0 : i32
      %dma_start3A_158 = tpu.memref_slice %arg3[%add3A_31, %dma_start3A_157] : memref<5120x64xi32, #tpu.memory_space<hbm>> -> memref<40x64xi32, #tpu.memory_space<hbm>>
      tpu.enqueue_dma source(%dma_start3A_158 : memref<40x64xi32, #tpu.memory_space<hbm>>) target(%arg7 : memref<40x64xi32, #tpu.memory_space<vmem>>) target_semaphore(%run_scoped3A : memref<!tpu.dma_semaphore, #tpu.memory_space<semaphore_mem>>)
      %dma_wait3A = arith.constant 0 : i32
      %dma_wait3A_159 = tpu.memref_slice %arg3[%add3A_31, %dma_wait3A] : memref<5120x64xi32, #tpu.memory_space<hbm>> -> memref<40x64xi32, #tpu.memory_space<hbm>>
      %dma_wait3A_160 = arith.constant 0 : i32
      %dma_wait3A_161 = tpu.memref_slice %arg3[%add3A_31, %dma_wait3A_160] : memref<5120x64xi32, #tpu.memory_space<hbm>> -> memref<40x64xi32, #tpu.memory_space<hbm>>
      tpu.wait_dma2 semaphore(%run_scoped3A : memref<!tpu.dma_semaphore, #tpu.memory_space<semaphore_mem>>) src(%dma_wait3A_161 : memref<40x64xi32, #tpu.memory_space<hbm>>) dst(%arg7 : memref<40x64xi32, #tpu.memory_space<vmem>>)
      tpu.yield
    }) : () -> ()
    %dma_start3A = arith.constant 0 : i32
    %dma_start3A_32 = arith.constant 0 : i32
    %dma_start3A_33 = tpu.memref_slice %arg6[%dma_start3A, %dma_start3A_32] : memref<40x64xi32, #tpu.memory_space<vmem>> -> memref<1x64xi32, #tpu.memory_space<vmem>>
    %dma_start3A_34 = tpu.memref_squeeze %dma_start3A_33 : memref<1x64xi32, #tpu.memory_space<vmem>> -> memref<64xi32, #tpu.memory_space<vmem>>
    %dma_start3A_35 = arith.constant 0 : i32
    %dma_start3A_36 = arith.constant 0 : i32
    %dma_start3A_37 = tpu.memref_slice %arg4[%dma_start3A_35, %dma_start3A_36] : memref<10000x128xf32, #tpu.memory_space<hbm>> -> memref<10000x128xf32, #tpu.memory_space<hbm>>
    tpu.enqueue_indirect_dma source(%dma_start3A_37 : memref<10000x128xf32, #tpu.memory_space<hbm>>) target(%arg8 : memref<64x128xf32, #tpu.memory_space<vmem>>) offsets(%dma_start3A_34 : memref<64xi32, #tpu.memory_space<vmem>>) semaphore(%arg13 : memref<!tpu.dma_semaphore, #tpu.memory_space<semaphore_mem>>)
    %dma_start3A_38 = arith.constant 1 : i32
    %dma_start3A_39 = arith.constant 0 : i32
    %dma_start3A_40 = tpu.memref_slice %arg6[%dma_start3A_38, %dma_start3A_39] : memref<40x64xi32, #tpu.memory_space<vmem>> -> memref<1x64xi32, #tpu.memory_space<vmem>>
    %dma_start3A_41 = tpu.memref_squeeze %dma_start3A_40 : memref<1x64xi32, #tpu.memory_space<vmem>> -> memref<64xi32, #tpu.memory_space<vmem>>
    %dma_start3A_42 = arith.constant 0 : i32
    %dma_start3A_43 = arith.constant 0 : i32
    %dma_start3A_44 = tpu.memref_slice %arg4[%dma_start3A_42, %dma_start3A_43] : memref<10000x128xf32, #tpu.memory_space<hbm>> -> memref<10000x128xf32, #tpu.memory_space<hbm>>
    tpu.enqueue_indirect_dma source(%dma_start3A_44 : memref<10000x128xf32, #tpu.memory_space<hbm>>) target(%arg9 : memref<64x128xf32, #tpu.memory_space<vmem>>) offsets(%dma_start3A_41 : memref<64xi32, #tpu.memory_space<vmem>>) semaphore(%arg14 : memref<!tpu.dma_semaphore, #tpu.memory_space<semaphore_mem>>)
    %dma_start3A_45 = arith.constant 2 : i32
    %dma_start3A_46 = arith.constant 0 : i32
    %dma_start3A_47 = tpu.memref_slice %arg6[%dma_start3A_45, %dma_start3A_46] : memref<40x64xi32, #tpu.memory_space<vmem>> -> memref<1x64xi32, #tpu.memory_space<vmem>>
    %dma_start3A_48 = tpu.memref_squeeze %dma_start3A_47 : memref<1x64xi32, #tpu.memory_space<vmem>> -> memref<64xi32, #tpu.memory_space<vmem>>
    %dma_start3A_49 = arith.constant 0 : i32
    %dma_start3A_50 = arith.constant 0 : i32
    %dma_start3A_51 = tpu.memref_slice %arg4[%dma_start3A_49, %dma_start3A_50] : memref<10000x128xf32, #tpu.memory_space<hbm>> -> memref<10000x128xf32, #tpu.memory_space<hbm>>
    tpu.enqueue_indirect_dma source(%dma_start3A_51 : memref<10000x128xf32, #tpu.memory_space<hbm>>) target(%arg10 : memref<64x128xf32, #tpu.memory_space<vmem>>) offsets(%dma_start3A_48 : memref<64xi32, #tpu.memory_space<vmem>>) semaphore(%arg15 : memref<!tpu.dma_semaphore, #tpu.memory_space<semaphore_mem>>)
    %scan3A_52 = arith.constant 0 : i32
    %scan3A_53 = arith.constant 0 : i32
    %scan3A_54 = arith.constant 10 : i32
    %scan3A_55 = arith.addi %scan3A_53, %scan3A_54 : i32
    %scan3A_56 = arith.constant 1 : i32
    scf.for %scan3A_155 = %scan3A_53 to %scan3A_55 step %scan3A_56  : i32 {
      %mul3A_156 = arith.constant 4 : i32
      %mul3A_157 = arith.muli %mul3A_156, %scan3A_155 : i32
      %add3A_158 = arith.constant 0 : i32
      %add3A_159 = arith.addi %mul3A_157, %add3A_158 : i32
      %dma_wait3A = arith.constant 0 : i32
      %dma_wait3A_160 = tpu.memref_slice %arg6[%add3A_159, %dma_wait3A] : memref<40x64xi32, #tpu.memory_space<vmem>> -> memref<1x64xi32, #tpu.memory_space<vmem>>
      %dma_wait3A_161 = tpu.memref_squeeze %dma_wait3A_160 : memref<1x64xi32, #tpu.memory_space<vmem>> -> memref<64xi32, #tpu.memory_space<vmem>>
      %dma_wait3A_162 = arith.constant 0 : i32
      %dma_wait3A_163 = arith.constant 0 : i32
      %dma_wait3A_164 = tpu.memref_slice %arg4[%dma_wait3A_162, %dma_wait3A_163] : memref<10000x128xf32, #tpu.memory_space<hbm>> -> memref<10000x128xf32, #tpu.memory_space<hbm>>
      tpu.wait_indirect_dma semaphore(%arg13 : memref<!tpu.dma_semaphore, #tpu.memory_space<semaphore_mem>>) src(%dma_wait3A_164 : memref<10000x128xf32, #tpu.memory_space<hbm>>) dst(%arg8 : memref<64x128xf32, #tpu.memory_space<vmem>>)
      %add3A_165 = arith.constant 4 : i32
      %add3A_166 = arith.addi %add3A_159, %add3A_165 : i32
      %sub3A = arith.constant 1 : i32
      %sub3A_167 = arith.subi %add3A_166, %sub3A : i32
      %lt3A = arith.constant 40 : i32
      %lt3A_168 = arith.cmpi slt, %sub3A_167, %lt3A : i32
      %convert_element_type3A = arith.extui %lt3A_168 : i1 to i32
      %cond3A = arith.constant 0 : i32
      %cond3A_169 = arith.cmpi ne, %convert_element_type3A, %cond3A : i32
      scf.if %cond3A_169 {
        %add3A_227 = arith.constant 4 : i32
        %add3A_228 = arith.addi %add3A_159, %add3A_227 : i32
        %sub3A_229 = arith.constant 1 : i32
        %sub3A_230 = arith.subi %add3A_228, %sub3A_229 : i32
        %dma_start3A_231 = arith.constant 0 : i32
        %dma_start3A_232 = tpu.memref_slice %arg6[%sub3A_230, %dma_start3A_231] : memref<40x64xi32, #tpu.memory_space<vmem>> -> memref<1x64xi32, #tpu.memory_space<vmem>>
        %dma_start3A_233 = tpu.memref_squeeze %dma_start3A_232 : memref<1x64xi32, #tpu.memory_space<vmem>> -> memref<64xi32, #tpu.memory_space<vmem>>
        %dma_start3A_234 = arith.constant 0 : i32
        %dma_start3A_235 = arith.constant 0 : i32
        %dma_start3A_236 = tpu.memref_slice %arg4[%dma_start3A_234, %dma_start3A_235] : memref<10000x128xf32, #tpu.memory_space<hbm>> -> memref<10000x128xf32, #tpu.memory_space<hbm>>
        tpu.enqueue_indirect_dma source(%dma_start3A_236 : memref<10000x128xf32, #tpu.memory_space<hbm>>) target(%arg11 : memref<64x128xf32, #tpu.memory_space<vmem>>) offsets(%dma_start3A_233 : memref<64xi32, #tpu.memory_space<vmem>>) semaphore(%arg16 : memref<!tpu.dma_semaphore, #tpu.memory_space<semaphore_mem>>)
      } else {
      }
      "tpu.region"() ({
        %run_scoped3A = tpu.sem_alloc : memref<!tpu.dma_semaphore, #tpu.memory_space<semaphore_mem>>
        %dma_start3A_227 = arith.constant 0 : i32
        %dma_start3A_228 = tpu.memref_slice %arg7[%add3A_159, %dma_start3A_227] : memref<40x64xi32, #tpu.memory_space<vmem>> -> memref<1x64xi32, #tpu.memory_space<vmem>>
        %dma_start3A_229 = tpu.memref_squeeze %dma_start3A_228 : memref<1x64xi32, #tpu.memory_space<vmem>> -> memref<64xi32, #tpu.memory_space<vmem>>
        %dma_start3A_230 = arith.constant 0 : i32
        %dma_start3A_231 = arith.constant 0 : i32
        %dma_start3A_232 = tpu.memref_slice %arg12[%dma_start3A_230, %dma_start3A_231] : memref<10240x128xf32, #tpu.memory_space<vmem_shared>> -> memref<10240x128xf32, #tpu.memory_space<vmem_shared>>
        tpu.enqueue_indirect_dma source(%arg8 : memref<64x128xf32, #tpu.memory_space<vmem>>) target(%dma_start3A_232 : memref<10240x128xf32, #tpu.memory_space<vmem_shared>>) offsets(%dma_start3A_229 : memref<64xi32, #tpu.memory_space<vmem>>) semaphore(%run_scoped3A : memref<!tpu.dma_semaphore, #tpu.memory_space<semaphore_mem>>) {add = true}
        %dma_wait3A_233 = arith.constant 0 : i32
        %dma_wait3A_234 = tpu.memref_slice %arg7[%add3A_159, %dma_wait3A_233] : memref<40x64xi32, #tpu.memory_space<vmem>> -> memref<1x64xi32, #tpu.memory_space<vmem>>
        %dma_wait3A_235 = tpu.memref_squeeze %dma_wait3A_234 : memref<1x64xi32, #tpu.memory_space<vmem>> -> memref<64xi32, #tpu.memory_space<vmem>>
        %dma_wait3A_236 = arith.constant 0 : i32
        %dma_wait3A_237 = arith.constant 0 : i32
        %dma_wait3A_238 = tpu.memref_slice %arg12[%dma_wait3A_236, %dma_wait3A_237] : memref<10240x128xf32, #tpu.memory_space<vmem_shared>> -> memref<10240x128xf32, #tpu.memory_space<vmem_shared>>
        tpu.wait_indirect_dma semaphore(%run_scoped3A : memref<!tpu.dma_semaphore, #tpu.memory_space<semaphore_mem>>) src(%arg8 : memref<64x128xf32, #tpu.memory_space<vmem>>) dst(%dma_wait3A_238 : memref<10240x128xf32, #tpu.memory_space<vmem_shared>>)
        tpu.yield
      }) : () -> ()
      %mul3A_170 = arith.constant 4 : i32
      %mul3A_171 = arith.muli %mul3A_170, %scan3A_155 : i32
      %add3A_172 = arith.constant 1 : i32
      %add3A_173 = arith.addi %mul3A_171, %add3A_172 : i32
      %dma_wait3A_174 = arith.constant 0 : i32
      %dma_wait3A_175 = tpu.memref_slice %arg6[%add3A_173, %dma_wait3A_174] : memref<40x64xi32, #tpu.memory_space<vmem>> -> memref<1x64xi32, #tpu.memory_space<vmem>>
      %dma_wait3A_176 = tpu.memref_squeeze %dma_wait3A_175 : memref<1x64xi32, #tpu.memory_space<vmem>> -> memref<64xi32, #tpu.memory_space<vmem>>
      %dma_wait3A_177 = arith.constant 0 : i32
      %dma_wait3A_178 = arith.constant 0 : i32
      %dma_wait3A_179 = tpu.memref_slice %arg4[%dma_wait3A_177, %dma_wait3A_178] : memref<10000x128xf32, #tpu.memory_space<hbm>> -> memref<10000x128xf32, #tpu.memory_space<hbm>>
      tpu.wait_indirect_dma semaphore(%arg14 : memref<!tpu.dma_semaphore, #tpu.memory_space<semaphore_mem>>) src(%dma_wait3A_179 : memref<10000x128xf32, #tpu.memory_space<hbm>>) dst(%arg9 : memref<64x128xf32, #tpu.memory_space<vmem>>)
      %add3A_180 = arith.constant 4 : i32
      %add3A_181 = arith.addi %add3A_173, %add3A_180 : i32
      %sub3A_182 = arith.constant 1 : i32
      %sub3A_183 = arith.subi %add3A_181, %sub3A_182 : i32
      %lt3A_184 = arith.constant 40 : i32
      %lt3A_185 = arith.cmpi slt, %sub3A_183, %lt3A_184 : i32
      %convert_element_type3A_186 = arith.extui %lt3A_185 : i1 to i32
      %cond3A_187 = arith.constant 0 : i32
      %cond3A_188 = arith.cmpi ne, %convert_element_type3A_186, %cond3A_187 : i32
      scf.if %cond3A_188 {
        %add3A_227 = arith.constant 4 : i32
        %add3A_228 = arith.addi %add3A_173, %add3A_227 : i32
        %sub3A_229 = arith.constant 1 : i32
        %sub3A_230 = arith.subi %add3A_228, %sub3A_229 : i32
        %dma_start3A_231 = arith.constant 0 : i32
        %dma_start3A_232 = tpu.memref_slice %arg6[%sub3A_230, %dma_start3A_231] : memref<40x64xi32, #tpu.memory_space<vmem>> -> memref<1x64xi32, #tpu.memory_space<vmem>>
        %dma_start3A_233 = tpu.memref_squeeze %dma_start3A_232 : memref<1x64xi32, #tpu.memory_space<vmem>> -> memref<64xi32, #tpu.memory_space<vmem>>
        %dma_start3A_234 = arith.constant 0 : i32
        %dma_start3A_235 = arith.constant 0 : i32
        %dma_start3A_236 = tpu.memref_slice %arg4[%dma_start3A_234, %dma_start3A_235] : memref<10000x128xf32, #tpu.memory_space<hbm>> -> memref<10000x128xf32, #tpu.memory_space<hbm>>
        tpu.enqueue_indirect_dma source(%dma_start3A_236 : memref<10000x128xf32, #tpu.memory_space<hbm>>) target(%arg8 : memref<64x128xf32, #tpu.memory_space<vmem>>) offsets(%dma_start3A_233 : memref<64xi32, #tpu.memory_space<vmem>>) semaphore(%arg13 : memref<!tpu.dma_semaphore, #tpu.memory_space<semaphore_mem>>)
      } else {
      }
      "tpu.region"() ({
        %run_scoped3A = tpu.sem_alloc : memref<!tpu.dma_semaphore, #tpu.memory_space<semaphore_mem>>
        %dma_start3A_227 = arith.constant 0 : i32
        %dma_start3A_228 = tpu.memref_slice %arg7[%add3A_173, %dma_start3A_227] : memref<40x64xi32, #tpu.memory_space<vmem>> -> memref<1x64xi32, #tpu.memory_space<vmem>>
        %dma_start3A_229 = tpu.memref_squeeze %dma_start3A_228 : memref<1x64xi32, #tpu.memory_space<vmem>> -> memref<64xi32, #tpu.memory_space<vmem>>
        %dma_start3A_230 = arith.constant 0 : i32
        %dma_start3A_231 = arith.constant 0 : i32
        %dma_start3A_232 = tpu.memref_slice %arg12[%dma_start3A_230, %dma_start3A_231] : memref<10240x128xf32, #tpu.memory_space<vmem_shared>> -> memref<10240x128xf32, #tpu.memory_space<vmem_shared>>
        tpu.enqueue_indirect_dma source(%arg9 : memref<64x128xf32, #tpu.memory_space<vmem>>) target(%dma_start3A_232 : memref<10240x128xf32, #tpu.memory_space<vmem_shared>>) offsets(%dma_start3A_229 : memref<64xi32, #tpu.memory_space<vmem>>) semaphore(%run_scoped3A : memref<!tpu.dma_semaphore, #tpu.memory_space<semaphore_mem>>) {add = true}
        %dma_wait3A_233 = arith.constant 0 : i32
        %dma_wait3A_234 = tpu.memref_slice %arg7[%add3A_173, %dma_wait3A_233] : memref<40x64xi32, #tpu.memory_space<vmem>> -> memref<1x64xi32, #tpu.memory_space<vmem>>
        %dma_wait3A_235 = tpu.memref_squeeze %dma_wait3A_234 : memref<1x64xi32, #tpu.memory_space<vmem>> -> memref<64xi32, #tpu.memory_space<vmem>>
        %dma_wait3A_236 = arith.constant 0 : i32
        %dma_wait3A_237 = arith.constant 0 : i32
        %dma_wait3A_238 = tpu.memref_slice %arg12[%dma_wait3A_236, %dma_wait3A_237] : memref<10240x128xf32, #tpu.memory_space<vmem_shared>> -> memref<10240x128xf32, #tpu.memory_space<vmem_shared>>
        tpu.wait_indirect_dma semaphore(%run_scoped3A : memref<!tpu.dma_semaphore, #tpu.memory_space<semaphore_mem>>) src(%arg9 : memref<64x128xf32, #tpu.memory_space<vmem>>) dst(%dma_wait3A_238 : memref<10240x128xf32, #tpu.memory_space<vmem_shared>>)
        tpu.yield
      }) : () -> ()
      %mul3A_189 = arith.constant 4 : i32
      %mul3A_190 = arith.muli %mul3A_189, %scan3A_155 : i32
      %add3A_191 = arith.constant 2 : i32
      %add3A_192 = arith.addi %mul3A_190, %add3A_191 : i32
      %dma_wait3A_193 = arith.constant 0 : i32
      %dma_wait3A_194 = tpu.memref_slice %arg6[%add3A_192, %dma_wait3A_193] : memref<40x64xi32, #tpu.memory_space<vmem>> -> memref<1x64xi32, #tpu.memory_space<vmem>>
      %dma_wait3A_195 = tpu.memref_squeeze %dma_wait3A_194 : memref<1x64xi32, #tpu.memory_space<vmem>> -> memref<64xi32, #tpu.memory_space<vmem>>
      %dma_wait3A_196 = arith.constant 0 : i32
      %dma_wait3A_197 = arith.constant 0 : i32
      %dma_wait3A_198 = tpu.memref_slice %arg4[%dma_wait3A_196, %dma_wait3A_197] : memref<10000x128xf32, #tpu.memory_space<hbm>> -> memref<10000x128xf32, #tpu.memory_space<hbm>>
      tpu.wait_indirect_dma semaphore(%arg15 : memref<!tpu.dma_semaphore, #tpu.memory_space<semaphore_mem>>) src(%dma_wait3A_198 : memref<10000x128xf32, #tpu.memory_space<hbm>>) dst(%arg10 : memref<64x128xf32, #tpu.memory_space<vmem>>)
      %add3A_199 = arith.constant 4 : i32
      %add3A_200 = arith.addi %add3A_192, %add3A_199 : i32
      %sub3A_201 = arith.constant 1 : i32
      %sub3A_202 = arith.subi %add3A_200, %sub3A_201 : i32
      %lt3A_203 = arith.constant 40 : i32
      %lt3A_204 = arith.cmpi slt, %sub3A_202, %lt3A_203 : i32
      %convert_element_type3A_205 = arith.extui %lt3A_204 : i1 to i32
      %cond3A_206 = arith.constant 0 : i32
      %cond3A_207 = arith.cmpi ne, %convert_element_type3A_205, %cond3A_206 : i32
      scf.if %cond3A_207 {
        %add3A_227 = arith.constant 4 : i32
        %add3A_228 = arith.addi %add3A_192, %add3A_227 : i32
        %sub3A_229 = arith.constant 1 : i32
        %sub3A_230 = arith.subi %add3A_228, %sub3A_229 : i32
        %dma_start3A_231 = arith.constant 0 : i32
        %dma_start3A_232 = tpu.memref_slice %arg6[%sub3A_230, %dma_start3A_231] : memref<40x64xi32, #tpu.memory_space<vmem>> -> memref<1x64xi32, #tpu.memory_space<vmem>>
        %dma_start3A_233 = tpu.memref_squeeze %dma_start3A_232 : memref<1x64xi32, #tpu.memory_space<vmem>> -> memref<64xi32, #tpu.memory_space<vmem>>
        %dma_start3A_234 = arith.constant 0 : i32
        %dma_start3A_235 = arith.constant 0 : i32
        %dma_start3A_236 = tpu.memref_slice %arg4[%dma_start3A_234, %dma_start3A_235] : memref<10000x128xf32, #tpu.memory_space<hbm>> -> memref<10000x128xf32, #tpu.memory_space<hbm>>
        tpu.enqueue_indirect_dma source(%dma_start3A_236 : memref<10000x128xf32, #tpu.memory_space<hbm>>) target(%arg9 : memref<64x128xf32, #tpu.memory_space<vmem>>) offsets(%dma_start3A_233 : memref<64xi32, #tpu.memory_space<vmem>>) semaphore(%arg14 : memref<!tpu.dma_semaphore, #tpu.memory_space<semaphore_mem>>)
      } else {
      }
      "tpu.region"() ({
        %run_scoped3A = tpu.sem_alloc : memref<!tpu.dma_semaphore, #tpu.memory_space<semaphore_mem>>
        %dma_start3A_227 = arith.constant 0 : i32
        %dma_start3A_228 = tpu.memref_slice %arg7[%add3A_192, %dma_start3A_227] : memref<40x64xi32, #tpu.memory_space<vmem>> -> memref<1x64xi32, #tpu.memory_space<vmem>>
        %dma_start3A_229 = tpu.memref_squeeze %dma_start3A_228 : memref<1x64xi32, #tpu.memory_space<vmem>> -> memref<64xi32, #tpu.memory_space<vmem>>
        %dma_start3A_230 = arith.constant 0 : i32
        %dma_start3A_231 = arith.constant 0 : i32
        %dma_start3A_232 = tpu.memref_slice %arg12[%dma_start3A_230, %dma_start3A_231] : memref<10240x128xf32, #tpu.memory_space<vmem_shared>> -> memref<10240x128xf32, #tpu.memory_space<vmem_shared>>
        tpu.enqueue_indirect_dma source(%arg10 : memref<64x128xf32, #tpu.memory_space<vmem>>) target(%dma_start3A_232 : memref<10240x128xf32, #tpu.memory_space<vmem_shared>>) offsets(%dma_start3A_229 : memref<64xi32, #tpu.memory_space<vmem>>) semaphore(%run_scoped3A : memref<!tpu.dma_semaphore, #tpu.memory_space<semaphore_mem>>) {add = true}
        %dma_wait3A_233 = arith.constant 0 : i32
        %dma_wait3A_234 = tpu.memref_slice %arg7[%add3A_192, %dma_wait3A_233] : memref<40x64xi32, #tpu.memory_space<vmem>> -> memref<1x64xi32, #tpu.memory_space<vmem>>
        %dma_wait3A_235 = tpu.memref_squeeze %dma_wait3A_234 : memref<1x64xi32, #tpu.memory_space<vmem>> -> memref<64xi32, #tpu.memory_space<vmem>>
        %dma_wait3A_236 = arith.constant 0 : i32
        %dma_wait3A_237 = arith.constant 0 : i32
        %dma_wait3A_238 = tpu.memref_slice %arg12[%dma_wait3A_236, %dma_wait3A_237] : memref<10240x128xf32, #tpu.memory_space<vmem_shared>> -> memref<10240x128xf32, #tpu.memory_space<vmem_shared>>
        tpu.wait_indirect_dma semaphore(%run_scoped3A : memref<!tpu.dma_semaphore, #tpu.memory_space<semaphore_mem>>) src(%arg10 : memref<64x128xf32, #tpu.memory_space<vmem>>) dst(%dma_wait3A_238 : memref<10240x128xf32, #tpu.memory_space<vmem_shared>>)
        tpu.yield
      }) : () -> ()
      %mul3A_208 = arith.constant 4 : i32
      %mul3A_209 = arith.muli %mul3A_208, %scan3A_155 : i32
      %add3A_210 = arith.constant 3 : i32
      %add3A_211 = arith.addi %mul3A_209, %add3A_210 : i32
      %dma_wait3A_212 = arith.constant 0 : i32
      %dma_wait3A_213 = tpu.memref_slice %arg6[%add3A_211, %dma_wait3A_212] : memref<40x64xi32, #tpu.memory_space<vmem>> -> memref<1x64xi32, #tpu.memory_space<vmem>>
      %dma_wait3A_214 = tpu.memref_squeeze %dma_wait3A_213 : memref<1x64xi32, #tpu.memory_space<vmem>> -> memref<64xi32, #tpu.memory_space<vmem>>
      %dma_wait3A_215 = arith.constant 0 : i32
      %dma_wait3A_216 = arith.constant 0 : i32
      %dma_wait3A_217 = tpu.memref_slice %arg4[%dma_wait3A_215, %dma_wait3A_216] : memref<10000x128xf32, #tpu.memory_space<hbm>> -> memref<10000x128xf32, #tpu.memory_space<hbm>>
      tpu.wait_indirect_dma semaphore(%arg16 : memref<!tpu.dma_semaphore, #tpu.memory_space<semaphore_mem>>) src(%dma_wait3A_217 : memref<10000x128xf32, #tpu.memory_space<hbm>>) dst(%arg11 : memref<64x128xf32, #tpu.memory_space<vmem>>)
      %add3A_218 = arith.constant 4 : i32
      %add3A_219 = arith.addi %add3A_211, %add3A_218 : i32
      %sub3A_220 = arith.constant 1 : i32
      %sub3A_221 = arith.subi %add3A_219, %sub3A_220 : i32
      %lt3A_222 = arith.constant 40 : i32
      %lt3A_223 = arith.cmpi slt, %sub3A_221, %lt3A_222 : i32
      %convert_element_type3A_224 = arith.extui %lt3A_223 : i1 to i32
      %cond3A_225 = arith.constant 0 : i32
      %cond3A_226 = arith.cmpi ne, %convert_element_type3A_224, %cond3A_225 : i32
      scf.if %cond3A_226 {
        %add3A_227 = arith.constant 4 : i32
        %add3A_228 = arith.addi %add3A_211, %add3A_227 : i32
        %sub3A_229 = arith.constant 1 : i32
        %sub3A_230 = arith.subi %add3A_228, %sub3A_229 : i32
        %dma_start3A_231 = arith.constant 0 : i32
        %dma_start3A_232 = tpu.memref_slice %arg6[%sub3A_230, %dma_start3A_231] : memref<40x64xi32, #tpu.memory_space<vmem>> -> memref<1x64xi32, #tpu.memory_space<vmem>>
        %dma_start3A_233 = tpu.memref_squeeze %dma_start3A_232 : memref<1x64xi32, #tpu.memory_space<vmem>> -> memref<64xi32, #tpu.memory_space<vmem>>
        %dma_start3A_234 = arith.constant 0 : i32
        %dma_start3A_235 = arith.constant 0 : i32
        %dma_start3A_236 = tpu.memref_slice %arg4[%dma_start3A_234, %dma_start3A_235] : memref<10000x128xf32, #tpu.memory_space<hbm>> -> memref<10000x128xf32, #tpu.memory_space<hbm>>
        tpu.enqueue_indirect_dma source(%dma_start3A_236 : memref<10000x128xf32, #tpu.memory_space<hbm>>) target(%arg10 : memref<64x128xf32, #tpu.memory_space<vmem>>) offsets(%dma_start3A_233 : memref<64xi32, #tpu.memory_space<vmem>>) semaphore(%arg15 : memref<!tpu.dma_semaphore, #tpu.memory_space<semaphore_mem>>)
      } else {
      }
      "tpu.region"() ({
        %run_scoped3A = tpu.sem_alloc : memref<!tpu.dma_semaphore, #tpu.memory_space<semaphore_mem>>
        %dma_start3A_227 = arith.constant 0 : i32
        %dma_start3A_228 = tpu.memref_slice %arg7[%add3A_211, %dma_start3A_227] : memref<40x64xi32, #tpu.memory_space<vmem>> -> memref<1x64xi32, #tpu.memory_space<vmem>>
        %dma_start3A_229 = tpu.memref_squeeze %dma_start3A_228 : memref<1x64xi32, #tpu.memory_space<vmem>> -> memref<64xi32, #tpu.memory_space<vmem>>
        %dma_start3A_230 = arith.constant 0 : i32
        %dma_start3A_231 = arith.constant 0 : i32
        %dma_start3A_232 = tpu.memref_slice %arg12[%dma_start3A_230, %dma_start3A_231] : memref<10240x128xf32, #tpu.memory_space<vmem_shared>> -> memref<10240x128xf32, #tpu.memory_space<vmem_shared>>
        tpu.enqueue_indirect_dma source(%arg11 : memref<64x128xf32, #tpu.memory_space<vmem>>) target(%dma_start3A_232 : memref<10240x128xf32, #tpu.memory_space<vmem_shared>>) offsets(%dma_start3A_229 : memref<64xi32, #tpu.memory_space<vmem>>) semaphore(%run_scoped3A : memref<!tpu.dma_semaphore, #tpu.memory_space<semaphore_mem>>) {add = true}
        %dma_wait3A_233 = arith.constant 0 : i32
        %dma_wait3A_234 = tpu.memref_slice %arg7[%add3A_211, %dma_wait3A_233] : memref<40x64xi32, #tpu.memory_space<vmem>> -> memref<1x64xi32, #tpu.memory_space<vmem>>
        %dma_wait3A_235 = tpu.memref_squeeze %dma_wait3A_234 : memref<1x64xi32, #tpu.memory_space<vmem>> -> memref<64xi32, #tpu.memory_space<vmem>>
        %dma_wait3A_236 = arith.constant 0 : i32
        %dma_wait3A_237 = arith.constant 0 : i32
        %dma_wait3A_238 = tpu.memref_slice %arg12[%dma_wait3A_236, %dma_wait3A_237] : memref<10240x128xf32, #tpu.memory_space<vmem_shared>> -> memref<10240x128xf32, #tpu.memory_space<vmem_shared>>
        tpu.wait_indirect_dma semaphore(%run_scoped3A : memref<!tpu.dma_semaphore, #tpu.memory_space<semaphore_mem>>) src(%arg11 : memref<64x128xf32, #tpu.memory_space<vmem>>) dst(%dma_wait3A_238 : memref<10240x128xf32, #tpu.memory_space<vmem_shared>>)
        tpu.yield
      }) : () -> ()
    }
    %scan3A_57 = arith.constant 10 : i32
    %mul3A_58 = arith.constant 160 : i32
    %mul3A_59 = arith.muli %add3A, %mul3A_58 : i32
    %add3A_60 = arith.constant 40 : i32
    %add3A_61 = arith.addi %mul3A_59, %add3A_60 : i32
    "tpu.region"() ({
      %run_scoped3A = tpu.sem_alloc : memref<!tpu.dma_semaphore, #tpu.memory_space<semaphore_mem>>
      %dma_start3A_155 = arith.constant 0 : i32
      %dma_start3A_156 = tpu.memref_slice %arg2[%add3A_61, %dma_start3A_155] : memref<5120x64xi32, #tpu.memory_space<hbm>> -> memref<40x64xi32, #tpu.memory_space<hbm>>
      %dma_start3A_157 = arith.constant 0 : i32
      %dma_start3A_158 = tpu.memref_slice %arg2[%add3A_61, %dma_start3A_157] : memref<5120x64xi32, #tpu.memory_space<hbm>> -> memref<40x64xi32, #tpu.memory_space<hbm>>
      tpu.enqueue_dma source(%dma_start3A_158 : memref<40x64xi32, #tpu.memory_space<hbm>>) target(%arg6 : memref<40x64xi32, #tpu.memory_space<vmem>>) target_semaphore(%run_scoped3A : memref<!tpu.dma_semaphore, #tpu.memory_space<semaphore_mem>>)
      %dma_wait3A = arith.constant 0 : i32
      %dma_wait3A_159 = tpu.memref_slice %arg2[%add3A_61, %dma_wait3A] : memref<5120x64xi32, #tpu.memory_space<hbm>> -> memref<40x64xi32, #tpu.memory_space<hbm>>
      %dma_wait3A_160 = arith.constant 0 : i32
      %dma_wait3A_161 = tpu.memref_slice %arg2[%add3A_61, %dma_wait3A_160] : memref<5120x64xi32, #tpu.memory_space<hbm>> -> memref<40x64xi32, #tpu.memory_space<hbm>>
      tpu.wait_dma2 semaphore(%run_scoped3A : memref<!tpu.dma_semaphore, #tpu.memory_space<semaphore_mem>>) src(%dma_wait3A_161 : memref<40x64xi32, #tpu.memory_space<hbm>>) dst(%arg6 : memref<40x64xi32, #tpu.memory_space<vmem>>)
      tpu.yield
    }) : () -> ()
    "tpu.region"() ({
      %run_scoped3A = tpu.sem_alloc : memref<!tpu.dma_semaphore, #tpu.memory_space<semaphore_mem>>
      %dma_start3A_155 = arith.constant 0 : i32
      %dma_start3A_156 = tpu.memref_slice %arg3[%add3A_61, %dma_start3A_155] : memref<5120x64xi32, #tpu.memory_space<hbm>> -> memref<40x64xi32, #tpu.memory_space<hbm>>
      %dma_start3A_157 = arith.constant 0 : i32
      %dma_start3A_158 = tpu.memref_slice %arg3[%add3A_61, %dma_start3A_157] : memref<5120x64xi32, #tpu.memory_space<hbm>> -> memref<40x64xi32, #tpu.memory_space<hbm>>
      tpu.enqueue_dma source(%dma_start3A_158 : memref<40x64xi32, #tpu.memory_space<hbm>>) target(%arg7 : memref<40x64xi32, #tpu.memory_space<vmem>>) target_semaphore(%run_scoped3A : memref<!tpu.dma_semaphore, #tpu.memory_space<semaphore_mem>>)
      %dma_wait3A = arith.constant 0 : i32
      %dma_wait3A_159 = tpu.memref_slice %arg3[%add3A_61, %dma_wait3A] : memref<5120x64xi32, #tpu.memory_space<hbm>> -> memref<40x64xi32, #tpu.memory_space<hbm>>
      %dma_wait3A_160 = arith.constant 0 : i32
      %dma_wait3A_161 = tpu.memref_slice %arg3[%add3A_61, %dma_wait3A_160] : memref<5120x64xi32, #tpu.memory_space<hbm>> -> memref<40x64xi32, #tpu.memory_space<hbm>>
      tpu.wait_dma2 semaphore(%run_scoped3A : memref<!tpu.dma_semaphore, #tpu.memory_space<semaphore_mem>>) src(%dma_wait3A_161 : memref<40x64xi32, #tpu.memory_space<hbm>>) dst(%arg7 : memref<40x64xi32, #tpu.memory_space<vmem>>)
      tpu.yield
    }) : () -> ()
    %dma_start3A_62 = arith.constant 0 : i32
    %dma_start3A_63 = arith.constant 0 : i32
    %dma_start3A_64 = tpu.memref_slice %arg6[%dma_start3A_62, %dma_start3A_63] : memref<40x64xi32, #tpu.memory_space<vmem>> -> memref<1x64xi32, #tpu.memory_space<vmem>>
    %dma_start3A_65 = tpu.memref_squeeze %dma_start3A_64 : memref<1x64xi32, #tpu.memory_space<vmem>> -> memref<64xi32, #tpu.memory_space<vmem>>
    %dma_start3A_66 = arith.constant 0 : i32
    %dma_start3A_67 = arith.constant 0 : i32
    %dma_start3A_68 = tpu.memref_slice %arg4[%dma_start3A_66, %dma_start3A_67] : memref<10000x128xf32, #tpu.memory_space<hbm>> -> memref<10000x128xf32, #tpu.memory_space<hbm>>
    tpu.enqueue_indirect_dma source(%dma_start3A_68 : memref<10000x128xf32, #tpu.memory_space<hbm>>) target(%arg8 : memref<64x128xf32, #tpu.memory_space<vmem>>) offsets(%dma_start3A_65 : memref<64xi32, #tpu.memory_space<vmem>>) semaphore(%arg13 : memref<!tpu.dma_semaphore, #tpu.memory_space<semaphore_mem>>)
    %dma_start3A_69 = arith.constant 1 : i32
    %dma_start3A_70 = arith.constant 0 : i32
    %dma_start3A_71 = tpu.memref_slice %arg6[%dma_start3A_69, %dma_start3A_70] : memref<40x64xi32, #tpu.memory_space<vmem>> -> memref<1x64xi32, #tpu.memory_space<vmem>>
    %dma_start3A_72 = tpu.memref_squeeze %dma_start3A_71 : memref<1x64xi32, #tpu.memory_space<vmem>> -> memref<64xi32, #tpu.memory_space<vmem>>
    %dma_start3A_73 = arith.constant 0 : i32
    %dma_start3A_74 = arith.constant 0 : i32
    %dma_start3A_75 = tpu.memref_slice %arg4[%dma_start3A_73, %dma_start3A_74] : memref<10000x128xf32, #tpu.memory_space<hbm>> -> memref<10000x128xf32, #tpu.memory_space<hbm>>
    tpu.enqueue_indirect_dma source(%dma_start3A_75 : memref<10000x128xf32, #tpu.memory_space<hbm>>) target(%arg9 : memref<64x128xf32, #tpu.memory_space<vmem>>) offsets(%dma_start3A_72 : memref<64xi32, #tpu.memory_space<vmem>>) semaphore(%arg14 : memref<!tpu.dma_semaphore, #tpu.memory_space<semaphore_mem>>)
    %dma_start3A_76 = arith.constant 2 : i32
    %dma_start3A_77 = arith.constant 0 : i32
    %dma_start3A_78 = tpu.memref_slice %arg6[%dma_start3A_76, %dma_start3A_77] : memref<40x64xi32, #tpu.memory_space<vmem>> -> memref<1x64xi32, #tpu.memory_space<vmem>>
    %dma_start3A_79 = tpu.memref_squeeze %dma_start3A_78 : memref<1x64xi32, #tpu.memory_space<vmem>> -> memref<64xi32, #tpu.memory_space<vmem>>
    %dma_start3A_80 = arith.constant 0 : i32
    %dma_start3A_81 = arith.constant 0 : i32
    %dma_start3A_82 = tpu.memref_slice %arg4[%dma_start3A_80, %dma_start3A_81] : memref<10000x128xf32, #tpu.memory_space<hbm>> -> memref<10000x128xf32, #tpu.memory_space<hbm>>
    tpu.enqueue_indirect_dma source(%dma_start3A_82 : memref<10000x128xf32, #tpu.memory_space<hbm>>) target(%arg10 : memref<64x128xf32, #tpu.memory_space<vmem>>) offsets(%dma_start3A_79 : memref<64xi32, #tpu.memory_space<vmem>>) semaphore(%arg15 : memref<!tpu.dma_semaphore, #tpu.memory_space<semaphore_mem>>)
    %scan3A_83 = arith.constant 0 : i32
    %scan3A_84 = arith.constant 0 : i32
    %scan3A_85 = arith.constant 10 : i32
    %scan3A_86 = arith.addi %scan3A_84, %scan3A_85 : i32
    %scan3A_87 = arith.constant 1 : i32
    scf.for %scan3A_155 = %scan3A_84 to %scan3A_86 step %scan3A_87  : i32 {
      %mul3A_156 = arith.constant 4 : i32
      %mul3A_157 = arith.muli %mul3A_156, %scan3A_155 : i32
      %add3A_158 = arith.constant 0 : i32
      %add3A_159 = arith.addi %mul3A_157, %add3A_158 : i32
      %dma_wait3A = arith.constant 0 : i32
      %dma_wait3A_160 = tpu.memref_slice %arg6[%add3A_159, %dma_wait3A] : memref<40x64xi32, #tpu.memory_space<vmem>> -> memref<1x64xi32, #tpu.memory_space<vmem>>
      %dma_wait3A_161 = tpu.memref_squeeze %dma_wait3A_160 : memref<1x64xi32, #tpu.memory_space<vmem>> -> memref<64xi32, #tpu.memory_space<vmem>>
      %dma_wait3A_162 = arith.constant 0 : i32
      %dma_wait3A_163 = arith.constant 0 : i32
      %dma_wait3A_164 = tpu.memref_slice %arg4[%dma_wait3A_162, %dma_wait3A_163] : memref<10000x128xf32, #tpu.memory_space<hbm>> -> memref<10000x128xf32, #tpu.memory_space<hbm>>
      tpu.wait_indirect_dma semaphore(%arg13 : memref<!tpu.dma_semaphore, #tpu.memory_space<semaphore_mem>>) src(%dma_wait3A_164 : memref<10000x128xf32, #tpu.memory_space<hbm>>) dst(%arg8 : memref<64x128xf32, #tpu.memory_space<vmem>>)
      %add3A_165 = arith.constant 4 : i32
      %add3A_166 = arith.addi %add3A_159, %add3A_165 : i32
      %sub3A = arith.constant 1 : i32
      %sub3A_167 = arith.subi %add3A_166, %sub3A : i32
      %lt3A = arith.constant 40 : i32
      %lt3A_168 = arith.cmpi slt, %sub3A_167, %lt3A : i32
      %convert_element_type3A = arith.extui %lt3A_168 : i1 to i32
      %cond3A = arith.constant 0 : i32
      %cond3A_169 = arith.cmpi ne, %convert_element_type3A, %cond3A : i32
      scf.if %cond3A_169 {
        %add3A_227 = arith.constant 4 : i32
        %add3A_228 = arith.addi %add3A_159, %add3A_227 : i32
        %sub3A_229 = arith.constant 1 : i32
        %sub3A_230 = arith.subi %add3A_228, %sub3A_229 : i32
        %dma_start3A_231 = arith.constant 0 : i32
        %dma_start3A_232 = tpu.memref_slice %arg6[%sub3A_230, %dma_start3A_231] : memref<40x64xi32, #tpu.memory_space<vmem>> -> memref<1x64xi32, #tpu.memory_space<vmem>>
        %dma_start3A_233 = tpu.memref_squeeze %dma_start3A_232 : memref<1x64xi32, #tpu.memory_space<vmem>> -> memref<64xi32, #tpu.memory_space<vmem>>
        %dma_start3A_234 = arith.constant 0 : i32
        %dma_start3A_235 = arith.constant 0 : i32
        %dma_start3A_236 = tpu.memref_slice %arg4[%dma_start3A_234, %dma_start3A_235] : memref<10000x128xf32, #tpu.memory_space<hbm>> -> memref<10000x128xf32, #tpu.memory_space<hbm>>
        tpu.enqueue_indirect_dma source(%dma_start3A_236 : memref<10000x128xf32, #tpu.memory_space<hbm>>) target(%arg11 : memref<64x128xf32, #tpu.memory_space<vmem>>) offsets(%dma_start3A_233 : memref<64xi32, #tpu.memory_space<vmem>>) semaphore(%arg16 : memref<!tpu.dma_semaphore, #tpu.memory_space<semaphore_mem>>)
      } else {
      }
      "tpu.region"() ({
        %run_scoped3A = tpu.sem_alloc : memref<!tpu.dma_semaphore, #tpu.memory_space<semaphore_mem>>
        %dma_start3A_227 = arith.constant 0 : i32
        %dma_start3A_228 = tpu.memref_slice %arg7[%add3A_159, %dma_start3A_227] : memref<40x64xi32, #tpu.memory_space<vmem>> -> memref<1x64xi32, #tpu.memory_space<vmem>>
        %dma_start3A_229 = tpu.memref_squeeze %dma_start3A_228 : memref<1x64xi32, #tpu.memory_space<vmem>> -> memref<64xi32, #tpu.memory_space<vmem>>
        %dma_start3A_230 = arith.constant 0 : i32
        %dma_start3A_231 = arith.constant 0 : i32
        %dma_start3A_232 = tpu.memref_slice %arg12[%dma_start3A_230, %dma_start3A_231] : memref<10240x128xf32, #tpu.memory_space<vmem_shared>> -> memref<10240x128xf32, #tpu.memory_space<vmem_shared>>
        tpu.enqueue_indirect_dma source(%arg8 : memref<64x128xf32, #tpu.memory_space<vmem>>) target(%dma_start3A_232 : memref<10240x128xf32, #tpu.memory_space<vmem_shared>>) offsets(%dma_start3A_229 : memref<64xi32, #tpu.memory_space<vmem>>) semaphore(%run_scoped3A : memref<!tpu.dma_semaphore, #tpu.memory_space<semaphore_mem>>) {add = true}
        %dma_wait3A_233 = arith.constant 0 : i32
        %dma_wait3A_234 = tpu.memref_slice %arg7[%add3A_159, %dma_wait3A_233] : memref<40x64xi32, #tpu.memory_space<vmem>> -> memref<1x64xi32, #tpu.memory_space<vmem>>
        %dma_wait3A_235 = tpu.memref_squeeze %dma_wait3A_234 : memref<1x64xi32, #tpu.memory_space<vmem>> -> memref<64xi32, #tpu.memory_space<vmem>>
        %dma_wait3A_236 = arith.constant 0 : i32
        %dma_wait3A_237 = arith.constant 0 : i32
        %dma_wait3A_238 = tpu.memref_slice %arg12[%dma_wait3A_236, %dma_wait3A_237] : memref<10240x128xf32, #tpu.memory_space<vmem_shared>> -> memref<10240x128xf32, #tpu.memory_space<vmem_shared>>
        tpu.wait_indirect_dma semaphore(%run_scoped3A : memref<!tpu.dma_semaphore, #tpu.memory_space<semaphore_mem>>) src(%arg8 : memref<64x128xf32, #tpu.memory_space<vmem>>) dst(%dma_wait3A_238 : memref<10240x128xf32, #tpu.memory_space<vmem_shared>>)
        tpu.yield
      }) : () -> ()
      %mul3A_170 = arith.constant 4 : i32
      %mul3A_171 = arith.muli %mul3A_170, %scan3A_155 : i32
      %add3A_172 = arith.constant 1 : i32
      %add3A_173 = arith.addi %mul3A_171, %add3A_172 : i32
      %dma_wait3A_174 = arith.constant 0 : i32
      %dma_wait3A_175 = tpu.memref_slice %arg6[%add3A_173, %dma_wait3A_174] : memref<40x64xi32, #tpu.memory_space<vmem>> -> memref<1x64xi32, #tpu.memory_space<vmem>>
      %dma_wait3A_176 = tpu.memref_squeeze %dma_wait3A_175 : memref<1x64xi32, #tpu.memory_space<vmem>> -> memref<64xi32, #tpu.memory_space<vmem>>
      %dma_wait3A_177 = arith.constant 0 : i32
      %dma_wait3A_178 = arith.constant 0 : i32
      %dma_wait3A_179 = tpu.memref_slice %arg4[%dma_wait3A_177, %dma_wait3A_178] : memref<10000x128xf32, #tpu.memory_space<hbm>> -> memref<10000x128xf32, #tpu.memory_space<hbm>>
      tpu.wait_indirect_dma semaphore(%arg14 : memref<!tpu.dma_semaphore, #tpu.memory_space<semaphore_mem>>) src(%dma_wait3A_179 : memref<10000x128xf32, #tpu.memory_space<hbm>>) dst(%arg9 : memref<64x128xf32, #tpu.memory_space<vmem>>)
      %add3A_180 = arith.constant 4 : i32
      %add3A_181 = arith.addi %add3A_173, %add3A_180 : i32
      %sub3A_182 = arith.constant 1 : i32
      %sub3A_183 = arith.subi %add3A_181, %sub3A_182 : i32
      %lt3A_184 = arith.constant 40 : i32
      %lt3A_185 = arith.cmpi slt, %sub3A_183, %lt3A_184 : i32
      %convert_element_type3A_186 = arith.extui %lt3A_185 : i1 to i32
      %cond3A_187 = arith.constant 0 : i32
      %cond3A_188 = arith.cmpi ne, %convert_element_type3A_186, %cond3A_187 : i32
      scf.if %cond3A_188 {
        %add3A_227 = arith.constant 4 : i32
        %add3A_228 = arith.addi %add3A_173, %add3A_227 : i32
        %sub3A_229 = arith.constant 1 : i32
        %sub3A_230 = arith.subi %add3A_228, %sub3A_229 : i32
        %dma_start3A_231 = arith.constant 0 : i32
        %dma_start3A_232 = tpu.memref_slice %arg6[%sub3A_230, %dma_start3A_231] : memref<40x64xi32, #tpu.memory_space<vmem>> -> memref<1x64xi32, #tpu.memory_space<vmem>>
        %dma_start3A_233 = tpu.memref_squeeze %dma_start3A_232 : memref<1x64xi32, #tpu.memory_space<vmem>> -> memref<64xi32, #tpu.memory_space<vmem>>
        %dma_start3A_234 = arith.constant 0 : i32
        %dma_start3A_235 = arith.constant 0 : i32
        %dma_start3A_236 = tpu.memref_slice %arg4[%dma_start3A_234, %dma_start3A_235] : memref<10000x128xf32, #tpu.memory_space<hbm>> -> memref<10000x128xf32, #tpu.memory_space<hbm>>
        tpu.enqueue_indirect_dma source(%dma_start3A_236 : memref<10000x128xf32, #tpu.memory_space<hbm>>) target(%arg8 : memref<64x128xf32, #tpu.memory_space<vmem>>) offsets(%dma_start3A_233 : memref<64xi32, #tpu.memory_space<vmem>>) semaphore(%arg13 : memref<!tpu.dma_semaphore, #tpu.memory_space<semaphore_mem>>)
      } else {
      }
      "tpu.region"() ({
        %run_scoped3A = tpu.sem_alloc : memref<!tpu.dma_semaphore, #tpu.memory_space<semaphore_mem>>
        %dma_start3A_227 = arith.constant 0 : i32
        %dma_start3A_228 = tpu.memref_slice %arg7[%add3A_173, %dma_start3A_227] : memref<40x64xi32, #tpu.memory_space<vmem>> -> memref<1x64xi32, #tpu.memory_space<vmem>>
        %dma_start3A_229 = tpu.memref_squeeze %dma_start3A_228 : memref<1x64xi32, #tpu.memory_space<vmem>> -> memref<64xi32, #tpu.memory_space<vmem>>
        %dma_start3A_230 = arith.constant 0 : i32
        %dma_start3A_231 = arith.constant 0 : i32
        %dma_start3A_232 = tpu.memref_slice %arg12[%dma_start3A_230, %dma_start3A_231] : memref<10240x128xf32, #tpu.memory_space<vmem_shared>> -> memref<10240x128xf32, #tpu.memory_space<vmem_shared>>
        tpu.enqueue_indirect_dma source(%arg9 : memref<64x128xf32, #tpu.memory_space<vmem>>) target(%dma_start3A_232 : memref<10240x128xf32, #tpu.memory_space<vmem_shared>>) offsets(%dma_start3A_229 : memref<64xi32, #tpu.memory_space<vmem>>) semaphore(%run_scoped3A : memref<!tpu.dma_semaphore, #tpu.memory_space<semaphore_mem>>) {add = true}
        %dma_wait3A_233 = arith.constant 0 : i32
        %dma_wait3A_234 = tpu.memref_slice %arg7[%add3A_173, %dma_wait3A_233] : memref<40x64xi32, #tpu.memory_space<vmem>> -> memref<1x64xi32, #tpu.memory_space<vmem>>
        %dma_wait3A_235 = tpu.memref_squeeze %dma_wait3A_234 : memref<1x64xi32, #tpu.memory_space<vmem>> -> memref<64xi32, #tpu.memory_space<vmem>>
        %dma_wait3A_236 = arith.constant 0 : i32
        %dma_wait3A_237 = arith.constant 0 : i32
        %dma_wait3A_238 = tpu.memref_slice %arg12[%dma_wait3A_236, %dma_wait3A_237] : memref<10240x128xf32, #tpu.memory_space<vmem_shared>> -> memref<10240x128xf32, #tpu.memory_space<vmem_shared>>
        tpu.wait_indirect_dma semaphore(%run_scoped3A : memref<!tpu.dma_semaphore, #tpu.memory_space<semaphore_mem>>) src(%arg9 : memref<64x128xf32, #tpu.memory_space<vmem>>) dst(%dma_wait3A_238 : memref<10240x128xf32, #tpu.memory_space<vmem_shared>>)
        tpu.yield
      }) : () -> ()
      %mul3A_189 = arith.constant 4 : i32
      %mul3A_190 = arith.muli %mul3A_189, %scan3A_155 : i32
      %add3A_191 = arith.constant 2 : i32
      %add3A_192 = arith.addi %mul3A_190, %add3A_191 : i32
      %dma_wait3A_193 = arith.constant 0 : i32
      %dma_wait3A_194 = tpu.memref_slice %arg6[%add3A_192, %dma_wait3A_193] : memref<40x64xi32, #tpu.memory_space<vmem>> -> memref<1x64xi32, #tpu.memory_space<vmem>>
      %dma_wait3A_195 = tpu.memref_squeeze %dma_wait3A_194 : memref<1x64xi32, #tpu.memory_space<vmem>> -> memref<64xi32, #tpu.memory_space<vmem>>
      %dma_wait3A_196 = arith.constant 0 : i32
      %dma_wait3A_197 = arith.constant 0 : i32
      %dma_wait3A_198 = tpu.memref_slice %arg4[%dma_wait3A_196, %dma_wait3A_197] : memref<10000x128xf32, #tpu.memory_space<hbm>> -> memref<10000x128xf32, #tpu.memory_space<hbm>>
      tpu.wait_indirect_dma semaphore(%arg15 : memref<!tpu.dma_semaphore, #tpu.memory_space<semaphore_mem>>) src(%dma_wait3A_198 : memref<10000x128xf32, #tpu.memory_space<hbm>>) dst(%arg10 : memref<64x128xf32, #tpu.memory_space<vmem>>)
      %add3A_199 = arith.constant 4 : i32
      %add3A_200 = arith.addi %add3A_192, %add3A_199 : i32
      %sub3A_201 = arith.constant 1 : i32
      %sub3A_202 = arith.subi %add3A_200, %sub3A_201 : i32
      %lt3A_203 = arith.constant 40 : i32
      %lt3A_204 = arith.cmpi slt, %sub3A_202, %lt3A_203 : i32
      %convert_element_type3A_205 = arith.extui %lt3A_204 : i1 to i32
      %cond3A_206 = arith.constant 0 : i32
      %cond3A_207 = arith.cmpi ne, %convert_element_type3A_205, %cond3A_206 : i32
      scf.if %cond3A_207 {
        %add3A_227 = arith.constant 4 : i32
        %add3A_228 = arith.addi %add3A_192, %add3A_227 : i32
        %sub3A_229 = arith.constant 1 : i32
        %sub3A_230 = arith.subi %add3A_228, %sub3A_229 : i32
        %dma_start3A_231 = arith.constant 0 : i32
        %dma_start3A_232 = tpu.memref_slice %arg6[%sub3A_230, %dma_start3A_231] : memref<40x64xi32, #tpu.memory_space<vmem>> -> memref<1x64xi32, #tpu.memory_space<vmem>>
        %dma_start3A_233 = tpu.memref_squeeze %dma_start3A_232 : memref<1x64xi32, #tpu.memory_space<vmem>> -> memref<64xi32, #tpu.memory_space<vmem>>
        %dma_start3A_234 = arith.constant 0 : i32
        %dma_start3A_235 = arith.constant 0 : i32
        %dma_start3A_236 = tpu.memref_slice %arg4[%dma_start3A_234, %dma_start3A_235] : memref<10000x128xf32, #tpu.memory_space<hbm>> -> memref<10000x128xf32, #tpu.memory_space<hbm>>
        tpu.enqueue_indirect_dma source(%dma_start3A_236 : memref<10000x128xf32, #tpu.memory_space<hbm>>) target(%arg9 : memref<64x128xf32, #tpu.memory_space<vmem>>) offsets(%dma_start3A_233 : memref<64xi32, #tpu.memory_space<vmem>>) semaphore(%arg14 : memref<!tpu.dma_semaphore, #tpu.memory_space<semaphore_mem>>)
      } else {
      }
      "tpu.region"() ({
        %run_scoped3A = tpu.sem_alloc : memref<!tpu.dma_semaphore, #tpu.memory_space<semaphore_mem>>
        %dma_start3A_227 = arith.constant 0 : i32
        %dma_start3A_228 = tpu.memref_slice %arg7[%add3A_192, %dma_start3A_227] : memref<40x64xi32, #tpu.memory_space<vmem>> -> memref<1x64xi32, #tpu.memory_space<vmem>>
        %dma_start3A_229 = tpu.memref_squeeze %dma_start3A_228 : memref<1x64xi32, #tpu.memory_space<vmem>> -> memref<64xi32, #tpu.memory_space<vmem>>
        %dma_start3A_230 = arith.constant 0 : i32
        %dma_start3A_231 = arith.constant 0 : i32
        %dma_start3A_232 = tpu.memref_slice %arg12[%dma_start3A_230, %dma_start3A_231] : memref<10240x128xf32, #tpu.memory_space<vmem_shared>> -> memref<10240x128xf32, #tpu.memory_space<vmem_shared>>
        tpu.enqueue_indirect_dma source(%arg10 : memref<64x128xf32, #tpu.memory_space<vmem>>) target(%dma_start3A_232 : memref<10240x128xf32, #tpu.memory_space<vmem_shared>>) offsets(%dma_start3A_229 : memref<64xi32, #tpu.memory_space<vmem>>) semaphore(%run_scoped3A : memref<!tpu.dma_semaphore, #tpu.memory_space<semaphore_mem>>) {add = true}
        %dma_wait3A_233 = arith.constant 0 : i32
        %dma_wait3A_234 = tpu.memref_slice %arg7[%add3A_192, %dma_wait3A_233] : memref<40x64xi32, #tpu.memory_space<vmem>> -> memref<1x64xi32, #tpu.memory_space<vmem>>
        %dma_wait3A_235 = tpu.memref_squeeze %dma_wait3A_234 : memref<1x64xi32, #tpu.memory_space<vmem>> -> memref<64xi32, #tpu.memory_space<vmem>>
        %dma_wait3A_236 = arith.constant 0 : i32
        %dma_wait3A_237 = arith.constant 0 : i32
        %dma_wait3A_238 = tpu.memref_slice %arg12[%dma_wait3A_236, %dma_wait3A_237] : memref<10240x128xf32, #tpu.memory_space<vmem_shared>> -> memref<10240x128xf32, #tpu.memory_space<vmem_shared>>
        tpu.wait_indirect_dma semaphore(%run_scoped3A : memref<!tpu.dma_semaphore, #tpu.memory_space<semaphore_mem>>) src(%arg10 : memref<64x128xf32, #tpu.memory_space<vmem>>) dst(%dma_wait3A_238 : memref<10240x128xf32, #tpu.memory_space<vmem_shared>>)
        tpu.yield
      }) : () -> ()
      %mul3A_208 = arith.constant 4 : i32
      %mul3A_209 = arith.muli %mul3A_208, %scan3A_155 : i32
      %add3A_210 = arith.constant 3 : i32
      %add3A_211 = arith.addi %mul3A_209, %add3A_210 : i32
      %dma_wait3A_212 = arith.constant 0 : i32
      %dma_wait3A_213 = tpu.memref_slice %arg6[%add3A_211, %dma_wait3A_212] : memref<40x64xi32, #tpu.memory_space<vmem>> -> memref<1x64xi32, #tpu.memory_space<vmem>>
      %dma_wait3A_214 = tpu.memref_squeeze %dma_wait3A_213 : memref<1x64xi32, #tpu.memory_space<vmem>> -> memref<64xi32, #tpu.memory_space<vmem>>
      %dma_wait3A_215 = arith.constant 0 : i32
      %dma_wait3A_216 = arith.constant 0 : i32
      %dma_wait3A_217 = tpu.memref_slice %arg4[%dma_wait3A_215, %dma_wait3A_216] : memref<10000x128xf32, #tpu.memory_space<hbm>> -> memref<10000x128xf32, #tpu.memory_space<hbm>>
      tpu.wait_indirect_dma semaphore(%arg16 : memref<!tpu.dma_semaphore, #tpu.memory_space<semaphore_mem>>) src(%dma_wait3A_217 : memref<10000x128xf32, #tpu.memory_space<hbm>>) dst(%arg11 : memref<64x128xf32, #tpu.memory_space<vmem>>)
      %add3A_218 = arith.constant 4 : i32
      %add3A_219 = arith.addi %add3A_211, %add3A_218 : i32
      %sub3A_220 = arith.constant 1 : i32
      %sub3A_221 = arith.subi %add3A_219, %sub3A_220 : i32
      %lt3A_222 = arith.constant 40 : i32
      %lt3A_223 = arith.cmpi slt, %sub3A_221, %lt3A_222 : i32
      %convert_element_type3A_224 = arith.extui %lt3A_223 : i1 to i32
      %cond3A_225 = arith.constant 0 : i32
      %cond3A_226 = arith.cmpi ne, %convert_element_type3A_224, %cond3A_225 : i32
      scf.if %cond3A_226 {
        %add3A_227 = arith.constant 4 : i32
        %add3A_228 = arith.addi %add3A_211, %add3A_227 : i32
        %sub3A_229 = arith.constant 1 : i32
        %sub3A_230 = arith.subi %add3A_228, %sub3A_229 : i32
        %dma_start3A_231 = arith.constant 0 : i32
        %dma_start3A_232 = tpu.memref_slice %arg6[%sub3A_230, %dma_start3A_231] : memref<40x64xi32, #tpu.memory_space<vmem>> -> memref<1x64xi32, #tpu.memory_space<vmem>>
        %dma_start3A_233 = tpu.memref_squeeze %dma_start3A_232 : memref<1x64xi32, #tpu.memory_space<vmem>> -> memref<64xi32, #tpu.memory_space<vmem>>
        %dma_start3A_234 = arith.constant 0 : i32
        %dma_start3A_235 = arith.constant 0 : i32
        %dma_start3A_236 = tpu.memref_slice %arg4[%dma_start3A_234, %dma_start3A_235] : memref<10000x128xf32, #tpu.memory_space<hbm>> -> memref<10000x128xf32, #tpu.memory_space<hbm>>
        tpu.enqueue_indirect_dma source(%dma_start3A_236 : memref<10000x128xf32, #tpu.memory_space<hbm>>) target(%arg10 : memref<64x128xf32, #tpu.memory_space<vmem>>) offsets(%dma_start3A_233 : memref<64xi32, #tpu.memory_space<vmem>>) semaphore(%arg15 : memref<!tpu.dma_semaphore, #tpu.memory_space<semaphore_mem>>)
      } else {
      }
      "tpu.region"() ({
        %run_scoped3A = tpu.sem_alloc : memref<!tpu.dma_semaphore, #tpu.memory_space<semaphore_mem>>
        %dma_start3A_227 = arith.constant 0 : i32
        %dma_start3A_228 = tpu.memref_slice %arg7[%add3A_211, %dma_start3A_227] : memref<40x64xi32, #tpu.memory_space<vmem>> -> memref<1x64xi32, #tpu.memory_space<vmem>>
        %dma_start3A_229 = tpu.memref_squeeze %dma_start3A_228 : memref<1x64xi32, #tpu.memory_space<vmem>> -> memref<64xi32, #tpu.memory_space<vmem>>
        %dma_start3A_230 = arith.constant 0 : i32
        %dma_start3A_231 = arith.constant 0 : i32
        %dma_start3A_232 = tpu.memref_slice %arg12[%dma_start3A_230, %dma_start3A_231] : memref<10240x128xf32, #tpu.memory_space<vmem_shared>> -> memref<10240x128xf32, #tpu.memory_space<vmem_shared>>
        tpu.enqueue_indirect_dma source(%arg11 : memref<64x128xf32, #tpu.memory_space<vmem>>) target(%dma_start3A_232 : memref<10240x128xf32, #tpu.memory_space<vmem_shared>>) offsets(%dma_start3A_229 : memref<64xi32, #tpu.memory_space<vmem>>) semaphore(%run_scoped3A : memref<!tpu.dma_semaphore, #tpu.memory_space<semaphore_mem>>) {add = true}
        %dma_wait3A_233 = arith.constant 0 : i32
        %dma_wait3A_234 = tpu.memref_slice %arg7[%add3A_211, %dma_wait3A_233] : memref<40x64xi32, #tpu.memory_space<vmem>> -> memref<1x64xi32, #tpu.memory_space<vmem>>
        %dma_wait3A_235 = tpu.memref_squeeze %dma_wait3A_234 : memref<1x64xi32, #tpu.memory_space<vmem>> -> memref<64xi32, #tpu.memory_space<vmem>>
        %dma_wait3A_236 = arith.constant 0 : i32
        %dma_wait3A_237 = arith.constant 0 : i32
        %dma_wait3A_238 = tpu.memref_slice %arg12[%dma_wait3A_236, %dma_wait3A_237] : memref<10240x128xf32, #tpu.memory_space<vmem_shared>> -> memref<10240x128xf32, #tpu.memory_space<vmem_shared>>
        tpu.wait_indirect_dma semaphore(%run_scoped3A : memref<!tpu.dma_semaphore, #tpu.memory_space<semaphore_mem>>) src(%arg11 : memref<64x128xf32, #tpu.memory_space<vmem>>) dst(%dma_wait3A_238 : memref<10240x128xf32, #tpu.memory_space<vmem_shared>>)
        tpu.yield
      }) : () -> ()
    }
    %scan3A_88 = arith.constant 10 : i32
    %mul3A_89 = arith.constant 160 : i32
    %mul3A_90 = arith.muli %add3A, %mul3A_89 : i32
    %add3A_91 = arith.constant 80 : i32
    %add3A_92 = arith.addi %mul3A_90, %add3A_91 : i32
    "tpu.region"() ({
      %run_scoped3A = tpu.sem_alloc : memref<!tpu.dma_semaphore, #tpu.memory_space<semaphore_mem>>
      %dma_start3A_155 = arith.constant 0 : i32
      %dma_start3A_156 = tpu.memref_slice %arg2[%add3A_92, %dma_start3A_155] : memref<5120x64xi32, #tpu.memory_space<hbm>> -> memref<40x64xi32, #tpu.memory_space<hbm>>
      %dma_start3A_157 = arith.constant 0 : i32
      %dma_start3A_158 = tpu.memref_slice %arg2[%add3A_92, %dma_start3A_157] : memref<5120x64xi32, #tpu.memory_space<hbm>> -> memref<40x64xi32, #tpu.memory_space<hbm>>
      tpu.enqueue_dma source(%dma_start3A_158 : memref<40x64xi32, #tpu.memory_space<hbm>>) target(%arg6 : memref<40x64xi32, #tpu.memory_space<vmem>>) target_semaphore(%run_scoped3A : memref<!tpu.dma_semaphore, #tpu.memory_space<semaphore_mem>>)
      %dma_wait3A = arith.constant 0 : i32
      %dma_wait3A_159 = tpu.memref_slice %arg2[%add3A_92, %dma_wait3A] : memref<5120x64xi32, #tpu.memory_space<hbm>> -> memref<40x64xi32, #tpu.memory_space<hbm>>
      %dma_wait3A_160 = arith.constant 0 : i32
      %dma_wait3A_161 = tpu.memref_slice %arg2[%add3A_92, %dma_wait3A_160] : memref<5120x64xi32, #tpu.memory_space<hbm>> -> memref<40x64xi32, #tpu.memory_space<hbm>>
      tpu.wait_dma2 semaphore(%run_scoped3A : memref<!tpu.dma_semaphore, #tpu.memory_space<semaphore_mem>>) src(%dma_wait3A_161 : memref<40x64xi32, #tpu.memory_space<hbm>>) dst(%arg6 : memref<40x64xi32, #tpu.memory_space<vmem>>)
      tpu.yield
    }) : () -> ()
    "tpu.region"() ({
      %run_scoped3A = tpu.sem_alloc : memref<!tpu.dma_semaphore, #tpu.memory_space<semaphore_mem>>
      %dma_start3A_155 = arith.constant 0 : i32
      %dma_start3A_156 = tpu.memref_slice %arg3[%add3A_92, %dma_start3A_155] : memref<5120x64xi32, #tpu.memory_space<hbm>> -> memref<40x64xi32, #tpu.memory_space<hbm>>
      %dma_start3A_157 = arith.constant 0 : i32
      %dma_start3A_158 = tpu.memref_slice %arg3[%add3A_92, %dma_start3A_157] : memref<5120x64xi32, #tpu.memory_space<hbm>> -> memref<40x64xi32, #tpu.memory_space<hbm>>
      tpu.enqueue_dma source(%dma_start3A_158 : memref<40x64xi32, #tpu.memory_space<hbm>>) target(%arg7 : memref<40x64xi32, #tpu.memory_space<vmem>>) target_semaphore(%run_scoped3A : memref<!tpu.dma_semaphore, #tpu.memory_space<semaphore_mem>>)
      %dma_wait3A = arith.constant 0 : i32
      %dma_wait3A_159 = tpu.memref_slice %arg3[%add3A_92, %dma_wait3A] : memref<5120x64xi32, #tpu.memory_space<hbm>> -> memref<40x64xi32, #tpu.memory_space<hbm>>
      %dma_wait3A_160 = arith.constant 0 : i32
      %dma_wait3A_161 = tpu.memref_slice %arg3[%add3A_92, %dma_wait3A_160] : memref<5120x64xi32, #tpu.memory_space<hbm>> -> memref<40x64xi32, #tpu.memory_space<hbm>>
      tpu.wait_dma2 semaphore(%run_scoped3A : memref<!tpu.dma_semaphore, #tpu.memory_space<semaphore_mem>>) src(%dma_wait3A_161 : memref<40x64xi32, #tpu.memory_space<hbm>>) dst(%arg7 : memref<40x64xi32, #tpu.memory_space<vmem>>)
      tpu.yield
    }) : () -> ()
    %dma_start3A_93 = arith.constant 0 : i32
    %dma_start3A_94 = arith.constant 0 : i32
    %dma_start3A_95 = tpu.memref_slice %arg6[%dma_start3A_93, %dma_start3A_94] : memref<40x64xi32, #tpu.memory_space<vmem>> -> memref<1x64xi32, #tpu.memory_space<vmem>>
    %dma_start3A_96 = tpu.memref_squeeze %dma_start3A_95 : memref<1x64xi32, #tpu.memory_space<vmem>> -> memref<64xi32, #tpu.memory_space<vmem>>
    %dma_start3A_97 = arith.constant 0 : i32
    %dma_start3A_98 = arith.constant 0 : i32
    %dma_start3A_99 = tpu.memref_slice %arg4[%dma_start3A_97, %dma_start3A_98] : memref<10000x128xf32, #tpu.memory_space<hbm>> -> memref<10000x128xf32, #tpu.memory_space<hbm>>
    tpu.enqueue_indirect_dma source(%dma_start3A_99 : memref<10000x128xf32, #tpu.memory_space<hbm>>) target(%arg8 : memref<64x128xf32, #tpu.memory_space<vmem>>) offsets(%dma_start3A_96 : memref<64xi32, #tpu.memory_space<vmem>>) semaphore(%arg13 : memref<!tpu.dma_semaphore, #tpu.memory_space<semaphore_mem>>)
    %dma_start3A_100 = arith.constant 1 : i32
    %dma_start3A_101 = arith.constant 0 : i32
    %dma_start3A_102 = tpu.memref_slice %arg6[%dma_start3A_100, %dma_start3A_101] : memref<40x64xi32, #tpu.memory_space<vmem>> -> memref<1x64xi32, #tpu.memory_space<vmem>>
    %dma_start3A_103 = tpu.memref_squeeze %dma_start3A_102 : memref<1x64xi32, #tpu.memory_space<vmem>> -> memref<64xi32, #tpu.memory_space<vmem>>
    %dma_start3A_104 = arith.constant 0 : i32
    %dma_start3A_105 = arith.constant 0 : i32
    %dma_start3A_106 = tpu.memref_slice %arg4[%dma_start3A_104, %dma_start3A_105] : memref<10000x128xf32, #tpu.memory_space<hbm>> -> memref<10000x128xf32, #tpu.memory_space<hbm>>
    tpu.enqueue_indirect_dma source(%dma_start3A_106 : memref<10000x128xf32, #tpu.memory_space<hbm>>) target(%arg9 : memref<64x128xf32, #tpu.memory_space<vmem>>) offsets(%dma_start3A_103 : memref<64xi32, #tpu.memory_space<vmem>>) semaphore(%arg14 : memref<!tpu.dma_semaphore, #tpu.memory_space<semaphore_mem>>)
    %dma_start3A_107 = arith.constant 2 : i32
    %dma_start3A_108 = arith.constant 0 : i32
    %dma_start3A_109 = tpu.memref_slice %arg6[%dma_start3A_107, %dma_start3A_108] : memref<40x64xi32, #tpu.memory_space<vmem>> -> memref<1x64xi32, #tpu.memory_space<vmem>>
    %dma_start3A_110 = tpu.memref_squeeze %dma_start3A_109 : memref<1x64xi32, #tpu.memory_space<vmem>> -> memref<64xi32, #tpu.memory_space<vmem>>
    %dma_start3A_111 = arith.constant 0 : i32
    %dma_start3A_112 = arith.constant 0 : i32
    %dma_start3A_113 = tpu.memref_slice %arg4[%dma_start3A_111, %dma_start3A_112] : memref<10000x128xf32, #tpu.memory_space<hbm>> -> memref<10000x128xf32, #tpu.memory_space<hbm>>
    tpu.enqueue_indirect_dma source(%dma_start3A_113 : memref<10000x128xf32, #tpu.memory_space<hbm>>) target(%arg10 : memref<64x128xf32, #tpu.memory_space<vmem>>) offsets(%dma_start3A_110 : memref<64xi32, #tpu.memory_space<vmem>>) semaphore(%arg15 : memref<!tpu.dma_semaphore, #tpu.memory_space<semaphore_mem>>)
    %scan3A_114 = arith.constant 0 : i32
    %scan3A_115 = arith.constant 0 : i32
    %scan3A_116 = arith.constant 10 : i32
    %scan3A_117 = arith.addi %scan3A_115, %scan3A_116 : i32
    %scan3A_118 = arith.constant 1 : i32
    scf.for %scan3A_155 = %scan3A_115 to %scan3A_117 step %scan3A_118  : i32 {
      %mul3A_156 = arith.constant 4 : i32
      %mul3A_157 = arith.muli %mul3A_156, %scan3A_155 : i32
      %add3A_158 = arith.constant 0 : i32
      %add3A_159 = arith.addi %mul3A_157, %add3A_158 : i32
      %dma_wait3A = arith.constant 0 : i32
      %dma_wait3A_160 = tpu.memref_slice %arg6[%add3A_159, %dma_wait3A] : memref<40x64xi32, #tpu.memory_space<vmem>> -> memref<1x64xi32, #tpu.memory_space<vmem>>
      %dma_wait3A_161 = tpu.memref_squeeze %dma_wait3A_160 : memref<1x64xi32, #tpu.memory_space<vmem>> -> memref<64xi32, #tpu.memory_space<vmem>>
      %dma_wait3A_162 = arith.constant 0 : i32
      %dma_wait3A_163 = arith.constant 0 : i32
      %dma_wait3A_164 = tpu.memref_slice %arg4[%dma_wait3A_162, %dma_wait3A_163] : memref<10000x128xf32, #tpu.memory_space<hbm>> -> memref<10000x128xf32, #tpu.memory_space<hbm>>
      tpu.wait_indirect_dma semaphore(%arg13 : memref<!tpu.dma_semaphore, #tpu.memory_space<semaphore_mem>>) src(%dma_wait3A_164 : memref<10000x128xf32, #tpu.memory_space<hbm>>) dst(%arg8 : memref<64x128xf32, #tpu.memory_space<vmem>>)
      %add3A_165 = arith.constant 4 : i32
      %add3A_166 = arith.addi %add3A_159, %add3A_165 : i32
      %sub3A = arith.constant 1 : i32
      %sub3A_167 = arith.subi %add3A_166, %sub3A : i32
      %lt3A = arith.constant 40 : i32
      %lt3A_168 = arith.cmpi slt, %sub3A_167, %lt3A : i32
      %convert_element_type3A = arith.extui %lt3A_168 : i1 to i32
      %cond3A = arith.constant 0 : i32
      %cond3A_169 = arith.cmpi ne, %convert_element_type3A, %cond3A : i32
      scf.if %cond3A_169 {
        %add3A_227 = arith.constant 4 : i32
        %add3A_228 = arith.addi %add3A_159, %add3A_227 : i32
        %sub3A_229 = arith.constant 1 : i32
        %sub3A_230 = arith.subi %add3A_228, %sub3A_229 : i32
        %dma_start3A_231 = arith.constant 0 : i32
        %dma_start3A_232 = tpu.memref_slice %arg6[%sub3A_230, %dma_start3A_231] : memref<40x64xi32, #tpu.memory_space<vmem>> -> memref<1x64xi32, #tpu.memory_space<vmem>>
        %dma_start3A_233 = tpu.memref_squeeze %dma_start3A_232 : memref<1x64xi32, #tpu.memory_space<vmem>> -> memref<64xi32, #tpu.memory_space<vmem>>
        %dma_start3A_234 = arith.constant 0 : i32
        %dma_start3A_235 = arith.constant 0 : i32
        %dma_start3A_236 = tpu.memref_slice %arg4[%dma_start3A_234, %dma_start3A_235] : memref<10000x128xf32, #tpu.memory_space<hbm>> -> memref<10000x128xf32, #tpu.memory_space<hbm>>
        tpu.enqueue_indirect_dma source(%dma_start3A_236 : memref<10000x128xf32, #tpu.memory_space<hbm>>) target(%arg11 : memref<64x128xf32, #tpu.memory_space<vmem>>) offsets(%dma_start3A_233 : memref<64xi32, #tpu.memory_space<vmem>>) semaphore(%arg16 : memref<!tpu.dma_semaphore, #tpu.memory_space<semaphore_mem>>)
      } else {
      }
      "tpu.region"() ({
        %run_scoped3A = tpu.sem_alloc : memref<!tpu.dma_semaphore, #tpu.memory_space<semaphore_mem>>
        %dma_start3A_227 = arith.constant 0 : i32
        %dma_start3A_228 = tpu.memref_slice %arg7[%add3A_159, %dma_start3A_227] : memref<40x64xi32, #tpu.memory_space<vmem>> -> memref<1x64xi32, #tpu.memory_space<vmem>>
        %dma_start3A_229 = tpu.memref_squeeze %dma_start3A_228 : memref<1x64xi32, #tpu.memory_space<vmem>> -> memref<64xi32, #tpu.memory_space<vmem>>
        %dma_start3A_230 = arith.constant 0 : i32
        %dma_start3A_231 = arith.constant 0 : i32
        %dma_start3A_232 = tpu.memref_slice %arg12[%dma_start3A_230, %dma_start3A_231] : memref<10240x128xf32, #tpu.memory_space<vmem_shared>> -> memref<10240x128xf32, #tpu.memory_space<vmem_shared>>
        tpu.enqueue_indirect_dma source(%arg8 : memref<64x128xf32, #tpu.memory_space<vmem>>) target(%dma_start3A_232 : memref<10240x128xf32, #tpu.memory_space<vmem_shared>>) offsets(%dma_start3A_229 : memref<64xi32, #tpu.memory_space<vmem>>) semaphore(%run_scoped3A : memref<!tpu.dma_semaphore, #tpu.memory_space<semaphore_mem>>) {add = true}
        %dma_wait3A_233 = arith.constant 0 : i32
        %dma_wait3A_234 = tpu.memref_slice %arg7[%add3A_159, %dma_wait3A_233] : memref<40x64xi32, #tpu.memory_space<vmem>> -> memref<1x64xi32, #tpu.memory_space<vmem>>
        %dma_wait3A_235 = tpu.memref_squeeze %dma_wait3A_234 : memref<1x64xi32, #tpu.memory_space<vmem>> -> memref<64xi32, #tpu.memory_space<vmem>>
        %dma_wait3A_236 = arith.constant 0 : i32
        %dma_wait3A_237 = arith.constant 0 : i32
        %dma_wait3A_238 = tpu.memref_slice %arg12[%dma_wait3A_236, %dma_wait3A_237] : memref<10240x128xf32, #tpu.memory_space<vmem_shared>> -> memref<10240x128xf32, #tpu.memory_space<vmem_shared>>
        tpu.wait_indirect_dma semaphore(%run_scoped3A : memref<!tpu.dma_semaphore, #tpu.memory_space<semaphore_mem>>) src(%arg8 : memref<64x128xf32, #tpu.memory_space<vmem>>) dst(%dma_wait3A_238 : memref<10240x128xf32, #tpu.memory_space<vmem_shared>>)
        tpu.yield
      }) : () -> ()
      %mul3A_170 = arith.constant 4 : i32
      %mul3A_171 = arith.muli %mul3A_170, %scan3A_155 : i32
      %add3A_172 = arith.constant 1 : i32
      %add3A_173 = arith.addi %mul3A_171, %add3A_172 : i32
      %dma_wait3A_174 = arith.constant 0 : i32
      %dma_wait3A_175 = tpu.memref_slice %arg6[%add3A_173, %dma_wait3A_174] : memref<40x64xi32, #tpu.memory_space<vmem>> -> memref<1x64xi32, #tpu.memory_space<vmem>>
      %dma_wait3A_176 = tpu.memref_squeeze %dma_wait3A_175 : memref<1x64xi32, #tpu.memory_space<vmem>> -> memref<64xi32, #tpu.memory_space<vmem>>
      %dma_wait3A_177 = arith.constant 0 : i32
      %dma_wait3A_178 = arith.constant 0 : i32
      %dma_wait3A_179 = tpu.memref_slice %arg4[%dma_wait3A_177, %dma_wait3A_178] : memref<10000x128xf32, #tpu.memory_space<hbm>> -> memref<10000x128xf32, #tpu.memory_space<hbm>>
      tpu.wait_indirect_dma semaphore(%arg14 : memref<!tpu.dma_semaphore, #tpu.memory_space<semaphore_mem>>) src(%dma_wait3A_179 : memref<10000x128xf32, #tpu.memory_space<hbm>>) dst(%arg9 : memref<64x128xf32, #tpu.memory_space<vmem>>)
      %add3A_180 = arith.constant 4 : i32
      %add3A_181 = arith.addi %add3A_173, %add3A_180 : i32
      %sub3A_182 = arith.constant 1 : i32
      %sub3A_183 = arith.subi %add3A_181, %sub3A_182 : i32
      %lt3A_184 = arith.constant 40 : i32
      %lt3A_185 = arith.cmpi slt, %sub3A_183, %lt3A_184 : i32
      %convert_element_type3A_186 = arith.extui %lt3A_185 : i1 to i32
      %cond3A_187 = arith.constant 0 : i32
      %cond3A_188 = arith.cmpi ne, %convert_element_type3A_186, %cond3A_187 : i32
      scf.if %cond3A_188 {
        %add3A_227 = arith.constant 4 : i32
        %add3A_228 = arith.addi %add3A_173, %add3A_227 : i32
        %sub3A_229 = arith.constant 1 : i32
        %sub3A_230 = arith.subi %add3A_228, %sub3A_229 : i32
        %dma_start3A_231 = arith.constant 0 : i32
        %dma_start3A_232 = tpu.memref_slice %arg6[%sub3A_230, %dma_start3A_231] : memref<40x64xi32, #tpu.memory_space<vmem>> -> memref<1x64xi32, #tpu.memory_space<vmem>>
        %dma_start3A_233 = tpu.memref_squeeze %dma_start3A_232 : memref<1x64xi32, #tpu.memory_space<vmem>> -> memref<64xi32, #tpu.memory_space<vmem>>
        %dma_start3A_234 = arith.constant 0 : i32
        %dma_start3A_235 = arith.constant 0 : i32
        %dma_start3A_236 = tpu.memref_slice %arg4[%dma_start3A_234, %dma_start3A_235] : memref<10000x128xf32, #tpu.memory_space<hbm>> -> memref<10000x128xf32, #tpu.memory_space<hbm>>
        tpu.enqueue_indirect_dma source(%dma_start3A_236 : memref<10000x128xf32, #tpu.memory_space<hbm>>) target(%arg8 : memref<64x128xf32, #tpu.memory_space<vmem>>) offsets(%dma_start3A_233 : memref<64xi32, #tpu.memory_space<vmem>>) semaphore(%arg13 : memref<!tpu.dma_semaphore, #tpu.memory_space<semaphore_mem>>)
      } else {
      }
      "tpu.region"() ({
        %run_scoped3A = tpu.sem_alloc : memref<!tpu.dma_semaphore, #tpu.memory_space<semaphore_mem>>
        %dma_start3A_227 = arith.constant 0 : i32
        %dma_start3A_228 = tpu.memref_slice %arg7[%add3A_173, %dma_start3A_227] : memref<40x64xi32, #tpu.memory_space<vmem>> -> memref<1x64xi32, #tpu.memory_space<vmem>>
        %dma_start3A_229 = tpu.memref_squeeze %dma_start3A_228 : memref<1x64xi32, #tpu.memory_space<vmem>> -> memref<64xi32, #tpu.memory_space<vmem>>
        %dma_start3A_230 = arith.constant 0 : i32
        %dma_start3A_231 = arith.constant 0 : i32
        %dma_start3A_232 = tpu.memref_slice %arg12[%dma_start3A_230, %dma_start3A_231] : memref<10240x128xf32, #tpu.memory_space<vmem_shared>> -> memref<10240x128xf32, #tpu.memory_space<vmem_shared>>
        tpu.enqueue_indirect_dma source(%arg9 : memref<64x128xf32, #tpu.memory_space<vmem>>) target(%dma_start3A_232 : memref<10240x128xf32, #tpu.memory_space<vmem_shared>>) offsets(%dma_start3A_229 : memref<64xi32, #tpu.memory_space<vmem>>) semaphore(%run_scoped3A : memref<!tpu.dma_semaphore, #tpu.memory_space<semaphore_mem>>) {add = true}
        %dma_wait3A_233 = arith.constant 0 : i32
        %dma_wait3A_234 = tpu.memref_slice %arg7[%add3A_173, %dma_wait3A_233] : memref<40x64xi32, #tpu.memory_space<vmem>> -> memref<1x64xi32, #tpu.memory_space<vmem>>
        %dma_wait3A_235 = tpu.memref_squeeze %dma_wait3A_234 : memref<1x64xi32, #tpu.memory_space<vmem>> -> memref<64xi32, #tpu.memory_space<vmem>>
        %dma_wait3A_236 = arith.constant 0 : i32
        %dma_wait3A_237 = arith.constant 0 : i32
        %dma_wait3A_238 = tpu.memref_slice %arg12[%dma_wait3A_236, %dma_wait3A_237] : memref<10240x128xf32, #tpu.memory_space<vmem_shared>> -> memref<10240x128xf32, #tpu.memory_space<vmem_shared>>
        tpu.wait_indirect_dma semaphore(%run_scoped3A : memref<!tpu.dma_semaphore, #tpu.memory_space<semaphore_mem>>) src(%arg9 : memref<64x128xf32, #tpu.memory_space<vmem>>) dst(%dma_wait3A_238 : memref<10240x128xf32, #tpu.memory_space<vmem_shared>>)
        tpu.yield
      }) : () -> ()
      %mul3A_189 = arith.constant 4 : i32
      %mul3A_190 = arith.muli %mul3A_189, %scan3A_155 : i32
      %add3A_191 = arith.constant 2 : i32
      %add3A_192 = arith.addi %mul3A_190, %add3A_191 : i32
      %dma_wait3A_193 = arith.constant 0 : i32
      %dma_wait3A_194 = tpu.memref_slice %arg6[%add3A_192, %dma_wait3A_193] : memref<40x64xi32, #tpu.memory_space<vmem>> -> memref<1x64xi32, #tpu.memory_space<vmem>>
      %dma_wait3A_195 = tpu.memref_squeeze %dma_wait3A_194 : memref<1x64xi32, #tpu.memory_space<vmem>> -> memref<64xi32, #tpu.memory_space<vmem>>
      %dma_wait3A_196 = arith.constant 0 : i32
      %dma_wait3A_197 = arith.constant 0 : i32
      %dma_wait3A_198 = tpu.memref_slice %arg4[%dma_wait3A_196, %dma_wait3A_197] : memref<10000x128xf32, #tpu.memory_space<hbm>> -> memref<10000x128xf32, #tpu.memory_space<hbm>>
      tpu.wait_indirect_dma semaphore(%arg15 : memref<!tpu.dma_semaphore, #tpu.memory_space<semaphore_mem>>) src(%dma_wait3A_198 : memref<10000x128xf32, #tpu.memory_space<hbm>>) dst(%arg10 : memref<64x128xf32, #tpu.memory_space<vmem>>)
      %add3A_199 = arith.constant 4 : i32
      %add3A_200 = arith.addi %add3A_192, %add3A_199 : i32
      %sub3A_201 = arith.constant 1 : i32
      %sub3A_202 = arith.subi %add3A_200, %sub3A_201 : i32
      %lt3A_203 = arith.constant 40 : i32
      %lt3A_204 = arith.cmpi slt, %sub3A_202, %lt3A_203 : i32
      %convert_element_type3A_205 = arith.extui %lt3A_204 : i1 to i32
      %cond3A_206 = arith.constant 0 : i32
      %cond3A_207 = arith.cmpi ne, %convert_element_type3A_205, %cond3A_206 : i32
      scf.if %cond3A_207 {
        %add3A_227 = arith.constant 4 : i32
        %add3A_228 = arith.addi %add3A_192, %add3A_227 : i32
        %sub3A_229 = arith.constant 1 : i32
        %sub3A_230 = arith.subi %add3A_228, %sub3A_229 : i32
        %dma_start3A_231 = arith.constant 0 : i32
        %dma_start3A_232 = tpu.memref_slice %arg6[%sub3A_230, %dma_start3A_231] : memref<40x64xi32, #tpu.memory_space<vmem>> -> memref<1x64xi32, #tpu.memory_space<vmem>>
        %dma_start3A_233 = tpu.memref_squeeze %dma_start3A_232 : memref<1x64xi32, #tpu.memory_space<vmem>> -> memref<64xi32, #tpu.memory_space<vmem>>
        %dma_start3A_234 = arith.constant 0 : i32
        %dma_start3A_235 = arith.constant 0 : i32
        %dma_start3A_236 = tpu.memref_slice %arg4[%dma_start3A_234, %dma_start3A_235] : memref<10000x128xf32, #tpu.memory_space<hbm>> -> memref<10000x128xf32, #tpu.memory_space<hbm>>
        tpu.enqueue_indirect_dma source(%dma_start3A_236 : memref<10000x128xf32, #tpu.memory_space<hbm>>) target(%arg9 : memref<64x128xf32, #tpu.memory_space<vmem>>) offsets(%dma_start3A_233 : memref<64xi32, #tpu.memory_space<vmem>>) semaphore(%arg14 : memref<!tpu.dma_semaphore, #tpu.memory_space<semaphore_mem>>)
      } else {
      }
      "tpu.region"() ({
        %run_scoped3A = tpu.sem_alloc : memref<!tpu.dma_semaphore, #tpu.memory_space<semaphore_mem>>
        %dma_start3A_227 = arith.constant 0 : i32
        %dma_start3A_228 = tpu.memref_slice %arg7[%add3A_192, %dma_start3A_227] : memref<40x64xi32, #tpu.memory_space<vmem>> -> memref<1x64xi32, #tpu.memory_space<vmem>>
        %dma_start3A_229 = tpu.memref_squeeze %dma_start3A_228 : memref<1x64xi32, #tpu.memory_space<vmem>> -> memref<64xi32, #tpu.memory_space<vmem>>
        %dma_start3A_230 = arith.constant 0 : i32
        %dma_start3A_231 = arith.constant 0 : i32
        %dma_start3A_232 = tpu.memref_slice %arg12[%dma_start3A_230, %dma_start3A_231] : memref<10240x128xf32, #tpu.memory_space<vmem_shared>> -> memref<10240x128xf32, #tpu.memory_space<vmem_shared>>
        tpu.enqueue_indirect_dma source(%arg10 : memref<64x128xf32, #tpu.memory_space<vmem>>) target(%dma_start3A_232 : memref<10240x128xf32, #tpu.memory_space<vmem_shared>>) offsets(%dma_start3A_229 : memref<64xi32, #tpu.memory_space<vmem>>) semaphore(%run_scoped3A : memref<!tpu.dma_semaphore, #tpu.memory_space<semaphore_mem>>) {add = true}
        %dma_wait3A_233 = arith.constant 0 : i32
        %dma_wait3A_234 = tpu.memref_slice %arg7[%add3A_192, %dma_wait3A_233] : memref<40x64xi32, #tpu.memory_space<vmem>> -> memref<1x64xi32, #tpu.memory_space<vmem>>
        %dma_wait3A_235 = tpu.memref_squeeze %dma_wait3A_234 : memref<1x64xi32, #tpu.memory_space<vmem>> -> memref<64xi32, #tpu.memory_space<vmem>>
        %dma_wait3A_236 = arith.constant 0 : i32
        %dma_wait3A_237 = arith.constant 0 : i32
        %dma_wait3A_238 = tpu.memref_slice %arg12[%dma_wait3A_236, %dma_wait3A_237] : memref<10240x128xf32, #tpu.memory_space<vmem_shared>> -> memref<10240x128xf32, #tpu.memory_space<vmem_shared>>
        tpu.wait_indirect_dma semaphore(%run_scoped3A : memref<!tpu.dma_semaphore, #tpu.memory_space<semaphore_mem>>) src(%arg10 : memref<64x128xf32, #tpu.memory_space<vmem>>) dst(%dma_wait3A_238 : memref<10240x128xf32, #tpu.memory_space<vmem_shared>>)
        tpu.yield
      }) : () -> ()
      %mul3A_208 = arith.constant 4 : i32
      %mul3A_209 = arith.muli %mul3A_208, %scan3A_155 : i32
      %add3A_210 = arith.constant 3 : i32
      %add3A_211 = arith.addi %mul3A_209, %add3A_210 : i32
      %dma_wait3A_212 = arith.constant 0 : i32
      %dma_wait3A_213 = tpu.memref_slice %arg6[%add3A_211, %dma_wait3A_212] : memref<40x64xi32, #tpu.memory_space<vmem>> -> memref<1x64xi32, #tpu.memory_space<vmem>>
      %dma_wait3A_214 = tpu.memref_squeeze %dma_wait3A_213 : memref<1x64xi32, #tpu.memory_space<vmem>> -> memref<64xi32, #tpu.memory_space<vmem>>
      %dma_wait3A_215 = arith.constant 0 : i32
      %dma_wait3A_216 = arith.constant 0 : i32
      %dma_wait3A_217 = tpu.memref_slice %arg4[%dma_wait3A_215, %dma_wait3A_216] : memref<10000x128xf32, #tpu.memory_space<hbm>> -> memref<10000x128xf32, #tpu.memory_space<hbm>>
      tpu.wait_indirect_dma semaphore(%arg16 : memref<!tpu.dma_semaphore, #tpu.memory_space<semaphore_mem>>) src(%dma_wait3A_217 : memref<10000x128xf32, #tpu.memory_space<hbm>>) dst(%arg11 : memref<64x128xf32, #tpu.memory_space<vmem>>)
      %add3A_218 = arith.constant 4 : i32
      %add3A_219 = arith.addi %add3A_211, %add3A_218 : i32
      %sub3A_220 = arith.constant 1 : i32
      %sub3A_221 = arith.subi %add3A_219, %sub3A_220 : i32
      %lt3A_222 = arith.constant 40 : i32
      %lt3A_223 = arith.cmpi slt, %sub3A_221, %lt3A_222 : i32
      %convert_element_type3A_224 = arith.extui %lt3A_223 : i1 to i32
      %cond3A_225 = arith.constant 0 : i32
      %cond3A_226 = arith.cmpi ne, %convert_element_type3A_224, %cond3A_225 : i32
      scf.if %cond3A_226 {
        %add3A_227 = arith.constant 4 : i32
        %add3A_228 = arith.addi %add3A_211, %add3A_227 : i32
        %sub3A_229 = arith.constant 1 : i32
        %sub3A_230 = arith.subi %add3A_228, %sub3A_229 : i32
        %dma_start3A_231 = arith.constant 0 : i32
        %dma_start3A_232 = tpu.memref_slice %arg6[%sub3A_230, %dma_start3A_231] : memref<40x64xi32, #tpu.memory_space<vmem>> -> memref<1x64xi32, #tpu.memory_space<vmem>>
        %dma_start3A_233 = tpu.memref_squeeze %dma_start3A_232 : memref<1x64xi32, #tpu.memory_space<vmem>> -> memref<64xi32, #tpu.memory_space<vmem>>
        %dma_start3A_234 = arith.constant 0 : i32
        %dma_start3A_235 = arith.constant 0 : i32
        %dma_start3A_236 = tpu.memref_slice %arg4[%dma_start3A_234, %dma_start3A_235] : memref<10000x128xf32, #tpu.memory_space<hbm>> -> memref<10000x128xf32, #tpu.memory_space<hbm>>
        tpu.enqueue_indirect_dma source(%dma_start3A_236 : memref<10000x128xf32, #tpu.memory_space<hbm>>) target(%arg10 : memref<64x128xf32, #tpu.memory_space<vmem>>) offsets(%dma_start3A_233 : memref<64xi32, #tpu.memory_space<vmem>>) semaphore(%arg15 : memref<!tpu.dma_semaphore, #tpu.memory_space<semaphore_mem>>)
      } else {
      }
      "tpu.region"() ({
        %run_scoped3A = tpu.sem_alloc : memref<!tpu.dma_semaphore, #tpu.memory_space<semaphore_mem>>
        %dma_start3A_227 = arith.constant 0 : i32
        %dma_start3A_228 = tpu.memref_slice %arg7[%add3A_211, %dma_start3A_227] : memref<40x64xi32, #tpu.memory_space<vmem>> -> memref<1x64xi32, #tpu.memory_space<vmem>>
        %dma_start3A_229 = tpu.memref_squeeze %dma_start3A_228 : memref<1x64xi32, #tpu.memory_space<vmem>> -> memref<64xi32, #tpu.memory_space<vmem>>
        %dma_start3A_230 = arith.constant 0 : i32
        %dma_start3A_231 = arith.constant 0 : i32
        %dma_start3A_232 = tpu.memref_slice %arg12[%dma_start3A_230, %dma_start3A_231] : memref<10240x128xf32, #tpu.memory_space<vmem_shared>> -> memref<10240x128xf32, #tpu.memory_space<vmem_shared>>
        tpu.enqueue_indirect_dma source(%arg11 : memref<64x128xf32, #tpu.memory_space<vmem>>) target(%dma_start3A_232 : memref<10240x128xf32, #tpu.memory_space<vmem_shared>>) offsets(%dma_start3A_229 : memref<64xi32, #tpu.memory_space<vmem>>) semaphore(%run_scoped3A : memref<!tpu.dma_semaphore, #tpu.memory_space<semaphore_mem>>) {add = true}
        %dma_wait3A_233 = arith.constant 0 : i32
        %dma_wait3A_234 = tpu.memref_slice %arg7[%add3A_211, %dma_wait3A_233] : memref<40x64xi32, #tpu.memory_space<vmem>> -> memref<1x64xi32, #tpu.memory_space<vmem>>
        %dma_wait3A_235 = tpu.memref_squeeze %dma_wait3A_234 : memref<1x64xi32, #tpu.memory_space<vmem>> -> memref<64xi32, #tpu.memory_space<vmem>>
        %dma_wait3A_236 = arith.constant 0 : i32
        %dma_wait3A_237 = arith.constant 0 : i32
        %dma_wait3A_238 = tpu.memref_slice %arg12[%dma_wait3A_236, %dma_wait3A_237] : memref<10240x128xf32, #tpu.memory_space<vmem_shared>> -> memref<10240x128xf32, #tpu.memory_space<vmem_shared>>
        tpu.wait_indirect_dma semaphore(%run_scoped3A : memref<!tpu.dma_semaphore, #tpu.memory_space<semaphore_mem>>) src(%arg11 : memref<64x128xf32, #tpu.memory_space<vmem>>) dst(%dma_wait3A_238 : memref<10240x128xf32, #tpu.memory_space<vmem_shared>>)
        tpu.yield
      }) : () -> ()
    }
    %scan3A_119 = arith.constant 10 : i32
    %mul3A_120 = arith.constant 160 : i32
    %mul3A_121 = arith.muli %add3A, %mul3A_120 : i32
    %add3A_122 = arith.constant 120 : i32
    %add3A_123 = arith.addi %mul3A_121, %add3A_122 : i32
    "tpu.region"() ({
      %run_scoped3A = tpu.sem_alloc : memref<!tpu.dma_semaphore, #tpu.memory_space<semaphore_mem>>
      %dma_start3A_155 = arith.constant 0 : i32
      %dma_start3A_156 = tpu.memref_slice %arg2[%add3A_123, %dma_start3A_155] : memref<5120x64xi32, #tpu.memory_space<hbm>> -> memref<40x64xi32, #tpu.memory_space<hbm>>
      %dma_start3A_157 = arith.constant 0 : i32
      %dma_start3A_158 = tpu.memref_slice %arg2[%add3A_123, %dma_start3A_157] : memref<5120x64xi32, #tpu.memory_space<hbm>> -> memref<40x64xi32, #tpu.memory_space<hbm>>
      tpu.enqueue_dma source(%dma_start3A_158 : memref<40x64xi32, #tpu.memory_space<hbm>>) target(%arg6 : memref<40x64xi32, #tpu.memory_space<vmem>>) target_semaphore(%run_scoped3A : memref<!tpu.dma_semaphore, #tpu.memory_space<semaphore_mem>>)
      %dma_wait3A = arith.constant 0 : i32
      %dma_wait3A_159 = tpu.memref_slice %arg2[%add3A_123, %dma_wait3A] : memref<5120x64xi32, #tpu.memory_space<hbm>> -> memref<40x64xi32, #tpu.memory_space<hbm>>
      %dma_wait3A_160 = arith.constant 0 : i32
      %dma_wait3A_161 = tpu.memref_slice %arg2[%add3A_123, %dma_wait3A_160] : memref<5120x64xi32, #tpu.memory_space<hbm>> -> memref<40x64xi32, #tpu.memory_space<hbm>>
      tpu.wait_dma2 semaphore(%run_scoped3A : memref<!tpu.dma_semaphore, #tpu.memory_space<semaphore_mem>>) src(%dma_wait3A_161 : memref<40x64xi32, #tpu.memory_space<hbm>>) dst(%arg6 : memref<40x64xi32, #tpu.memory_space<vmem>>)
      tpu.yield
    }) : () -> ()
    "tpu.region"() ({
      %run_scoped3A = tpu.sem_alloc : memref<!tpu.dma_semaphore, #tpu.memory_space<semaphore_mem>>
      %dma_start3A_155 = arith.constant 0 : i32
      %dma_start3A_156 = tpu.memref_slice %arg3[%add3A_123, %dma_start3A_155] : memref<5120x64xi32, #tpu.memory_space<hbm>> -> memref<40x64xi32, #tpu.memory_space<hbm>>
      %dma_start3A_157 = arith.constant 0 : i32
      %dma_start3A_158 = tpu.memref_slice %arg3[%add3A_123, %dma_start3A_157] : memref<5120x64xi32, #tpu.memory_space<hbm>> -> memref<40x64xi32, #tpu.memory_space<hbm>>
      tpu.enqueue_dma source(%dma_start3A_158 : memref<40x64xi32, #tpu.memory_space<hbm>>) target(%arg7 : memref<40x64xi32, #tpu.memory_space<vmem>>) target_semaphore(%run_scoped3A : memref<!tpu.dma_semaphore, #tpu.memory_space<semaphore_mem>>)
      %dma_wait3A = arith.constant 0 : i32
      %dma_wait3A_159 = tpu.memref_slice %arg3[%add3A_123, %dma_wait3A] : memref<5120x64xi32, #tpu.memory_space<hbm>> -> memref<40x64xi32, #tpu.memory_space<hbm>>
      %dma_wait3A_160 = arith.constant 0 : i32
      %dma_wait3A_161 = tpu.memref_slice %arg3[%add3A_123, %dma_wait3A_160] : memref<5120x64xi32, #tpu.memory_space<hbm>> -> memref<40x64xi32, #tpu.memory_space<hbm>>
      tpu.wait_dma2 semaphore(%run_scoped3A : memref<!tpu.dma_semaphore, #tpu.memory_space<semaphore_mem>>) src(%dma_wait3A_161 : memref<40x64xi32, #tpu.memory_space<hbm>>) dst(%arg7 : memref<40x64xi32, #tpu.memory_space<vmem>>)
      tpu.yield
    }) : () -> ()
    %dma_start3A_124 = arith.constant 0 : i32
    %dma_start3A_125 = arith.constant 0 : i32
    %dma_start3A_126 = tpu.memref_slice %arg6[%dma_start3A_124, %dma_start3A_125] : memref<40x64xi32, #tpu.memory_space<vmem>> -> memref<1x64xi32, #tpu.memory_space<vmem>>
    %dma_start3A_127 = tpu.memref_squeeze %dma_start3A_126 : memref<1x64xi32, #tpu.memory_space<vmem>> -> memref<64xi32, #tpu.memory_space<vmem>>
    %dma_start3A_128 = arith.constant 0 : i32
    %dma_start3A_129 = arith.constant 0 : i32
    %dma_start3A_130 = tpu.memref_slice %arg4[%dma_start3A_128, %dma_start3A_129] : memref<10000x128xf32, #tpu.memory_space<hbm>> -> memref<10000x128xf32, #tpu.memory_space<hbm>>
    tpu.enqueue_indirect_dma source(%dma_start3A_130 : memref<10000x128xf32, #tpu.memory_space<hbm>>) target(%arg8 : memref<64x128xf32, #tpu.memory_space<vmem>>) offsets(%dma_start3A_127 : memref<64xi32, #tpu.memory_space<vmem>>) semaphore(%arg13 : memref<!tpu.dma_semaphore, #tpu.memory_space<semaphore_mem>>)
    %dma_start3A_131 = arith.constant 1 : i32
    %dma_start3A_132 = arith.constant 0 : i32
    %dma_start3A_133 = tpu.memref_slice %arg6[%dma_start3A_131, %dma_start3A_132] : memref<40x64xi32, #tpu.memory_space<vmem>> -> memref<1x64xi32, #tpu.memory_space<vmem>>
    %dma_start3A_134 = tpu.memref_squeeze %dma_start3A_133 : memref<1x64xi32, #tpu.memory_space<vmem>> -> memref<64xi32, #tpu.memory_space<vmem>>
    %dma_start3A_135 = arith.constant 0 : i32
    %dma_start3A_136 = arith.constant 0 : i32
    %dma_start3A_137 = tpu.memref_slice %arg4[%dma_start3A_135, %dma_start3A_136] : memref<10000x128xf32, #tpu.memory_space<hbm>> -> memref<10000x128xf32, #tpu.memory_space<hbm>>
    tpu.enqueue_indirect_dma source(%dma_start3A_137 : memref<10000x128xf32, #tpu.memory_space<hbm>>) target(%arg9 : memref<64x128xf32, #tpu.memory_space<vmem>>) offsets(%dma_start3A_134 : memref<64xi32, #tpu.memory_space<vmem>>) semaphore(%arg14 : memref<!tpu.dma_semaphore, #tpu.memory_space<semaphore_mem>>)
    %dma_start3A_138 = arith.constant 2 : i32
    %dma_start3A_139 = arith.constant 0 : i32
    %dma_start3A_140 = tpu.memref_slice %arg6[%dma_start3A_138, %dma_start3A_139] : memref<40x64xi32, #tpu.memory_space<vmem>> -> memref<1x64xi32, #tpu.memory_space<vmem>>
    %dma_start3A_141 = tpu.memref_squeeze %dma_start3A_140 : memref<1x64xi32, #tpu.memory_space<vmem>> -> memref<64xi32, #tpu.memory_space<vmem>>
    %dma_start3A_142 = arith.constant 0 : i32
    %dma_start3A_143 = arith.constant 0 : i32
    %dma_start3A_144 = tpu.memref_slice %arg4[%dma_start3A_142, %dma_start3A_143] : memref<10000x128xf32, #tpu.memory_space<hbm>> -> memref<10000x128xf32, #tpu.memory_space<hbm>>
    tpu.enqueue_indirect_dma source(%dma_start3A_144 : memref<10000x128xf32, #tpu.memory_space<hbm>>) target(%arg10 : memref<64x128xf32, #tpu.memory_space<vmem>>) offsets(%dma_start3A_141 : memref<64xi32, #tpu.memory_space<vmem>>) semaphore(%arg15 : memref<!tpu.dma_semaphore, #tpu.memory_space<semaphore_mem>>)
    %scan3A_145 = arith.constant 0 : i32
    %scan3A_146 = arith.constant 0 : i32
    %scan3A_147 = arith.constant 10 : i32
    %scan3A_148 = arith.addi %scan3A_146, %scan3A_147 : i32
    %scan3A_149 = arith.constant 1 : i32
    scf.for %scan3A_155 = %scan3A_146 to %scan3A_148 step %scan3A_149  : i32 {
      %mul3A_156 = arith.constant 4 : i32
      %mul3A_157 = arith.muli %mul3A_156, %scan3A_155 : i32
      %add3A_158 = arith.constant 0 : i32
      %add3A_159 = arith.addi %mul3A_157, %add3A_158 : i32
      %dma_wait3A = arith.constant 0 : i32
      %dma_wait3A_160 = tpu.memref_slice %arg6[%add3A_159, %dma_wait3A] : memref<40x64xi32, #tpu.memory_space<vmem>> -> memref<1x64xi32, #tpu.memory_space<vmem>>
      %dma_wait3A_161 = tpu.memref_squeeze %dma_wait3A_160 : memref<1x64xi32, #tpu.memory_space<vmem>> -> memref<64xi32, #tpu.memory_space<vmem>>
      %dma_wait3A_162 = arith.constant 0 : i32
      %dma_wait3A_163 = arith.constant 0 : i32
      %dma_wait3A_164 = tpu.memref_slice %arg4[%dma_wait3A_162, %dma_wait3A_163] : memref<10000x128xf32, #tpu.memory_space<hbm>> -> memref<10000x128xf32, #tpu.memory_space<hbm>>
      tpu.wait_indirect_dma semaphore(%arg13 : memref<!tpu.dma_semaphore, #tpu.memory_space<semaphore_mem>>) src(%dma_wait3A_164 : memref<10000x128xf32, #tpu.memory_space<hbm>>) dst(%arg8 : memref<64x128xf32, #tpu.memory_space<vmem>>)
      %add3A_165 = arith.constant 4 : i32
      %add3A_166 = arith.addi %add3A_159, %add3A_165 : i32
      %sub3A = arith.constant 1 : i32
      %sub3A_167 = arith.subi %add3A_166, %sub3A : i32
      %lt3A = arith.constant 40 : i32
      %lt3A_168 = arith.cmpi slt, %sub3A_167, %lt3A : i32
      %convert_element_type3A = arith.extui %lt3A_168 : i1 to i32
      %cond3A = arith.constant 0 : i32
      %cond3A_169 = arith.cmpi ne, %convert_element_type3A, %cond3A : i32
      scf.if %cond3A_169 {
        %add3A_227 = arith.constant 4 : i32
        %add3A_228 = arith.addi %add3A_159, %add3A_227 : i32
        %sub3A_229 = arith.constant 1 : i32
        %sub3A_230 = arith.subi %add3A_228, %sub3A_229 : i32
        %dma_start3A_231 = arith.constant 0 : i32
        %dma_start3A_232 = tpu.memref_slice %arg6[%sub3A_230, %dma_start3A_231] : memref<40x64xi32, #tpu.memory_space<vmem>> -> memref<1x64xi32, #tpu.memory_space<vmem>>
        %dma_start3A_233 = tpu.memref_squeeze %dma_start3A_232 : memref<1x64xi32, #tpu.memory_space<vmem>> -> memref<64xi32, #tpu.memory_space<vmem>>
        %dma_start3A_234 = arith.constant 0 : i32
        %dma_start3A_235 = arith.constant 0 : i32
        %dma_start3A_236 = tpu.memref_slice %arg4[%dma_start3A_234, %dma_start3A_235] : memref<10000x128xf32, #tpu.memory_space<hbm>> -> memref<10000x128xf32, #tpu.memory_space<hbm>>
        tpu.enqueue_indirect_dma source(%dma_start3A_236 : memref<10000x128xf32, #tpu.memory_space<hbm>>) target(%arg11 : memref<64x128xf32, #tpu.memory_space<vmem>>) offsets(%dma_start3A_233 : memref<64xi32, #tpu.memory_space<vmem>>) semaphore(%arg16 : memref<!tpu.dma_semaphore, #tpu.memory_space<semaphore_mem>>)
      } else {
      }
      "tpu.region"() ({
        %run_scoped3A = tpu.sem_alloc : memref<!tpu.dma_semaphore, #tpu.memory_space<semaphore_mem>>
        %dma_start3A_227 = arith.constant 0 : i32
        %dma_start3A_228 = tpu.memref_slice %arg7[%add3A_159, %dma_start3A_227] : memref<40x64xi32, #tpu.memory_space<vmem>> -> memref<1x64xi32, #tpu.memory_space<vmem>>
        %dma_start3A_229 = tpu.memref_squeeze %dma_start3A_228 : memref<1x64xi32, #tpu.memory_space<vmem>> -> memref<64xi32, #tpu.memory_space<vmem>>
        %dma_start3A_230 = arith.constant 0 : i32
        %dma_start3A_231 = arith.constant 0 : i32
        %dma_start3A_232 = tpu.memref_slice %arg12[%dma_start3A_230, %dma_start3A_231] : memref<10240x128xf32, #tpu.memory_space<vmem_shared>> -> memref<10240x128xf32, #tpu.memory_space<vmem_shared>>
        tpu.enqueue_indirect_dma source(%arg8 : memref<64x128xf32, #tpu.memory_space<vmem>>) target(%dma_start3A_232 : memref<10240x128xf32, #tpu.memory_space<vmem_shared>>) offsets(%dma_start3A_229 : memref<64xi32, #tpu.memory_space<vmem>>) semaphore(%run_scoped3A : memref<!tpu.dma_semaphore, #tpu.memory_space<semaphore_mem>>) {add = true}
        %dma_wait3A_233 = arith.constant 0 : i32
        %dma_wait3A_234 = tpu.memref_slice %arg7[%add3A_159, %dma_wait3A_233] : memref<40x64xi32, #tpu.memory_space<vmem>> -> memref<1x64xi32, #tpu.memory_space<vmem>>
        %dma_wait3A_235 = tpu.memref_squeeze %dma_wait3A_234 : memref<1x64xi32, #tpu.memory_space<vmem>> -> memref<64xi32, #tpu.memory_space<vmem>>
        %dma_wait3A_236 = arith.constant 0 : i32
        %dma_wait3A_237 = arith.constant 0 : i32
        %dma_wait3A_238 = tpu.memref_slice %arg12[%dma_wait3A_236, %dma_wait3A_237] : memref<10240x128xf32, #tpu.memory_space<vmem_shared>> -> memref<10240x128xf32, #tpu.memory_space<vmem_shared>>
        tpu.wait_indirect_dma semaphore(%run_scoped3A : memref<!tpu.dma_semaphore, #tpu.memory_space<semaphore_mem>>) src(%arg8 : memref<64x128xf32, #tpu.memory_space<vmem>>) dst(%dma_wait3A_238 : memref<10240x128xf32, #tpu.memory_space<vmem_shared>>)
        tpu.yield
      }) : () -> ()
      %mul3A_170 = arith.constant 4 : i32
      %mul3A_171 = arith.muli %mul3A_170, %scan3A_155 : i32
      %add3A_172 = arith.constant 1 : i32
      %add3A_173 = arith.addi %mul3A_171, %add3A_172 : i32
      %dma_wait3A_174 = arith.constant 0 : i32
      %dma_wait3A_175 = tpu.memref_slice %arg6[%add3A_173, %dma_wait3A_174] : memref<40x64xi32, #tpu.memory_space<vmem>> -> memref<1x64xi32, #tpu.memory_space<vmem>>
      %dma_wait3A_176 = tpu.memref_squeeze %dma_wait3A_175 : memref<1x64xi32, #tpu.memory_space<vmem>> -> memref<64xi32, #tpu.memory_space<vmem>>
      %dma_wait3A_177 = arith.constant 0 : i32
      %dma_wait3A_178 = arith.constant 0 : i32
      %dma_wait3A_179 = tpu.memref_slice %arg4[%dma_wait3A_177, %dma_wait3A_178] : memref<10000x128xf32, #tpu.memory_space<hbm>> -> memref<10000x128xf32, #tpu.memory_space<hbm>>
      tpu.wait_indirect_dma semaphore(%arg14 : memref<!tpu.dma_semaphore, #tpu.memory_space<semaphore_mem>>) src(%dma_wait3A_179 : memref<10000x128xf32, #tpu.memory_space<hbm>>) dst(%arg9 : memref<64x128xf32, #tpu.memory_space<vmem>>)
      %add3A_180 = arith.constant 4 : i32
      %add3A_181 = arith.addi %add3A_173, %add3A_180 : i32
      %sub3A_182 = arith.constant 1 : i32
      %sub3A_183 = arith.subi %add3A_181, %sub3A_182 : i32
      %lt3A_184 = arith.constant 40 : i32
      %lt3A_185 = arith.cmpi slt, %sub3A_183, %lt3A_184 : i32
      %convert_element_type3A_186 = arith.extui %lt3A_185 : i1 to i32
      %cond3A_187 = arith.constant 0 : i32
      %cond3A_188 = arith.cmpi ne, %convert_element_type3A_186, %cond3A_187 : i32
      scf.if %cond3A_188 {
        %add3A_227 = arith.constant 4 : i32
        %add3A_228 = arith.addi %add3A_173, %add3A_227 : i32
        %sub3A_229 = arith.constant 1 : i32
        %sub3A_230 = arith.subi %add3A_228, %sub3A_229 : i32
        %dma_start3A_231 = arith.constant 0 : i32
        %dma_start3A_232 = tpu.memref_slice %arg6[%sub3A_230, %dma_start3A_231] : memref<40x64xi32, #tpu.memory_space<vmem>> -> memref<1x64xi32, #tpu.memory_space<vmem>>
        %dma_start3A_233 = tpu.memref_squeeze %dma_start3A_232 : memref<1x64xi32, #tpu.memory_space<vmem>> -> memref<64xi32, #tpu.memory_space<vmem>>
        %dma_start3A_234 = arith.constant 0 : i32
        %dma_start3A_235 = arith.constant 0 : i32
        %dma_start3A_236 = tpu.memref_slice %arg4[%dma_start3A_234, %dma_start3A_235] : memref<10000x128xf32, #tpu.memory_space<hbm>> -> memref<10000x128xf32, #tpu.memory_space<hbm>>
        tpu.enqueue_indirect_dma source(%dma_start3A_236 : memref<10000x128xf32, #tpu.memory_space<hbm>>) target(%arg8 : memref<64x128xf32, #tpu.memory_space<vmem>>) offsets(%dma_start3A_233 : memref<64xi32, #tpu.memory_space<vmem>>) semaphore(%arg13 : memref<!tpu.dma_semaphore, #tpu.memory_space<semaphore_mem>>)
      } else {
      }
      "tpu.region"() ({
        %run_scoped3A = tpu.sem_alloc : memref<!tpu.dma_semaphore, #tpu.memory_space<semaphore_mem>>
        %dma_start3A_227 = arith.constant 0 : i32
        %dma_start3A_228 = tpu.memref_slice %arg7[%add3A_173, %dma_start3A_227] : memref<40x64xi32, #tpu.memory_space<vmem>> -> memref<1x64xi32, #tpu.memory_space<vmem>>
        %dma_start3A_229 = tpu.memref_squeeze %dma_start3A_228 : memref<1x64xi32, #tpu.memory_space<vmem>> -> memref<64xi32, #tpu.memory_space<vmem>>
        %dma_start3A_230 = arith.constant 0 : i32
        %dma_start3A_231 = arith.constant 0 : i32
        %dma_start3A_232 = tpu.memref_slice %arg12[%dma_start3A_230, %dma_start3A_231] : memref<10240x128xf32, #tpu.memory_space<vmem_shared>> -> memref<10240x128xf32, #tpu.memory_space<vmem_shared>>
        tpu.enqueue_indirect_dma source(%arg9 : memref<64x128xf32, #tpu.memory_space<vmem>>) target(%dma_start3A_232 : memref<10240x128xf32, #tpu.memory_space<vmem_shared>>) offsets(%dma_start3A_229 : memref<64xi32, #tpu.memory_space<vmem>>) semaphore(%run_scoped3A : memref<!tpu.dma_semaphore, #tpu.memory_space<semaphore_mem>>) {add = true}
        %dma_wait3A_233 = arith.constant 0 : i32
        %dma_wait3A_234 = tpu.memref_slice %arg7[%add3A_173, %dma_wait3A_233] : memref<40x64xi32, #tpu.memory_space<vmem>> -> memref<1x64xi32, #tpu.memory_space<vmem>>
        %dma_wait3A_235 = tpu.memref_squeeze %dma_wait3A_234 : memref<1x64xi32, #tpu.memory_space<vmem>> -> memref<64xi32, #tpu.memory_space<vmem>>
        %dma_wait3A_236 = arith.constant 0 : i32
        %dma_wait3A_237 = arith.constant 0 : i32
        %dma_wait3A_238 = tpu.memref_slice %arg12[%dma_wait3A_236, %dma_wait3A_237] : memref<10240x128xf32, #tpu.memory_space<vmem_shared>> -> memref<10240x128xf32, #tpu.memory_space<vmem_shared>>
        tpu.wait_indirect_dma semaphore(%run_scoped3A : memref<!tpu.dma_semaphore, #tpu.memory_space<semaphore_mem>>) src(%arg9 : memref<64x128xf32, #tpu.memory_space<vmem>>) dst(%dma_wait3A_238 : memref<10240x128xf32, #tpu.memory_space<vmem_shared>>)
        tpu.yield
      }) : () -> ()
      %mul3A_189 = arith.constant 4 : i32
      %mul3A_190 = arith.muli %mul3A_189, %scan3A_155 : i32
      %add3A_191 = arith.constant 2 : i32
      %add3A_192 = arith.addi %mul3A_190, %add3A_191 : i32
      %dma_wait3A_193 = arith.constant 0 : i32
      %dma_wait3A_194 = tpu.memref_slice %arg6[%add3A_192, %dma_wait3A_193] : memref<40x64xi32, #tpu.memory_space<vmem>> -> memref<1x64xi32, #tpu.memory_space<vmem>>
      %dma_wait3A_195 = tpu.memref_squeeze %dma_wait3A_194 : memref<1x64xi32, #tpu.memory_space<vmem>> -> memref<64xi32, #tpu.memory_space<vmem>>
      %dma_wait3A_196 = arith.constant 0 : i32
      %dma_wait3A_197 = arith.constant 0 : i32
      %dma_wait3A_198 = tpu.memref_slice %arg4[%dma_wait3A_196, %dma_wait3A_197] : memref<10000x128xf32, #tpu.memory_space<hbm>> -> memref<10000x128xf32, #tpu.memory_space<hbm>>
      tpu.wait_indirect_dma semaphore(%arg15 : memref<!tpu.dma_semaphore, #tpu.memory_space<semaphore_mem>>) src(%dma_wait3A_198 : memref<10000x128xf32, #tpu.memory_space<hbm>>) dst(%arg10 : memref<64x128xf32, #tpu.memory_space<vmem>>)
      %add3A_199 = arith.constant 4 : i32
      %add3A_200 = arith.addi %add3A_192, %add3A_199 : i32
      %sub3A_201 = arith.constant 1 : i32
      %sub3A_202 = arith.subi %add3A_200, %sub3A_201 : i32
      %lt3A_203 = arith.constant 40 : i32
      %lt3A_204 = arith.cmpi slt, %sub3A_202, %lt3A_203 : i32
      %convert_element_type3A_205 = arith.extui %lt3A_204 : i1 to i32
      %cond3A_206 = arith.constant 0 : i32
      %cond3A_207 = arith.cmpi ne, %convert_element_type3A_205, %cond3A_206 : i32
      scf.if %cond3A_207 {
        %add3A_227 = arith.constant 4 : i32
        %add3A_228 = arith.addi %add3A_192, %add3A_227 : i32
        %sub3A_229 = arith.constant 1 : i32
        %sub3A_230 = arith.subi %add3A_228, %sub3A_229 : i32
        %dma_start3A_231 = arith.constant 0 : i32
        %dma_start3A_232 = tpu.memref_slice %arg6[%sub3A_230, %dma_start3A_231] : memref<40x64xi32, #tpu.memory_space<vmem>> -> memref<1x64xi32, #tpu.memory_space<vmem>>
        %dma_start3A_233 = tpu.memref_squeeze %dma_start3A_232 : memref<1x64xi32, #tpu.memory_space<vmem>> -> memref<64xi32, #tpu.memory_space<vmem>>
        %dma_start3A_234 = arith.constant 0 : i32
        %dma_start3A_235 = arith.constant 0 : i32
        %dma_start3A_236 = tpu.memref_slice %arg4[%dma_start3A_234, %dma_start3A_235] : memref<10000x128xf32, #tpu.memory_space<hbm>> -> memref<10000x128xf32, #tpu.memory_space<hbm>>
        tpu.enqueue_indirect_dma source(%dma_start3A_236 : memref<10000x128xf32, #tpu.memory_space<hbm>>) target(%arg9 : memref<64x128xf32, #tpu.memory_space<vmem>>) offsets(%dma_start3A_233 : memref<64xi32, #tpu.memory_space<vmem>>) semaphore(%arg14 : memref<!tpu.dma_semaphore, #tpu.memory_space<semaphore_mem>>)
      } else {
      }
      "tpu.region"() ({
        %run_scoped3A = tpu.sem_alloc : memref<!tpu.dma_semaphore, #tpu.memory_space<semaphore_mem>>
        %dma_start3A_227 = arith.constant 0 : i32
        %dma_start3A_228 = tpu.memref_slice %arg7[%add3A_192, %dma_start3A_227] : memref<40x64xi32, #tpu.memory_space<vmem>> -> memref<1x64xi32, #tpu.memory_space<vmem>>
        %dma_start3A_229 = tpu.memref_squeeze %dma_start3A_228 : memref<1x64xi32, #tpu.memory_space<vmem>> -> memref<64xi32, #tpu.memory_space<vmem>>
        %dma_start3A_230 = arith.constant 0 : i32
        %dma_start3A_231 = arith.constant 0 : i32
        %dma_start3A_232 = tpu.memref_slice %arg12[%dma_start3A_230, %dma_start3A_231] : memref<10240x128xf32, #tpu.memory_space<vmem_shared>> -> memref<10240x128xf32, #tpu.memory_space<vmem_shared>>
        tpu.enqueue_indirect_dma source(%arg10 : memref<64x128xf32, #tpu.memory_space<vmem>>) target(%dma_start3A_232 : memref<10240x128xf32, #tpu.memory_space<vmem_shared>>) offsets(%dma_start3A_229 : memref<64xi32, #tpu.memory_space<vmem>>) semaphore(%run_scoped3A : memref<!tpu.dma_semaphore, #tpu.memory_space<semaphore_mem>>) {add = true}
        %dma_wait3A_233 = arith.constant 0 : i32
        %dma_wait3A_234 = tpu.memref_slice %arg7[%add3A_192, %dma_wait3A_233] : memref<40x64xi32, #tpu.memory_space<vmem>> -> memref<1x64xi32, #tpu.memory_space<vmem>>
        %dma_wait3A_235 = tpu.memref_squeeze %dma_wait3A_234 : memref<1x64xi32, #tpu.memory_space<vmem>> -> memref<64xi32, #tpu.memory_space<vmem>>
        %dma_wait3A_236 = arith.constant 0 : i32
        %dma_wait3A_237 = arith.constant 0 : i32
        %dma_wait3A_238 = tpu.memref_slice %arg12[%dma_wait3A_236, %dma_wait3A_237] : memref<10240x128xf32, #tpu.memory_space<vmem_shared>> -> memref<10240x128xf32, #tpu.memory_space<vmem_shared>>
        tpu.wait_indirect_dma semaphore(%run_scoped3A : memref<!tpu.dma_semaphore, #tpu.memory_space<semaphore_mem>>) src(%arg10 : memref<64x128xf32, #tpu.memory_space<vmem>>) dst(%dma_wait3A_238 : memref<10240x128xf32, #tpu.memory_space<vmem_shared>>)
        tpu.yield
      }) : () -> ()
      %mul3A_208 = arith.constant 4 : i32
      %mul3A_209 = arith.muli %mul3A_208, %scan3A_155 : i32
      %add3A_210 = arith.constant 3 : i32
      %add3A_211 = arith.addi %mul3A_209, %add3A_210 : i32
      %dma_wait3A_212 = arith.constant 0 : i32
      %dma_wait3A_213 = tpu.memref_slice %arg6[%add3A_211, %dma_wait3A_212] : memref<40x64xi32, #tpu.memory_space<vmem>> -> memref<1x64xi32, #tpu.memory_space<vmem>>
      %dma_wait3A_214 = tpu.memref_squeeze %dma_wait3A_213 : memref<1x64xi32, #tpu.memory_space<vmem>> -> memref<64xi32, #tpu.memory_space<vmem>>
      %dma_wait3A_215 = arith.constant 0 : i32
      %dma_wait3A_216 = arith.constant 0 : i32
      %dma_wait3A_217 = tpu.memref_slice %arg4[%dma_wait3A_215, %dma_wait3A_216] : memref<10000x128xf32, #tpu.memory_space<hbm>> -> memref<10000x128xf32, #tpu.memory_space<hbm>>
      tpu.wait_indirect_dma semaphore(%arg16 : memref<!tpu.dma_semaphore, #tpu.memory_space<semaphore_mem>>) src(%dma_wait3A_217 : memref<10000x128xf32, #tpu.memory_space<hbm>>) dst(%arg11 : memref<64x128xf32, #tpu.memory_space<vmem>>)
      %add3A_218 = arith.constant 4 : i32
      %add3A_219 = arith.addi %add3A_211, %add3A_218 : i32
      %sub3A_220 = arith.constant 1 : i32
      %sub3A_221 = arith.subi %add3A_219, %sub3A_220 : i32
      %lt3A_222 = arith.constant 40 : i32
      %lt3A_223 = arith.cmpi slt, %sub3A_221, %lt3A_222 : i32
      %convert_element_type3A_224 = arith.extui %lt3A_223 : i1 to i32
      %cond3A_225 = arith.constant 0 : i32
      %cond3A_226 = arith.cmpi ne, %convert_element_type3A_224, %cond3A_225 : i32
      scf.if %cond3A_226 {
        %add3A_227 = arith.constant 4 : i32
        %add3A_228 = arith.addi %add3A_211, %add3A_227 : i32
        %sub3A_229 = arith.constant 1 : i32
        %sub3A_230 = arith.subi %add3A_228, %sub3A_229 : i32
        %dma_start3A_231 = arith.constant 0 : i32
        %dma_start3A_232 = tpu.memref_slice %arg6[%sub3A_230, %dma_start3A_231] : memref<40x64xi32, #tpu.memory_space<vmem>> -> memref<1x64xi32, #tpu.memory_space<vmem>>
        %dma_start3A_233 = tpu.memref_squeeze %dma_start3A_232 : memref<1x64xi32, #tpu.memory_space<vmem>> -> memref<64xi32, #tpu.memory_space<vmem>>
        %dma_start3A_234 = arith.constant 0 : i32
        %dma_start3A_235 = arith.constant 0 : i32
        %dma_start3A_236 = tpu.memref_slice %arg4[%dma_start3A_234, %dma_start3A_235] : memref<10000x128xf32, #tpu.memory_space<hbm>> -> memref<10000x128xf32, #tpu.memory_space<hbm>>
        tpu.enqueue_indirect_dma source(%dma_start3A_236 : memref<10000x128xf32, #tpu.memory_space<hbm>>) target(%arg10 : memref<64x128xf32, #tpu.memory_space<vmem>>) offsets(%dma_start3A_233 : memref<64xi32, #tpu.memory_space<vmem>>) semaphore(%arg15 : memref<!tpu.dma_semaphore, #tpu.memory_space<semaphore_mem>>)
      } else {
      }
      "tpu.region"() ({
        %run_scoped3A = tpu.sem_alloc : memref<!tpu.dma_semaphore, #tpu.memory_space<semaphore_mem>>
        %dma_start3A_227 = arith.constant 0 : i32
        %dma_start3A_228 = tpu.memref_slice %arg7[%add3A_211, %dma_start3A_227] : memref<40x64xi32, #tpu.memory_space<vmem>> -> memref<1x64xi32, #tpu.memory_space<vmem>>
        %dma_start3A_229 = tpu.memref_squeeze %dma_start3A_228 : memref<1x64xi32, #tpu.memory_space<vmem>> -> memref<64xi32, #tpu.memory_space<vmem>>
        %dma_start3A_230 = arith.constant 0 : i32
        %dma_start3A_231 = arith.constant 0 : i32
        %dma_start3A_232 = tpu.memref_slice %arg12[%dma_start3A_230, %dma_start3A_231] : memref<10240x128xf32, #tpu.memory_space<vmem_shared>> -> memref<10240x128xf32, #tpu.memory_space<vmem_shared>>
        tpu.enqueue_indirect_dma source(%arg11 : memref<64x128xf32, #tpu.memory_space<vmem>>) target(%dma_start3A_232 : memref<10240x128xf32, #tpu.memory_space<vmem_shared>>) offsets(%dma_start3A_229 : memref<64xi32, #tpu.memory_space<vmem>>) semaphore(%run_scoped3A : memref<!tpu.dma_semaphore, #tpu.memory_space<semaphore_mem>>) {add = true}
        %dma_wait3A_233 = arith.constant 0 : i32
        %dma_wait3A_234 = tpu.memref_slice %arg7[%add3A_211, %dma_wait3A_233] : memref<40x64xi32, #tpu.memory_space<vmem>> -> memref<1x64xi32, #tpu.memory_space<vmem>>
        %dma_wait3A_235 = tpu.memref_squeeze %dma_wait3A_234 : memref<1x64xi32, #tpu.memory_space<vmem>> -> memref<64xi32, #tpu.memory_space<vmem>>
        %dma_wait3A_236 = arith.constant 0 : i32
        %dma_wait3A_237 = arith.constant 0 : i32
        %dma_wait3A_238 = tpu.memref_slice %arg12[%dma_wait3A_236, %dma_wait3A_237] : memref<10240x128xf32, #tpu.memory_space<vmem_shared>> -> memref<10240x128xf32, #tpu.memory_space<vmem_shared>>
        tpu.wait_indirect_dma semaphore(%run_scoped3A : memref<!tpu.dma_semaphore, #tpu.memory_space<semaphore_mem>>) src(%arg11 : memref<64x128xf32, #tpu.memory_space<vmem>>) dst(%dma_wait3A_238 : memref<10240x128xf32, #tpu.memory_space<vmem_shared>>)
        tpu.yield
      }) : () -> ()
    }
    %scan3A_150 = arith.constant 10 : i32
    %barrier3A_151 = arith.constant 0 : index
    tpu.barrier barrier_id(%barrier3A_151)
    %mul3A_152 = arith.constant 10240 : i32
    %mul3A_153 = arith.muli %arg0, %mul3A_152 : i32
    %add3A_154 = arith.addi %mul3A_153, %mul3A_7 : i32
    "tpu.region"() ({
      %run_scoped3A = tpu.sem_alloc : memref<!tpu.dma_semaphore, #tpu.memory_space<semaphore_mem>>
      %dma_start3A_155 = arith.constant 0 : i32
      %dma_start3A_156 = tpu.memref_slice %arg5[%add3A_154, %dma_start3A_155] : memref<20480x128xf32, #tpu.memory_space<hbm>> -> memref<640x128xf32, #tpu.memory_space<hbm>>
      %dma_start3A_157 = arith.constant 0 : i32
      %dma_start3A_158 = tpu.memref_slice %arg12[%mul3A_7, %dma_start3A_157] : memref<10240x128xf32, #tpu.memory_space<vmem_shared>> -> memref<640x128xf32, #tpu.memory_space<vmem_shared>>
      tpu.enqueue_dma source(%dma_start3A_158 : memref<640x128xf32, #tpu.memory_space<vmem_shared>>) target(%dma_start3A_156 : memref<640x128xf32, #tpu.memory_space<hbm>>) target_semaphore(%run_scoped3A : memref<!tpu.dma_semaphore, #tpu.memory_space<semaphore_mem>>)
      %dma_wait3A = arith.constant 0 : i32
      %dma_wait3A_159 = tpu.memref_slice %arg5[%add3A_154, %dma_wait3A] : memref<20480x128xf32, #tpu.memory_space<hbm>> -> memref<640x128xf32, #tpu.memory_space<hbm>>
      %dma_wait3A_160 = arith.constant 0 : i32
      %dma_wait3A_161 = tpu.memref_slice %arg12[%mul3A_7, %dma_wait3A_160] : memref<10240x128xf32, #tpu.memory_space<vmem_shared>> -> memref<640x128xf32, #tpu.memory_space<vmem_shared>>
      tpu.wait_dma2 semaphore(%run_scoped3A : memref<!tpu.dma_semaphore, #tpu.memory_space<semaphore_mem>>) src(%dma_wait3A_161 : memref<640x128xf32, #tpu.memory_space<vmem_shared>>) dst(%dma_wait3A_159 : memref<640x128xf32, #tpu.memory_space<hbm>>)
      tpu.yield
    }) : () -> ()
    return
  }
}

module attributes {stable_mosaic.version = 14 : i64} {
  func.func @_mm_body(%arg0: memref<10000x128xf32, #tpu.memory_space<vmem>>, %arg1: memref<128x128xf32, #tpu.memory_space<vmem>>, %arg2: memref<20480x1xf32, #tpu.memory_space<vmem>>, %arg3: memref<10000x128xf32, #tpu.memory_space<vmem>>, %arg4: memref<10000x1xf32, #tpu.memory_space<vmem>>) attributes {dimension_semantics = [], scalar_prefetch = 0 : i64, scratch_operands = 0 : i64, tpu.core_type = #tpu.core_type<tc>} {
    %get3A = arith.constant 0 : index
    %get3A_0 = arith.constant 0 : index
    %get3A_1 = vector.load %arg2[%get3A, %get3A_0] : memref<20480x1xf32, #tpu.memory_space<vmem>>, vector<20480x1xf32>
    %slice3A = vector.extract_strided_slice %get3A_1 {offsets = [0, 0], sizes = [10000, 1], strides = [1, 1]} : vector<20480x1xf32> to vector<10000x1xf32>
    %add3A = arith.constant 1.000000e+00 : f32
    %add3A_2 = vector.broadcast %add3A : f32 to vector<10000x1xf32>
    %add3A_3 = arith.addf %add3A_2, %slice3A : vector<10000x1xf32>
    %slice3A_4 = vector.extract_strided_slice %get3A_1 {offsets = [10240, 0], sizes = [10000, 1], strides = [1, 1]} : vector<20480x1xf32> to vector<10000x1xf32>
    %add3A_5 = arith.addf %add3A_3, %slice3A_4 : vector<10000x1xf32>
    %rsqrt3A = math.rsqrt %add3A_5 : vector<10000x1xf32>
    %get3A_6 = arith.constant 0 : index
    %get3A_7 = arith.constant 0 : index
    %get3A_8 = vector.load %arg0[%get3A_6, %get3A_7] : memref<10000x128xf32, #tpu.memory_space<vmem>>, vector<10000x128xf32>
    %get3A_9 = arith.constant 0 : index
    %get3A_10 = arith.constant 0 : index
    %get3A_11 = vector.load %arg1[%get3A_9, %get3A_10] : memref<128x128xf32, #tpu.memory_space<vmem>>, vector<128x128xf32>
    %dot_general3A = arith.constant dense<0.000000e+00> : vector<10000x128xf32>
    %dot_general3A_12 = tpu.matmul %get3A_8, %get3A_11, %dot_general3A {dimension_numbers = #tpu.dot_dimension_numbers<[1], [0], [0], [1], [0, 0, 1, 1], [], []>, transpose_lhs_hint = false} : vector<10000x128xf32>, vector<128x128xf32>, vector<10000x128xf32> -> vector<10000x128xf32>
    %mul3A = vector.broadcast %rsqrt3A : vector<10000x1xf32> to vector<10000x128xf32>
    %mul3A_13 = arith.mulf %dot_general3A_12, %mul3A : vector<10000x128xf32>
    %swap3A = arith.constant 0 : index
    %swap3A_14 = arith.constant 0 : index
    %swap3A_15 = vector.load %arg3[%swap3A, %swap3A_14] : memref<10000x128xf32, #tpu.memory_space<vmem>>, vector<10000x128xf32>
    tpu.vector_store %arg3[%swap3A, %swap3A_14], %mul3A_13 {strides = array<i32>} : memref<10000x128xf32, #tpu.memory_space<vmem>>, vector<10000x128xf32>,
    %swap3A_16 = arith.constant 0 : index
    %swap3A_17 = arith.constant 0 : index
    %swap3A_18 = vector.load %arg4[%swap3A_16, %swap3A_17] : memref<10000x1xf32, #tpu.memory_space<vmem>>, vector<10000x1xf32>
    tpu.vector_store %arg4[%swap3A_16, %swap3A_17], %rsqrt3A {strides = array<i32>} : memref<10000x1xf32, #tpu.memory_space<vmem>>, vector<10000x1xf32>,
    return
  }
}

module attributes {stable_mosaic.version = 14 : i64} {
  func.func @_final_body(%arg0: memref<2x10240x128xf32, #tpu.memory_space<vmem>>, %arg1: memref<10000x128xf32, #tpu.memory_space<vmem>>, %arg2: memref<10000x1xf32, #tpu.memory_space<vmem>>, %arg3: memref<1x128xf32, #tpu.memory_space<vmem>>, %arg4: memref<10000x128xf32, #tpu.memory_space<vmem>>) attributes {dimension_semantics = [], scalar_prefetch = 0 : i64, scratch_operands = 0 : i64, tpu.core_type = #tpu.core_type<tc>} {
    %get3A = arith.constant 0 : index
    %get3A_0 = arith.constant 0 : index
    %get3A_1 = arith.constant 0 : index
    %get3A_2 = vector.load %arg0[%get3A, %get3A_0, %get3A_1] : memref<2x10240x128xf32, #tpu.memory_space<vmem>>, vector<2x10240x128xf32>
    %slice3A = vector.extract_strided_slice %get3A_2 {offsets = [0, 0, 0], sizes = [1, 10000, 128], strides = [1, 1, 1]} : vector<2x10240x128xf32> to vector<1x10000x128xf32>
    %squeeze3A = vector.shape_cast %slice3A : vector<1x10000x128xf32> to vector<10000x128xf32>
    %slice3A_3 = vector.extract_strided_slice %get3A_2 {offsets = [1, 0, 0], sizes = [1, 10000, 128], strides = [1, 1, 1]} : vector<2x10240x128xf32> to vector<1x10000x128xf32>
    %squeeze3A_4 = vector.shape_cast %slice3A_3 : vector<1x10000x128xf32> to vector<10000x128xf32>
    %add3A = arith.addf %squeeze3A, %squeeze3A_4 : vector<10000x128xf32>
    %get3A_5 = arith.constant 0 : index
    %get3A_6 = arith.constant 0 : index
    %get3A_7 = vector.load %arg1[%get3A_5, %get3A_6] : memref<10000x128xf32, #tpu.memory_space<vmem>>, vector<10000x128xf32>
    %add3A_8 = arith.addf %add3A, %get3A_7 : vector<10000x128xf32>
    %get3A_9 = arith.constant 0 : index
    %get3A_10 = arith.constant 0 : index
    %get3A_11 = vector.load %arg2[%get3A_9, %get3A_10] : memref<10000x1xf32, #tpu.memory_space<vmem>>, vector<10000x1xf32>
    %mul3A = vector.broadcast %get3A_11 : vector<10000x1xf32> to vector<10000x128xf32>
    %mul3A_12 = arith.mulf %add3A_8, %mul3A : vector<10000x128xf32>
    %get3A_13 = arith.constant 0 : index
    %get3A_14 = arith.constant 0 : index
    %get3A_15 = vector.load %arg3[%get3A_13, %get3A_14] : memref<1x128xf32, #tpu.memory_space<vmem>>, vector<1x128xf32>
    %add3A_16 = vector.broadcast %get3A_15 : vector<1x128xf32> to vector<10000x128xf32>
    %add3A_17 = arith.addf %mul3A_12, %add3A_16 : vector<10000x128xf32>
    %max3A = arith.constant 0.000000e+00 : f32
    %max3A_18 = vector.broadcast %max3A : f32 to vector<10000x128xf32>
    %max3A_19 = arith.maximumf %add3A_17, %max3A_18 : vector<10000x128xf32>
    %swap3A = arith.constant 0 : index
    %swap3A_20 = arith.constant 0 : index
    %swap3A_21 = vector.load %arg4[%swap3A, %swap3A_20] : memref<10000x128xf32, #tpu.memory_space<vmem>>, vector<10000x128xf32>
    tpu.vector_store %arg4[%swap3A, %swap3A_20], %max3A_19 {strides = array<i32>} : memref<10000x128xf32, #tpu.memory_space<vmem>>, vector<10000x128xf32>,
    return
  }
}

</mosaic_0001>

<sc_bundles>
// kernel: kernel.6.cloned.1.call-start
scs
__scs_entry_jumppad:
0x0: {  	(pc) =	sbr.rel $0x88, $3  }
0x1: {  	(tag) =	ssettag $0x0;
	lr =	simm.s32 $0x1  }
0x2: {  	[smem:$0x3F9D] =	sst lr;
	_ =	strace $0xD0000000  }
0x3: {  	_ = 	snop  }
0x4: {  	_ = 	snop  }
0x5: {  	_ = 	snop  }
0x6: {  	_ = 	snop  }
0x7: {  	_ = 	snop  }
__scs_overlays_trampoline_lowered:
0x8: {  	[smem:$0x3FAC] =	sst s0  }
0x9: {  	[smem:$0x3FAD] =	sst s1  }
0xa: {  	[smem:$0x3FAE] =	sst s2  }
0xb: {  	[smem:$0x3FAF] =	sst s3  }
0xc: {  	[smem:$0x3FB0] =	sst s4  }
0xd: {  	[smem:$0x3FB1] =	sst s5  }
0xe: {  	[smem:$0x3FB2] =	sst s6  }
0xf: {  	[smem:$0x3FB3] =	sst s7  }
0x10: {  	[smem:$0x3FB4] =	sst s8  }
0x11: {  	[smem:$0x3FB5] =	sst s9;
	s0 =	simm.s32 @!p0 $0x0  }
0x12: {  	s1 =	sld [smem:$0x3F9B];
	s0 =	simm.s32 @p0 $0x1  }
0x13: {  	[smem:$0x3FB6] =	sst s0;
	s0 =	simm.s32 @!p1 $0x0  }
0x14: {  	s2 =	sld [smem:$0x3F9A];
	s0 =	simm.s32 @p1 $0x1  }
0x15: {  	[smem:$0x3FB7] =	sst s0;
	s0 =	simm.s32 @!p2 $0x0  }
0x16: {  	s3 =	sld [smem:$0x3FDB];
	s0 =	simm.s32 @p2 $0x1  }
0x17: {  	s4 =	simm.s32 $0x1BF5;
	[smem:$0x3FB9] =	sst s0  }
0x18: {  	s0 =	sld [smem:$0x3F9C];
	_ =	swait.ge [sflag:s4], $0x0  }
0x19: {  	s7 =	sld [smem:$0x3F9D]  }
0x1a: {  	s8 =	sadd.s32 $0xFFFFE003, lr  }
0x1b: {  	s9 =	sadd.s32 $0xFFFFFEF7, lr;
	s5 =	simm.s32 $0xFFFFFFFF;
	p2 =	slt.u32 s8, $0xFFFFF086  }
0x1c: {  	p1 =	slt.u32 s9, $0xF7A;
	s5 =	simm.s32 @!p2 $0x0  }
0x1d: {  	s5 =	simm.s32 @p1 $0x1;
	p0 =	seq.s32 s7, s2  }
0x1e: {  	s7 =	smul.u32 @!p0 $0xF7A, s2;
	p2 =	seq.s32 @!p0 s5, $0x0  }
0x1f: {  	s9 =	smul.u32 $0xF7A, s1;
	s8 =	simm.s32 @!p0 $0x1BF5;
	p2 =	por !p2, p0  }
0x20: {  	[sflag:s8] =	ssyncset.s32 @!p0 $0xFFFFF086;
	s6 =	sadd.s32 @!p0 s3, s7;
	s7 =	simm.s32 @!p0 $0x108  }
0x21: {  	s3 =	sadd.s32 s3, s9;
	s6 =	sadd.s32 @!p0 $0x88, s6;
	s7 =	simm.s32 @p2 $0x1082  }
0x22: {  	[simem:s7], [sflag:s8] =	dma.local @!p0 [hbm:s6], $0xF7A  }
0x23: {  	s9 =	sor.u32 $0xD0000000, s2;
	s6 =	simm.s32 $0x108;
	_ =	swait.ge @!p0 [sflag:s8], $0x0  }
0x24: {  	s3 =	sadd.s32 $0x88, s3;
	s6 =	simm.s32 @!p1 $0x1082;
	[sflag:s4] =	ssyncset.s32 $0xFFFFF086  }
0x25: {  	[simem:s6], [sflag:s4] =	dma.local [hbm:s3], $0xF7A  }
0x26: {  	[smem:$0x3F9D] =	sst s1;
	(tag) =	ssettag s2;
	_ =	strace s9  }
0x27: {  	s1 =	sld [smem:$0x3FAD]  }
0x28: {  	s2 =	sld [smem:$0x3FAE]  }
0x29: {  	s4 =	sld [smem:$0x3FB0]  }
0x2a: {  	p0 =	seq.s32 s5, $0x0;
	s5 =	sld [smem:$0x3FB1]  }
0x2b: {  	s6 =	sld [smem:$0x3FB2]  }
0x2c: {  	s7 =	sld [smem:$0x3FB3]  }
0x2d: {  	s3 =	simm.s32 $0x108;
	s8 =	sld [smem:$0x3FB4]  }
0x2e: {  	s3 =	simm.s32 @!p0 $0x1082;
	s9 =	sld [smem:$0x3FB5]  }
0x2f: {  	lr =	sadd.s32 s0, s3;
	s0 =	sld [smem:$0x3FAC]  }
0x30: {  	s3 =	sld [smem:$0x3FAF]  }
0x31: {  	[smem:$0x3FB8] =	sst s10  }
0x32: {  	s10 =	sld [smem:$0x3FB6];
	_ =	sdelay $0x3  }
0x33: {  	p0 =	seq.s32 s10, $0x1;
	s10 =	sld [smem:$0x3FB8];
	_ =	sdelay $0x3  }
0x34: {  	[smem:$0x3FB8] =	sst s10  }
0x35: {  	s10 =	sld [smem:$0x3FB7];
	_ =	sdelay $0x3  }
0x36: {  	p1 =	seq.s32 s10, $0x1;
	s10 =	sld [smem:$0x3FB8];
	_ =	sdelay $0x3  }
0x37: {  	[smem:$0x3FB8] =	sst s10  }
0x38: {  	s10 =	sld [smem:$0x3FB9]  }
0x39: {  	_ = 	snop;
	(pc) =	sbr.ind lr, $3  }
0x3a: {  	_ = 	snop  }
0x3b: {  	_ = 	snop  }
0x3c: {  	p2 =	seq.s32 s10, $0x1;
	s10 =	sld [smem:$0x3FB8]  }
0x3d: {  	_ =	shalt  }
0x3e: {  	_ =	shalt  }
0x3f: {  	_ =	shalt  }
0x40: {  	_ =	shalt  }
0x41: {  	_ =	shalt  }
0x42: {  	_ =	shalt  }
0x43: {  	_ =	shalt  }
0x44: {  	_ =	shalt  }
0x45: {  	_ =	shalt  }
0x46: {  	_ =	shalt  }
0x47: {  	_ =	shalt  }
0x48: {  	_ =	shalt  }
0x49: {  	_ =	shalt  }
0x4a: {  	_ =	shalt  }
0x4b: {  	_ =	shalt  }
0x4c: {  	_ =	shalt  }
0x4d: {  	_ =	shalt  }
0x4e: {  	_ =	shalt  }
0x4f: {  	_ =	shalt  }
0x50: {  	_ =	shalt  }
0x51: {  	_ =	shalt  }
0x52: {  	_ =	shalt  }
0x53: {  	_ =	shalt  }
0x54: {  	_ =	shalt  }
0x55: {  	_ =	shalt  }
0x56: {  	_ =	shalt  }
0x57: {  	_ =	shalt  }
0x58: {  	_ =	shalt  }
0x59: {  	_ =	shalt  }
0x5a: {  	_ =	shalt  }
0x5b: {  	_ =	shalt  }
0x5c: {  	_ =	shalt  }
0x5d: {  	_ =	shalt  }
0x5e: {  	_ =	shalt  }
0x5f: {  	_ =	shalt  }
0x60: {  	_ =	shalt  }
0x61: {  	_ =	shalt  }
0x62: {  	_ =	shalt  }
0x63: {  	_ =	shalt  }
0x64: {  	_ =	shalt  }
0x65: {  	_ =	shalt  }
0x66: {  	_ =	shalt  }
0x67: {  	_ =	shalt  }
0x68: {  	_ =	shalt  }
0x69: {  	_ =	shalt  }
0x6a: {  	_ =	shalt  }
0x6b: {  	_ =	shalt  }
0x6c: {  	_ =	shalt  }
0x6d: {  	_ =	shalt  }
0x6e: {  	_ =	shalt  }
0x6f: {  	_ =	shalt  }
0x70: {  	_ =	shalt  }
0x71: {  	_ =	shalt  }
0x72: {  	_ =	shalt  }
0x73: {  	_ =	shalt  }
0x74: {  	_ =	shalt  }
0x75: {  	_ =	shalt  }
0x76: {  	_ =	shalt  }
0x77: {  	_ =	shalt  }
0x78: {  	_ =	shalt  }
0x79: {  	_ =	shalt  }
0x7a: {  	_ =	shalt  }
0x7b: {  	_ =	shalt  }
0x7c: {  	_ =	shalt  }
0x7d: {  	_ =	shalt  }
0x7e: {  	_ =	shalt  }
0x7f: {  	_ =	shalt  }
0x80: {  	_ =	shalt  }
0x81: {  	_ =	shalt  }
0x82: {  	_ =	shalt  }
0x83: {  	_ =	shalt  }
0x84: {  	_ =	shalt  }
0x85: {  	_ =	shalt  }
0x86: {  	_ =	shalt  }
0x87: {  	_ =	shalt  }
.Lfunc_end0:
.L_simem_size_0:
called_computation_lowered:
.L_overlay_start_0:
0x88: {  	s2 =	sld [smem:$0x3FD9]  }
0x89: {  	s3 =	sld [smem:$0x3FFE];
	_ =	sdelay $0x1  }
0x8a: {  	s1 =	srdreg.scid  }
0x8b: {  	s0 =	sand.u32 $0x1, s1  }
0x8c: {  	s17 =	sshll.u32 s0, $0xA;
	s2 =	sadd.s32 s3, s2  }
0x8d: {  	s2 =	sadd.s32 s2, s17  }
0x8e: {  	[smem:$0x3FC4] =	sst s2  }
0x8f: {  	_ = 	snop  }
0x90: {  	s2 =	sld [smem:$0x3FD0];
	(tm) =	ssettm $0x1  }
0x91: {  	s18 =	sld [smem:$0x3FFB];
	_ =	sdelay $0x3  }
0x92: {  	_ =	strace s18  }
0x93: {  	s3 =	sld [smem:$0x3FFC];
	_ =	sdelay $0x3  }
0x94: {  	_ =	strace s3  }
0x95: {  	s3 =	sld [smem:$0x3FFD];
	_ =	sdelay $0x3  }
0x96: {  	_ =	strace s3  }
0x97: {  	_ =	strace $0x8FFFFFFF  }
0x98: {  	s19 =	sld [smem:$0x3FDB];
	_ =	sdelay $0x1  }
0x99: {  	s4 =	simm.s32 $_scs_section_size  }
0x9a: {  	s5 =	simm.s32 $_size__tile_overlayer_lowered;
	s6 =	simm.s32 $_tile_overlayer_lowered  }
0x9b: {  	s22 =	simm.s32 $0x1BFF;
	s21 =	sshll.u32 s6, $0x1;
	s3 =	sadd.s32 s4, s19  }
0x9c: {  	s7 =	simm.s32 $0x0;
	s20 =	sshll.u32 s5, $0x1;
	s5 =	sadd.s32 s21, s3  }
0x9d: {  	[timem:s7], [sflag:s22] =	dma.local [hbm:s5], s20  }
0x9e: {  	_ =	swait.ge [sflag:s22], s20  }
0x9f: {  	s4 =	ssub.s32 $0x0, s20;
	[sflag:s22] =	ssyncset.done $0x0  }
0xa0: {  	[sflag:s22] =	ssyncadd.s32 s4;
	_ =	sdelay $0x1  }
0xa1: {  	s23 =	simm.s32 $0x1B8B  }
0xa2: {  	_ =	swait.ge [sflag:s23], $0x1  }
0xa3: {  	[sflag:s23] =	ssyncset.done $0x0  }
0xa4: {  	s25 =	simm.s32 $0x1B8E;
	s24 =	sld [smem:$0x3FFE];
	[sflag:s23] =	ssyncadd.s32 $0xFFFFFFFF  }
0xa5: {  	s26 =	simm.s32 $execute0_lowered;
	[smem:$0x3FD2] =	sst s25  }
0xa6: {  	s5 =	sshll.u32 s26, $0x1;
	_ =	strace $0x80000046;
	[dreg:$0x1] =	wrdreg $0xFFFFFFFF  }
0xa7: {  	s28 =	simm.s32 $_size_execute0_lowered;
	s3 =	sadd.s32 s3, s5;
	[dreg:$0x0] =	wrdreg $0x0  }
0xa8: {  	s5 =	sshll.u32 s28, $0x1;
	[dreg:$0x2] =	wrdreg s3  }
0xa9: {  	[dreg:$0x3] =	wrdreg s5  }
0xaa: {  	[dreg:$0x4] =	wrdreg $0xC0  }
0xab: {  	_ =	task [dreg:s7], $0x5FFFF  }
0xac: {  	[dreg:$0x1] =	wrdreg $0xFFFFFFFF  }
0xad: {  	[dreg:$0x0] =	wrdreg $0x60  }
0xae: {  	[dreg:$0x2] =	wrdreg s2  }
0xaf: {  	[dreg:$0x3] =	wrdreg s24  }
0xb0: {  	[dreg:$0x4] =	wrdreg $0x2B000  }
0xb1: {  	[dreg:$0x5] =	wrdreg $0x9  }
0xb2: {  	_ =	task.clear_ibuf [dreg:s7], $0x6FFFF;
	_ =	strace $0x90000046  }
0xb3: {  	s29 =	simm.s32 $0x9;
	_ =	strace $0x80000048  }
0xb4: {  	_ =	swait.ge [sflag:s29], $0x1  }
0xb5: {  	[sflag:s29] =	ssyncadd.s32 $0xFFFFFFFF  }
0xb6: {  	_ =	strace $0x90000048  }
0xb7: {  	_ =	sfence  }
0xb8: {  	s30 =	sld [smem:$0x0];
	_ =	sdelay $0x2  }
0xb9: {  	s31 =	sshll.u32 s1, $0xD;
	s1 =	sshrl.u32 s1, $0x2  }
0xba: {  	s3 =	sand.u32 $0x4000, s31;
	s1 =	sadd.s32 s1, s30  }
0xbb: {  	s0 =	sor.u32 s3, s0;
	s1 =	sshll.u32 s1, $0x11  }
0xbc: {  	s0 =	sor.u32 s1, s0  }
0xbd: {  	s0 =	sadd.s32 $0x8F2B, s0  }
0xbe: {  	[sflag:s0] =	ssyncadd.remote.s32 $0x1  }
0xbf: {  	_ =	sfence.sel $0xFFFF  }
0xc0: {  	[dreg:$0x0] =	wrdreg $0xFFFFFFFF;
	(pc) =	sbr.abs _section_cstart, $3  }
0xc1: {  	[dreg:$0x1] =	wrdreg $0xFFFFFFFF  }
0xc2: {  	_ =	task.clear_ibuf [dreg:s7], $0x2FFFF;
	_ =	strace $0x9FFFFFFF  }
0xc3: {  	(tm) =	ssettm $0x7FFFFFFF  }
tec
execute0_lowered:
.L_overlay_start_1:
0x0: {  	(tag) =	ssettag $0x1  }
0x1: {  	s5 =	rddreg [dreg:$0x0]  }
0x2: {  	s4 =	rddreg [dreg:$0x1];
	s1 =	srdreg.scid  }
0x3: {  	s0 =	stileid.u32;
	s2 =	rddreg [dreg:$0x2];
	s3 =	simm.s32 $0x0  }
0x4: {  	s11 =	simm.s32 $0x2800;
	s6 =	sand.u32 $0x1, s1;
	s1 =	rddreg [dreg:$0x3]  }
0x5: {  	s14 =	simm.s32 $0x0;
	s7 =	smul.u32 $0x280, s0;
	[smem:$0x7FF] =	sst s3  }
0x6: {  	s9 =	sshll.u32 s0, $0x1;
	s12 =	sshll.u32 s0, $0x6;
	s8 =	smul.u32 $0x2800, s6  }
0x7: {  	s10 =	ssub.s32 $0x2, s6;
	s6 =	sor.u32 s6, s9;
	_ =	strace $0x80000047  }
0x8: {  	s31 =	sshrl.u32 s10, $0x1;
	s6 =	smul.u32 $0x500, s6;
	s8 =	sadd.s32 s7, s8  }
0x9: {  	s12 =	sor.u32 $0x1C01, s12;
	s9 =	ssub.s32 s10, s31;
	s8 =	sshrl.u32 s8, $0x3  }
0xa: {  	s10 =	simm.s32 $0x80;
	s5 =	sadd.s32 s5, s6;
	s8 =	sadd.s32 s8, s4  }
0xb: {  	s4 =	sadd.s32 s7, s2;
	s7 =	smax.u32 s9, $0x1;
	s9 =	simm.s32 $0x1  }
0xc: {  	v0 =	vimm.f32 $1.000000000e+00;
	v1 =	vimm.f32 $0.0e+00;
	s6 =	sadd.s32 $0x1E00, s8;
	s8 =	simm.s32 $0x2880;
	s13 =	sshrl.u32 s4, $0x3  }
.LBB2_1:
0xd: {  	[tilespmem:$0x2800] =	vst v0  }
0xe: {  	[tilespmem:$0x2810] =	vst v0  }
0xf: {  	[tilespmem:$0x2820] =	vst v0  }
0x10: {  	[tilespmem:$0x2830] =	vst v0  }
0x11: {  	[tilespmem:$0x2840] =	vst v0  }
0x12: {  	[tilespmem:$0x2850] =	vst v0  }
0x13: {  	[tilespmem:$0x2860] =	vst v0  }
0x14: {  	[tilespmem:$0x2870] =	vst v0  }
0x15: {  	[tilespmem:$0x2880] =	vst v1  }
0x16: {  	[tilespmem:$0x2890] =	vst v1  }
0x17: {  	[tilespmem:$0x28A0] =	vst v1  }
0x18: {  	[tilespmem:$0x28B0] =	vst v1  }
0x19: {  	[tilespmem:$0x28C0] =	vst v1  }
0x1a: {  	[tilespmem:$0x28D0] =	vst v1  }
0x1b: {  	[tilespmem:$0x28E0] =	vst v1  }
0x1c: {  	[tilespmem:$0x28F0] =	vst v1  }
0x1d: {  	[tilespmem:$0x2900] =	vst v1  }
0x1e: {  	[tilespmem:$0x2910] =	vst v1  }
0x1f: {  	[tilespmem:$0x2920] =	vst v1  }
0x20: {  	[tilespmem:$0x2930] =	vst v1  }
0x21: {  	[tilespmem:$0x2940] =	vst v1  }
0x22: {  	[tilespmem:$0x2950] =	vst v1  }
0x23: {  	[tilespmem:$0x2960] =	vst v1  }
0x24: {  	[tilespmem:$0x2970] =	vst v1  }
0x25: {  	[tilespmem:$0x2980] =	vst v1  }
0x26: {  	[tilespmem:$0x2990] =	vst v1  }
0x27: {  	[tilespmem:$0x29A0] =	vst v1  }
0x28: {  	[tilespmem:$0x29B0] =	vst v1  }
0x29: {  	[tilespmem:$0x29C0] =	vst v1  }
0x2a: {  	[tilespmem:$0x29D0] =	vst v1  }
0x2b: {  	[tilespmem:$0x29E0] =	vst v1  }
0x2c: {  	[tilespmem:$0x29F0] =	vst v1  }
0x2d: {  	[tilespmem:$0x2A00] =	vst v1  }
0x2e: {  	[tilespmem:$0x2A10] =	vst v1  }
0x2f: {  	[tilespmem:$0x2A20] =	vst v1  }
0x30: {  	[tilespmem:$0x2A30] =	vst v1  }
0x31: {  	[tilespmem:$0x2A40] =	vst v1  }
0x32: {  	[tilespmem:$0x2A50] =	vst v1  }
0x33: {  	[tilespmem:$0x2A60] =	vst v1  }
0x34: {  	[tilespmem:$0x2A70] =	vst v1  }
0x35: {  	[tilespmem:$0x2A80] =	vst v1  }
0x36: {  	[tilespmem:$0x2A90] =	vst v1  }
0x37: {  	[tilespmem:$0x2AA0] =	vst v1  }
0x38: {  	[tilespmem:$0x2AB0] =	vst v1  }
0x39: {  	[tilespmem:$0x2AC0] =	vst v1  }
0x3a: {  	[tilespmem:$0x2AD0] =	vst v1  }
0x3b: {  	[tilespmem:$0x2AE0] =	vst v1  }
0x3c: {  	[tilespmem:$0x2AF0] =	vst v1  }
0x3d: {  	[spmem:s4] =	stream.linear.scatter [tilespmem:s8], [sflag:$0x1], $0x280, $0x38;
	[tilespmem:$0x2D80] =	vst v63  }
0x3e: {  	_ =	swait.ge [sflag:s9], $0x280  }
0x3f: {  	[sflag:s9] =	ssyncset.done $0x0  }
0x40: {  	[sflag:s9] =	ssyncadd.s32 $0xFFFFFD80  }
0x41: {  	[bflag:$0x0] =	sbarrier.arrive $0xFFFF  }
0x42: {  	[tilespmem:s3], [sflag:$0x1] =	stream.linear.gather [hbm4b:s5+s3], $0x2800, $0x38;
	[tilespmem:$0x2D80] =	vst v63  }
0x43: {  	_ =	swait.ge [sflag:s9], $0x2800  }
0x44: {  	[sflag:s9] =	ssyncset.done $0x0  }
0x45: {  	s15 =	simm.s32 $0x0;
	[sflag:s9] =	ssyncadd.s32 $0xFFFFD800  }
0x46: {  	[spmem:s2] =	stream.indirect.scatter.add.f32 [tilespmem:s11], [sflag:$0x1], $0x1, s15, s10, $0xb8;
	[tilespmem:$0x2D80] =	vst v63  }
0x47: {  	_ =	swait.ge [sflag:s9], $0x80  }
0x48: {  	s15 =	simm.s32 $0x200;
	[sflag:s9] =	ssyncset.done $0x0  }
.LBB2_2:
0x49: {  	s16 =	sshra.s32 s15, $0x2;
	[sflag:s9] =	ssyncadd.s32 $0xFFFFFF80;
	p0 =	sne.s32 s15, $0x9E00  }
0x4a: {  	[spmem:s2] =	stream.indirect.scatter.add.f32 [tilespmem:s11], [sflag:$0x1], $0x1, s16, s10, $0xb8;
	[tilespmem:$0x2D80] =	vst v63  }
.Ltmp0:
0x4b: {  	_ = 	snop;
	(pc) =	sbr.rel @p0 .LBB2_2-.Ltmp0, $4  }
0x4c: {  	_ = 	snop  }
0x4d: {  	s15 =	sadd.s32 $0x200, s15  }
0x4e: {  	_ =	swait.ge [sflag:s9], $0x80  }
0x4f: {  	[sflag:s9] =	ssyncset.done $0x0  }
0x50: {  	s14 =	sadd.s32 $0x1, s14  }
0x51: {  	[sflag:s9] =	ssyncadd.s32 $0xFFFFFF80;
	p0 =	sne.s32 s14, s7  }
.Ltmp1:
0x52: {  	[bflag:$0x0] =	sbarrier.arrive $0xFFFF;
	(pc) =	sbr.rel @p0 .LBB2_1-.Ltmp1, $4  }
0x53: {  	[hbm:s6], [sflag:s12] =	dma.local [spmem:s13], $0x50  }
0x54: {  	_ =	swait.ge [sflag:s9], $0x50  }
0x55: {  	[sflag:s9] =	ssyncset.done $0x0  }
0x56: {  	[sflag:s9] =	ssyncadd.s32 $0xFFFFFFB0  }
0x57: {  	_ =	sfence.sel $0x180000  }
0x58: {  	[bflag:$0x0] =	sbarrier.arrive $0xFFFF  }
0x59: {  	p0 =	sne.s32 s0, $0x0;
	_ =	strace $0x90000047  }
0x5a: {  	s0 =	sadd.s32 @!p0 $0x100000, s1;
	[bflag:$0x2] =	sbarrier.arrive $0xFFFF  }
0x5b: {  	[sflag:s0] =	ssyncadd.tile.s32 @!p0 $0x1;
	_ =	shalt  }
.Lfunc_end2:
_tile_overlayer_lowered:
.L_overlay_start_2:
0x5c: {  	(tag) =	ssettag $0x2  }
0x5d: {  	s0 =	rddreg [dreg:$0x0];
	s2 =	stileid.u32  }
0x5e: {  	s1 =	rddreg [dreg:$0x1];
	p0 =	sne.s32 s2, $0x0  }
0x5f: {  	s3 =	rddreg [dreg:$0x2];
	[bflag:$0x3] =	sbarrier.arrive $0xFFFF;
	s2 =	simm.s32 @!p0 $0x1C01  }
0x60: {  	[timem:s3], [sflag:s2] =	dma.local @!p0 [hbm:s0], s1  }
0x61: {  	s0 =	simm.s32 @!p0 $0x1  }
0x62: {  	_ =	swait.ge @!p0 [sflag:s0], s1  }
0x63: {  	s1 =	ssub.s32 @!p0 $0x0, s1;
	[sflag:s0] =	ssyncset.done @!p0 $0x0  }
0x64: {  	[sflag:s0] =	ssyncadd.s32 @!p0 s1  }
0x65: {  	[bflag:$0x3] =	sbarrier.arrive $0xFFFF  }
0x66: {  	_ =	shalt  }

// kernel: kernel.9.cloned.1.call-start
scs
__scs_entry_jumppad:
0x0: {  	(pc) =	sbr.rel $0x88, $3  }
0x1: {  	(tag) =	ssettag $0x0;
	lr =	simm.s32 $0x1  }
0x2: {  	[smem:$0x3F9D] =	sst lr;
	_ =	strace $0xD0000000  }
0x3: {  	_ = 	snop  }
0x4: {  	_ = 	snop  }
0x5: {  	_ = 	snop  }
0x6: {  	_ = 	snop  }
0x7: {  	_ = 	snop  }
__scs_overlays_trampoline_lowered:
0x8: {  	[smem:$0x3FAC] =	sst s0  }
0x9: {  	[smem:$0x3FAD] =	sst s1  }
0xa: {  	[smem:$0x3FAE] =	sst s2  }
0xb: {  	[smem:$0x3FAF] =	sst s3  }
0xc: {  	[smem:$0x3FB0] =	sst s4  }
0xd: {  	[smem:$0x3FB1] =	sst s5  }
0xe: {  	[smem:$0x3FB2] =	sst s6  }
0xf: {  	[smem:$0x3FB3] =	sst s7  }
0x10: {  	[smem:$0x3FB4] =	sst s8  }
0x11: {  	[smem:$0x3FB5] =	sst s9;
	s0 =	simm.s32 @!p0 $0x0  }
0x12: {  	s1 =	sld [smem:$0x3F9B];
	s0 =	simm.s32 @p0 $0x1  }
0x13: {  	[smem:$0x3FB6] =	sst s0;
	s0 =	simm.s32 @!p1 $0x0  }
0x14: {  	s2 =	sld [smem:$0x3F9A];
	s0 =	simm.s32 @p1 $0x1  }
0x15: {  	[smem:$0x3FB7] =	sst s0;
	s0 =	simm.s32 @!p2 $0x0  }
0x16: {  	s3 =	sld [smem:$0x3FDB];
	s0 =	simm.s32 @p2 $0x1  }
0x17: {  	s4 =	simm.s32 $0x1BF5;
	[smem:$0x3FB9] =	sst s0  }
0x18: {  	s0 =	sld [smem:$0x3F9C];
	_ =	swait.ge [sflag:s4], $0x0  }
0x19: {  	s7 =	sld [smem:$0x3F9D]  }
0x1a: {  	s8 =	sadd.s32 $0xFFFFE003, lr  }
0x1b: {  	s9 =	sadd.s32 $0xFFFFFEF7, lr;
	s5 =	simm.s32 $0xFFFFFFFF;
	p2 =	slt.u32 s8, $0xFFFFF086  }
0x1c: {  	p1 =	slt.u32 s9, $0xF7A;
	s5 =	simm.s32 @!p2 $0x0  }
0x1d: {  	s5 =	simm.s32 @p1 $0x1;
	p0 =	seq.s32 s7, s2  }
0x1e: {  	s7 =	smul.u32 @!p0 $0xF7A, s2;
	p2 =	seq.s32 @!p0 s5, $0x0  }
0x1f: {  	s9 =	smul.u32 $0xF7A, s1;
	s8 =	simm.s32 @!p0 $0x1BF5;
	p2 =	por !p2, p0  }
0x20: {  	[sflag:s8] =	ssyncset.s32 @!p0 $0xFFFFF086;
	s6 =	sadd.s32 @!p0 s3, s7;
	s7 =	simm.s32 @!p0 $0x108  }
0x21: {  	s3 =	sadd.s32 s3, s9;
	s6 =	sadd.s32 @!p0 $0x88, s6;
	s7 =	simm.s32 @p2 $0x1082  }
0x22: {  	[simem:s7], [sflag:s8] =	dma.local @!p0 [hbm:s6], $0xF7A  }
0x23: {  	s9 =	sor.u32 $0xD0000000, s2;
	s6 =	simm.s32 $0x108;
	_ =	swait.ge @!p0 [sflag:s8], $0x0  }
0x24: {  	s3 =	sadd.s32 $0x88, s3;
	s6 =	simm.s32 @!p1 $0x1082;
	[sflag:s4] =	ssyncset.s32 $0xFFFFF086  }
0x25: {  	[simem:s6], [sflag:s4] =	dma.local [hbm:s3], $0xF7A  }
0x26: {  	[smem:$0x3F9D] =	sst s1;
	(tag) =	ssettag s2;
	_ =	strace s9  }
0x27: {  	s1 =	sld [smem:$0x3FAD]  }
0x28: {  	s2 =	sld [smem:$0x3FAE]  }
0x29: {  	s4 =	sld [smem:$0x3FB0]  }
0x2a: {  	p0 =	seq.s32 s5, $0x0;
	s5 =	sld [smem:$0x3FB1]  }
0x2b: {  	s6 =	sld [smem:$0x3FB2]  }
0x2c: {  	s7 =	sld [smem:$0x3FB3]  }
0x2d: {  	s3 =	simm.s32 $0x108;
	s8 =	sld [smem:$0x3FB4]  }
0x2e: {  	s3 =	simm.s32 @!p0 $0x1082;
	s9 =	sld [smem:$0x3FB5]  }
0x2f: {  	lr =	sadd.s32 s0, s3;
	s0 =	sld [smem:$0x3FAC]  }
0x30: {  	s3 =	sld [smem:$0x3FAF]  }
0x31: {  	[smem:$0x3FB8] =	sst s10  }
0x32: {  	s10 =	sld [smem:$0x3FB6];
	_ =	sdelay $0x3  }
0x33: {  	p0 =	seq.s32 s10, $0x1;
	s10 =	sld [smem:$0x3FB8];
	_ =	sdelay $0x3  }
0x34: {  	[smem:$0x3FB8] =	sst s10  }
0x35: {  	s10 =	sld [smem:$0x3FB7];
	_ =	sdelay $0x3  }
0x36: {  	p1 =	seq.s32 s10, $0x1;
	s10 =	sld [smem:$0x3FB8];
	_ =	sdelay $0x3  }
0x37: {  	[smem:$0x3FB8] =	sst s10  }
0x38: {  	s10 =	sld [smem:$0x3FB9]  }
0x39: {  	_ = 	snop;
	(pc) =	sbr.ind lr, $3  }
0x3a: {  	_ = 	snop  }
0x3b: {  	_ = 	snop  }
0x3c: {  	p2 =	seq.s32 s10, $0x1;
	s10 =	sld [smem:$0x3FB8]  }
0x3d: {  	_ =	shalt  }
0x3e: {  	_ =	shalt  }
0x3f: {  	_ =	shalt  }
0x40: {  	_ =	shalt  }
0x41: {  	_ =	shalt  }
0x42: {  	_ =	shalt  }
0x43: {  	_ =	shalt  }
0x44: {  	_ =	shalt  }
0x45: {  	_ =	shalt  }
0x46: {  	_ =	shalt  }
0x47: {  	_ =	shalt  }
0x48: {  	_ =	shalt  }
0x49: {  	_ =	shalt  }
0x4a: {  	_ =	shalt  }
0x4b: {  	_ =	shalt  }
0x4c: {  	_ =	shalt  }
0x4d: {  	_ =	shalt  }
0x4e: {  	_ =	shalt  }
0x4f: {  	_ =	shalt  }
0x50: {  	_ =	shalt  }
0x51: {  	_ =	shalt  }
0x52: {  	_ =	shalt  }
0x53: {  	_ =	shalt  }
0x54: {  	_ =	shalt  }
0x55: {  	_ =	shalt  }
0x56: {  	_ =	shalt  }
0x57: {  	_ =	shalt  }
0x58: {  	_ =	shalt  }
0x59: {  	_ =	shalt  }
0x5a: {  	_ =	shalt  }
0x5b: {  	_ =	shalt  }
0x5c: {  	_ =	shalt  }
0x5d: {  	_ =	shalt  }
0x5e: {  	_ =	shalt  }
0x5f: {  	_ =	shalt  }
0x60: {  	_ =	shalt  }
0x61: {  	_ =	shalt  }
0x62: {  	_ =	shalt  }
0x63: {  	_ =	shalt  }
0x64: {  	_ =	shalt  }
0x65: {  	_ =	shalt  }
0x66: {  	_ =	shalt  }
0x67: {  	_ =	shalt  }
0x68: {  	_ =	shalt  }
0x69: {  	_ =	shalt  }
0x6a: {  	_ =	shalt  }
0x6b: {  	_ =	shalt  }
0x6c: {  	_ =	shalt  }
0x6d: {  	_ =	shalt  }
0x6e: {  	_ =	shalt  }
0x6f: {  	_ =	shalt  }
0x70: {  	_ =	shalt  }
0x71: {  	_ =	shalt  }
0x72: {  	_ =	shalt  }
0x73: {  	_ =	shalt  }
0x74: {  	_ =	shalt  }
0x75: {  	_ =	shalt  }
0x76: {  	_ =	shalt  }
0x77: {  	_ =	shalt  }
0x78: {  	_ =	shalt  }
0x79: {  	_ =	shalt  }
0x7a: {  	_ =	shalt  }
0x7b: {  	_ =	shalt  }
0x7c: {  	_ =	shalt  }
0x7d: {  	_ =	shalt  }
0x7e: {  	_ =	shalt  }
0x7f: {  	_ =	shalt  }
0x80: {  	_ =	shalt  }
0x81: {  	_ =	shalt  }
0x82: {  	_ =	shalt  }
0x83: {  	_ =	shalt  }
0x84: {  	_ =	shalt  }
0x85: {  	_ =	shalt  }
0x86: {  	_ =	shalt  }
0x87: {  	_ =	shalt  }
.Lfunc_end0:
.L_simem_size_0:
called_computation.1_lowered:
.L_overlay_start_0:
0x88: {  	s2 =	sld [smem:$0x3FD9]  }
0x89: {  	s3 =	sld [smem:$0x3FFE];
	_ =	sdelay $0x1  }
0x8a: {  	s1 =	srdreg.scid  }
0x8b: {  	s0 =	sand.u32 $0x1, s1  }
0x8c: {  	s17 =	sshll.u32 s0, $0xA;
	s2 =	sadd.s32 s3, s2  }
0x8d: {  	s2 =	sadd.s32 s2, s17  }
0x8e: {  	[smem:$0x3FC4] =	sst s2  }
0x8f: {  	_ = 	snop  }
0x90: {  	s2 =	sld [smem:$0x3FD0];
	(tm) =	ssettm $0x1  }
0x91: {  	s18 =	sld [smem:$0x3FFB];
	_ =	sdelay $0x3  }
0x92: {  	_ =	strace s18  }
0x93: {  	s3 =	sld [smem:$0x3FFC];
	_ =	sdelay $0x3  }
0x94: {  	_ =	strace s3  }
0x95: {  	s3 =	sld [smem:$0x3FFD];
	_ =	sdelay $0x3  }
0x96: {  	_ =	strace s3  }
0x97: {  	_ =	strace $0x8FFFFFFF  }
0x98: {  	s19 =	sld [smem:$0x3FDB];
	_ =	sdelay $0x1  }
0x99: {  	s4 =	simm.s32 $_scs_section_size  }
0x9a: {  	s5 =	simm.s32 $_size__tile_overlayer_lowered;
	s6 =	simm.s32 $_tile_overlayer_lowered  }
0x9b: {  	s22 =	simm.s32 $0x1BFF;
	s21 =	sshll.u32 s6, $0x1;
	s3 =	sadd.s32 s4, s19  }
0x9c: {  	s7 =	simm.s32 $0x0;
	s20 =	sshll.u32 s5, $0x1;
	s5 =	sadd.s32 s21, s3  }
0x9d: {  	[timem:s7], [sflag:s22] =	dma.local [hbm:s5], s20  }
0x9e: {  	_ =	swait.ge [sflag:s22], s20  }
0x9f: {  	s4 =	ssub.s32 $0x0, s20;
	[sflag:s22] =	ssyncset.done $0x0  }
0xa0: {  	[sflag:s22] =	ssyncadd.s32 s4;
	_ =	sdelay $0x1  }
0xa1: {  	s23 =	simm.s32 $0x1B8B  }
0xa2: {  	_ =	swait.ge [sflag:s23], $0x1  }
0xa3: {  	[sflag:s23] =	ssyncset.done $0x0  }
0xa4: {  	s25 =	simm.s32 $0x1B8E;
	s24 =	sld [smem:$0x3FFE];
	[sflag:s23] =	ssyncadd.s32 $0xFFFFFFFF  }
0xa5: {  	s26 =	simm.s32 $execute0_lowered;
	[smem:$0x3FD2] =	sst s25  }
0xa6: {  	s5 =	sshll.u32 s26, $0x1;
	_ =	strace $0x80000049;
	[dreg:$0x1] =	wrdreg $0xFFFFFFFF  }
0xa7: {  	s28 =	simm.s32 $_size_execute0_lowered;
	s3 =	sadd.s32 s3, s5;
	[dreg:$0x0] =	wrdreg $0x0  }
0xa8: {  	s5 =	sshll.u32 s28, $0x1;
	[dreg:$0x2] =	wrdreg s3  }
0xa9: {  	[dreg:$0x3] =	wrdreg s5  }
0xaa: {  	[dreg:$0x4] =	wrdreg $0xC0  }
0xab: {  	_ =	task [dreg:s7], $0x5FFFF  }
0xac: {  	[dreg:$0x1] =	wrdreg $0xFFFFFFFF  }
0xad: {  	[dreg:$0x0] =	wrdreg $0x60  }
0xae: {  	[dreg:$0x2] =	wrdreg s24  }
0xaf: {  	[dreg:$0x3] =	wrdreg s2  }
0xb0: {  	[dreg:$0x4] =	wrdreg $0xA8000  }
0xb1: {  	[dreg:$0x5] =	wrdreg $0x9  }
0xb2: {  	_ =	task.clear_ibuf [dreg:s7], $0x6FFFF;
	_ =	strace $0x90000049  }
0xb3: {  	s29 =	simm.s32 $0x9;
	_ =	strace $0x8000004B  }
0xb4: {  	_ =	swait.ge [sflag:s29], $0x1  }
0xb5: {  	[sflag:s29] =	ssyncadd.s32 $0xFFFFFFFF  }
0xb6: {  	_ =	strace $0x9000004B  }
0xb7: {  	_ =	sfence  }
0xb8: {  	s30 =	sld [smem:$0x0];
	_ =	sdelay $0x2  }
0xb9: {  	s31 =	sshll.u32 s1, $0xD;
	s1 =	sshrl.u32 s1, $0x2  }
0xba: {  	s3 =	sand.u32 $0x4000, s31;
	s1 =	sadd.s32 s1, s30  }
0xbb: {  	s0 =	sor.u32 s3, s0;
	s1 =	sshll.u32 s1, $0x11  }
0xbc: {  	s0 =	sor.u32 s1, s0  }
0xbd: {  	s0 =	sadd.s32 $0x8F2B, s0  }
0xbe: {  	[sflag:s0] =	ssyncadd.remote.s32 $0x1  }
0xbf: {  	_ =	sfence.sel $0xFFFF  }
0xc0: {  	[dreg:$0x0] =	wrdreg $0xFFFFFFFF;
	(pc) =	sbr.abs _section_cstart, $3  }
0xc1: {  	[dreg:$0x1] =	wrdreg $0xFFFFFFFF  }
0xc2: {  	_ =	task.clear_ibuf [dreg:s7], $0x2FFFF;
	_ =	strace $0x9FFFFFFF  }
0xc3: {  	(tm) =	ssettm $0x7FFFFFFF  }
tec
execute0_lowered:
.L_overlay_start_1:
0x0: {  	(tag) =	ssettag $0x1  }
0x1: {  	s0 =	rddreg [dreg:$0x0]  }
0x2: {  	s2 =	rddreg [dreg:$0x1]  }
0x3: {  	s3 =	rddreg [dreg:$0x2];
	s1 =	srdreg.scid  }
0x4: {  	s10 =	stileid.u32;
	s4 =	simm.s32 $0x0;
	s28 =	simm.s32 $0x1400  }
0x5: {  	s29 =	simm.s32 $0x40;
	s30 =	simm.s32 $0x80;
	s5 =	smul.u32 $0x2800, s10  }
0x6: {  	s1 =	sand.u32 $0x1, s1;
	s7 =	smul.u32 $0x50000, s10;
	s10 =	sshll.u32 s10, $0x1  }
0x7: {  	s6 =	smul.u32 $0x28000, s1;
	s26 =	ssub.s32 $0x2, s1;
	s1 =	sor.u32 s1, s10  }
0x8: {  	s31 =	simm.s32 $0x4800;
	[smem:$0x7FF] =	sst s4;
	s16 =	smul.u32 $0x5000, s1  }
0x9: {  	s8 =	sadd.s32 $0x16800, s0;
	s9 =	sadd.s32 $0x2800, s0;
	s1 =	smul.u32 $0xA00, s1  }
0xa: {  	_ =	strace $0x8000004A;
	s11 =	sshrl.u32 s7, $0x2;
	s5 =	sadd.s32 s5, s6  }
0xb: {  	s0 =	sadd.s32 s5, s0;
	s5 =	sadd.s32 s11, s3;
	s11 =	sadd.s32 s8, s1  }
0xc: {  	s10 =	simm.s32 $0x4;
	s1 =	sadd.s32 s9, s1;
	[dreg:$0xd] =	wrdreg s11  }
0xd: {  	s12 =	sshrl.u32 s26, $0x1;
	s13 =	sadd.s32 $0x2000, s5;
	[dreg:$0xe] =	wrdreg s1  }
0xe: {  	s6 =	ssub.s32 s26, s12;
	s14 =	sadd.s32 $0x4000, s5;
	[dreg:$0x4] =	wrdreg s13  }
0xf: {  	s12 =	simm.s32 $0x2600;
	s15 =	sadd.s32 $0x6000, s5;
	[dreg:$0x5] =	wrdreg s14  }
0x10: {  	s7 =	sshrl.u32 s16, $0x3;
	s17 =	sadd.s32 $0x8000, s5;
	[dreg:$0x6] =	wrdreg s15  }
0x11: {  	s18 =	sadd.s32 $0xA000, s5;
	s19 =	sadd.s32 $0xC000, s5;
	[dreg:$0x7] =	wrdreg s17  }
0x12: {  	s20 =	sadd.s32 $0xE000, s5;
	s21 =	sadd.s32 $0x10000, s5;
	[dreg:$0x8] =	wrdreg s18  }
0x13: {  	s22 =	sadd.s32 $0x12000, s5;
	s23 =	sadd.s32 $0x280, s7;
	[dreg:$0x9] =	wrdreg s19  }
0x14: {  	s26 =	sadd.s32 $0x500, s7;
	s7 =	sadd.s32 $0x780, s7;
	[dreg:$0xa] =	wrdreg s20  }
0x15: {  	s1 =	simm.s32 $0x6800;
	s11 =	simm.s32 $0x1380;
	[dreg:$0xb] =	wrdreg s21  }
0x16: {  	[dreg:$0xc] =	wrdreg s22;
	s24 =	sadd.s32 s8, s23;
	s25 =	sadd.s32 s9, s23  }
0x17: {  	s19 =	sadd.s32 s8, s26;
	s20 =	sadd.s32 s9, s26;
	s21 =	sadd.s32 s8, s7  }
0x18: {  	s22 =	sadd.s32 s9, s7;
	s23 =	sadd.s32 $0x2A800, s0;
	s26 =	simm.s32 $0x5  }
0x19: {  	s0 =	simm.s32 $0x100;
	s7 =	simm.s32 $0x8800;
	s8 =	simm.s32 $0x2  }
0x1a: {  	s9 =	simm.s32 $0x3;
	s13 =	simm.s32 $0x2680;
	[dreg:$0xf] =	wrdreg s24  }
0x1b: {  	s14 =	simm.s32 $0x2700;
	s15 =	simm.s32 $0x2780;
	[dreg:$0x10] =	wrdreg s25  }
0x1c: {  	v0 =	vimm.f32 $0.0e+00;
	s24 =	smax.u32 s6, $0x1;
	s25 =	simm.s32 $0x2800;
	s6 =	simm.s32 $0x1  }
.LBB2_1:
0x1d: {  	s16 =	simm.s32 $0x0;
	s17 =	simm.s32 $0x200  }
.LBB2_2:
0x1e: {  	p0 =	sne.s32 s17, $0x7E00;
	[tilespmem:s16+$0x2870] =	vst v0  }
0x1f: {  	[tilespmem:s16+$0x2800] =	vst v0  }
0x20: {  	[tilespmem:s16+$0x2810] =	vst v0  }
.Ltmp0:
0x21: {  	[tilespmem:s16+$0x2820] =	vst v0;
	(pc) =	sbr.rel @p0 .LBB2_2-.Ltmp0, $4  }
0x22: {  	[tilespmem:s16+$0x2830] =	vst v0  }
0x23: {  	[tilespmem:s16+$0x2840] =	vst v0  }
0x24: {  	[tilespmem:s16+$0x2850] =	vst v0  }
0x25: {  	[tilespmem:s16+$0x2860] =	vst v0;
	s16 =	sshra.s32 s17, $0x2;
	s17 =	sadd.s32 $0x200, s17  }
0x26: {  	[tilespmem:s16+$0x2870] =	vst v0  }
0x27: {  	[tilespmem:s16+$0x2800] =	vst v0  }
0x28: {  	[tilespmem:s16+$0x2810] =	vst v0  }
0x29: {  	[tilespmem:s16+$0x2820] =	vst v0  }
0x2a: {  	[tilespmem:s16+$0x2830] =	vst v0  }
0x2b: {  	[tilespmem:s16+$0x2840] =	vst v0  }
0x2c: {  	[tilespmem:s16+$0x2850] =	vst v0  }
0x2d: {  	[tilespmem:s16+$0x2860] =	vst v0  }
0x2e: {  	[spmem:s5] =	stream.linear.scatter [tilespmem:s25], [sflag:$0x5], $0x2000, $0x38;
	[tilespmem:$0x1E800] =	vst v63  }
0x2f: {  	_ =	swait.ge [sflag:s26], $0x2000  }
0x30: {  	[sflag:s26] =	ssyncset.done $0x0  }
0x31: {  	s17 =	rddreg [dreg:$0x4];
	[sflag:s26] =	ssyncadd.s32 $0xFFFFE000  }
0x32: {  	[spmem:s17] =	stream.linear.scatter [tilespmem:s25], [sflag:$0x5], $0x2000, $0x38;
	[tilespmem:$0x1E800] =	vst v63  }
0x33: {  	_ =	swait.ge [sflag:s26], $0x2000  }
0x34: {  	[sflag:s26] =	ssyncset.done $0x0  }
0x35: {  	s18 =	rddreg [dreg:$0x5];
	[sflag:s26] =	ssyncadd.s32 $0xFFFFE000  }
0x36: {  	[spmem:s18] =	stream.linear.scatter [tilespmem:s25], [sflag:$0x5], $0x2000, $0x38;
	[tilespmem:$0x1E800] =	vst v63  }
0x37: {  	_ =	swait.ge [sflag:s26], $0x2000  }
0x38: {  	[sflag:s26] =	ssyncset.done $0x0  }
0x39: {  	s17 =	rddreg [dreg:$0x6];
	[sflag:s26] =	ssyncadd.s32 $0xFFFFE000  }
0x3a: {  	[spmem:s17] =	stream.linear.scatter [tilespmem:s25], [sflag:$0x5], $0x2000, $0x38;
	[tilespmem:$0x1E800] =	vst v63  }
0x3b: {  	_ =	swait.ge [sflag:s26], $0x2000  }
0x3c: {  	[sflag:s26] =	ssyncset.done $0x0  }
0x3d: {  	s18 =	rddreg [dreg:$0x7];
	[sflag:s26] =	ssyncadd.s32 $0xFFFFE000  }
0x3e: {  	[spmem:s18] =	stream.linear.scatter [tilespmem:s25], [sflag:$0x5], $0x2000, $0x38;
	[tilespmem:$0x1E800] =	vst v63  }
0x3f: {  	_ =	swait.ge [sflag:s26], $0x2000  }
0x40: {  	[sflag:s26] =	ssyncset.done $0x0  }
0x41: {  	s17 =	rddreg [dreg:$0x8];
	[sflag:s26] =	ssyncadd.s32 $0xFFFFE000  }
0x42: {  	[spmem:s17] =	stream.linear.scatter [tilespmem:s25], [sflag:$0x5], $0x2000, $0x38;
	[tilespmem:$0x1E800] =	vst v63  }
0x43: {  	_ =	swait.ge [sflag:s26], $0x2000  }
0x44: {  	[sflag:s26] =	ssyncset.done $0x0  }
0x45: {  	s18 =	rddreg [dreg:$0x9];
	[sflag:s26] =	ssyncadd.s32 $0xFFFFE000  }
0x46: {  	[spmem:s18] =	stream.linear.scatter [tilespmem:s25], [sflag:$0x5], $0x2000, $0x38;
	[tilespmem:$0x1E800] =	vst v63  }
0x47: {  	_ =	swait.ge [sflag:s26], $0x2000  }
0x48: {  	[sflag:s26] =	ssyncset.done $0x0  }
0x49: {  	s17 =	rddreg [dreg:$0xa];
	[sflag:s26] =	ssyncadd.s32 $0xFFFFE000  }
0x4a: {  	[spmem:s17] =	stream.linear.scatter [tilespmem:s25], [sflag:$0x5], $0x2000, $0x38;
	[tilespmem:$0x1E800] =	vst v63  }
0x4b: {  	_ =	swait.ge [sflag:s26], $0x2000  }
0x4c: {  	[sflag:s26] =	ssyncset.done $0x0  }
0x4d: {  	s18 =	rddreg [dreg:$0xb];
	[sflag:s26] =	ssyncadd.s32 $0xFFFFE000  }
0x4e: {  	[spmem:s18] =	stream.linear.scatter [tilespmem:s25], [sflag:$0x5], $0x2000, $0x38;
	[tilespmem:$0x1E800] =	vst v63  }
0x4f: {  	_ =	swait.ge [sflag:s26], $0x2000  }
0x50: {  	[sflag:s26] =	ssyncset.done $0x0  }
0x51: {  	s17 =	rddreg [dreg:$0xc];
	[sflag:s26] =	ssyncadd.s32 $0xFFFFE000  }
0x52: {  	[spmem:s17] =	stream.linear.scatter [tilespmem:s25], [sflag:$0x5], $0x2000, $0x38;
	[tilespmem:$0x1E800] =	vst v63  }
0x53: {  	_ =	swait.ge [sflag:s26], $0x2000  }
0x54: {  	[sflag:s26] =	ssyncset.done $0x0  }
0x55: {  	[sflag:s26] =	ssyncadd.s32 $0xFFFFE000  }
0x56: {  	[bflag:$0x0] =	sbarrier.arrive $0xFFFF  }
0x57: {  	s16 =	simm.s32 $0x0;
	s17 =	rddreg [dreg:$0xd]  }
0x58: {  	[tilespmem:s16], [sflag:$0x5] =	stream.linear.gather [hbm4b:s17+s16], $0x1400, $0x38;
	[tilespmem:$0x1E800] =	vst v63  }
0x59: {  	_ =	swait.ge [sflag:s26], $0x1400  }
0x5a: {  	[sflag:s26] =	ssyncset.done $0x0  }
0x5b: {  	s18 =	rddreg [dreg:$0xe];
	[sflag:s26] =	ssyncadd.s32 $0xFFFFEC00  }
0x5c: {  	[tilespmem:s28], [sflag:$0x5] =	stream.linear.gather [hbm4b:s18+s16], $0x1400, $0x38;
	[tilespmem:$0x1E800] =	vst v63  }
0x5d: {  	_ =	swait.ge [sflag:s26], $0x1400  }
0x5e: {  	[sflag:s26] =	ssyncset.done $0x0  }
0x5f: {  	[sflag:s26] =	ssyncadd.s32 $0xFFFFEC00  }
0x60: {  	[tilespmem:s25], [sflag:$0x1] =	stream.indirect.gather [hbm4b:s2+s29], $0x80, s16, s29, $0xb8;
	[tilespmem:$0x1E800] =	vst v63  }
0x61: {  	_ = 	snop  }
0x62: {  	[tilespmem:s31], [sflag:$0x2] =	stream.indirect.gather [hbm4b:s2+s29], $0x80, s30, s29, $0xb8;
	[tilespmem:$0x1E800] =	vst v63  }
0x63: {  	_ = 	snop  }
0x64: {  	[tilespmem:s1], [sflag:$0x3] =	stream.indirect.gather [hbm4b:s2+s29], $0x80, s0, s29, $0xb8;
	[tilespmem:$0x1E800] =	vst v63  }
0x65: {  	_ =	swait.ge [sflag:s6], $0x2000  }
0x66: {  	[sflag:s6] =	ssyncset.done $0x0  }
0x67: {  	s17 =	simm.s32 $0x180;
	[sflag:s6] =	ssyncadd.s32 $0xFFFFE000  }
0x68: {  	[tilespmem:s7], [sflag:$0x4] =	stream.indirect.gather [hbm4b:s2+s29], $0x80, s17, s29, $0xb8;
	[tilespmem:$0x1E800] =	vst v63  }
0x69: {  	s18 =	simm.s32 $0x1400  }
0x6a: {  	[spmem:s3] =	stream.indirect.scatter.add.f32 [tilespmem:s25], [sflag:$0x5], $0x80, s18, s29, $0xb8;
	[tilespmem:$0x1E800] =	vst v63  }
0x6b: {  	_ =	swait.ge [sflag:s26], $0x2000  }
0x6c: {  	[sflag:s26] =	ssyncset.done $0x0  }
0x6d: {  	[sflag:s26] =	ssyncadd.s32 $0xFFFFE000  }
0x6e: {  	_ =	swait.ge [sflag:s8], $0x2000  }
0x6f: {  	[sflag:s8] =	ssyncset.done $0x0  }
0x70: {  	s17 =	simm.s32 $0x200;
	[sflag:s8] =	ssyncadd.s32 $0xFFFFE000  }
0x71: {  	[tilespmem:s25], [sflag:$0x1] =	stream.indirect.gather [hbm4b:s2+s29], $0x80, s17, s29, $0xb8;
	[tilespmem:$0x1E800] =	vst v63  }
0x72: {  	s18 =	simm.s32 $0x1480  }
0x73: {  	[spmem:s3] =	stream.indirect.scatter.add.f32 [tilespmem:s31], [sflag:$0x5], $0x80, s18, s29, $0xb8;
	[tilespmem:$0x1E800] =	vst v63  }
0x74: {  	_ =	swait.ge [sflag:s26], $0x2000  }
0x75: {  	[sflag:s26] =	ssyncset.done $0x0  }
0x76: {  	[sflag:s26] =	ssyncadd.s32 $0xFFFFE000  }
0x77: {  	_ =	swait.ge [sflag:s9], $0x2000  }
0x78: {  	[sflag:s9] =	ssyncset.done $0x0  }
0x79: {  	s17 =	simm.s32 $0x280;
	[sflag:s9] =	ssyncadd.s32 $0xFFFFE000  }
0x7a: {  	[tilespmem:s31], [sflag:$0x2] =	stream.indirect.gather [hbm4b:s2+s29], $0x80, s17, s29, $0xb8;
	[tilespmem:$0x1E800] =	vst v63  }
0x7b: {  	s18 =	simm.s32 $0x1500  }
0x7c: {  	[spmem:s3] =	stream.indirect.scatter.add.f32 [tilespmem:s1], [sflag:$0x5], $0x80, s18, s29, $0xb8;
	[tilespmem:$0x1E800] =	vst v63  }
0x7d: {  	_ =	swait.ge [sflag:s26], $0x2000  }
0x7e: {  	[sflag:s26] =	ssyncset.done $0x0  }
0x7f: {  	[sflag:s26] =	ssyncadd.s32 $0xFFFFE000  }
0x80: {  	_ =	swait.ge [sflag:s10], $0x2000  }
0x81: {  	[sflag:s10] =	ssyncset.done $0x0  }
0x82: {  	s17 =	simm.s32 $0x300;
	[sflag:s10] =	ssyncadd.s32 $0xFFFFE000  }
0x83: {  	[tilespmem:s1], [sflag:$0x3] =	stream.indirect.gather [hbm4b:s2+s29], $0x80, s17, s29, $0xb8;
	[tilespmem:$0x1E800] =	vst v63  }
0x84: {  	s18 =	simm.s32 $0x1580  }
0x85: {  	[spmem:s3] =	stream.indirect.scatter.add.f32 [tilespmem:s7], [sflag:$0x5], $0x80, s18, s29, $0xb8;
	[tilespmem:$0x1E800] =	vst v63  }
0x86: {  	_ =	swait.ge [sflag:s26], $0x2000  }
0x87: {  	s16 =	simm.s32 $0x800;
	[sflag:s26] =	ssyncset.done $0x0  }
.LBB2_4:
0x88: {  	p0 =	sne.s32 s16, $0x4000  }
0x89: {  	[sflag:s26] =	ssyncadd.s32 $0xFFFFE000;
	s17 =	smov.u32 s16;
	s16 =	sadd.s32 $0x800, s16  }
0x8a: {  	_ = 	snop  }
0x8b: {  	_ =	swait.ge [sflag:s6], $0x2000  }
0x8c: {  	s17 =	sshra.s32 s17, $0x2;
	[sflag:s6] =	ssyncset.done $0x0  }
0x8d: {  	s18 =	sadd.s32 $0x180, s17;
	[sflag:s6] =	ssyncadd.s32 $0xFFFFE000  }
0x8e: {  	[tilespmem:s7], [sflag:$0x4] =	stream.indirect.gather [hbm4b:s2+s29], $0x80, s18, s29, $0xb8;
	[tilespmem:$0x1E800] =	vst v63  }
0x8f: {  	s18 =	sadd.s32 $0x1400, s17  }
0x90: {  	[spmem:s3] =	stream.indirect.scatter.add.f32 [tilespmem:s25], [sflag:$0x5], $0x80, s18, s29, $0xb8;
	[tilespmem:$0x1E800] =	vst v63  }
0x91: {  	_ =	swait.ge [sflag:s26], $0x2000  }
0x92: {  	[sflag:s26] =	ssyncset.done $0x0  }
0x93: {  	[sflag:s26] =	ssyncadd.s32 $0xFFFFE000  }
0x94: {  	_ =	swait.ge [sflag:s8], $0x2000  }
0x95: {  	[sflag:s8] =	ssyncset.done $0x0  }
0x96: {  	s18 =	sadd.s32 $0x200, s17;
	[sflag:s8] =	ssyncadd.s32 $0xFFFFE000  }
0x97: {  	[tilespmem:s25], [sflag:$0x1] =	stream.indirect.gather [hbm4b:s2+s29], $0x80, s18, s29, $0xb8;
	[tilespmem:$0x1E800] =	vst v63  }
0x98: {  	s18 =	sadd.s32 $0x1480, s17  }
0x99: {  	[spmem:s3] =	stream.indirect.scatter.add.f32 [tilespmem:s31], [sflag:$0x5], $0x80, s18, s29, $0xb8;
	[tilespmem:$0x1E800] =	vst v63  }
0x9a: {  	_ =	swait.ge [sflag:s26], $0x2000  }
0x9b: {  	[sflag:s26] =	ssyncset.done $0x0  }
0x9c: {  	[sflag:s26] =	ssyncadd.s32 $0xFFFFE000  }
0x9d: {  	_ =	swait.ge [sflag:s9], $0x2000  }
0x9e: {  	[sflag:s9] =	ssyncset.done $0x0  }
0x9f: {  	s18 =	sadd.s32 $0x280, s17;
	[sflag:s9] =	ssyncadd.s32 $0xFFFFE000  }
0xa0: {  	[tilespmem:s31], [sflag:$0x2] =	stream.indirect.gather [hbm4b:s2+s29], $0x80, s18, s29, $0xb8;
	[tilespmem:$0x1E800] =	vst v63  }
0xa1: {  	s18 =	sadd.s32 $0x1500, s17  }
0xa2: {  	[spmem:s3] =	stream.indirect.scatter.add.f32 [tilespmem:s1], [sflag:$0x5], $0x80, s18, s29, $0xb8;
	[tilespmem:$0x1E800] =	vst v63  }
0xa3: {  	_ =	swait.ge [sflag:s26], $0x2000  }
0xa4: {  	[sflag:s26] =	ssyncset.done $0x0  }
0xa5: {  	[sflag:s26] =	ssyncadd.s32 $0xFFFFE000  }
0xa6: {  	_ =	swait.ge [sflag:s10], $0x2000  }
0xa7: {  	[sflag:s10] =	ssyncset.done $0x0  }
0xa8: {  	s18 =	sadd.s32 $0x300, s17;
	[sflag:s10] =	ssyncadd.s32 $0xFFFFE000  }
0xa9: {  	[tilespmem:s1], [sflag:$0x3] =	stream.indirect.gather [hbm4b:s2+s29], $0x80, s18, s29, $0xb8;
	[tilespmem:$0x1E800] =	vst v63  }
.Ltmp1:
0xaa: {  	_ = 	snop;
	(pc) =	sbr.rel @p0 .LBB2_4-.Ltmp1, $4  }
0xab: {  	s17 =	sadd.s32 $0x1580, s17  }
0xac: {  	[spmem:s3] =	stream.indirect.scatter.add.f32 [tilespmem:s7], [sflag:$0x5], $0x80, s17, s29, $0xb8;
	[tilespmem:$0x1E800] =	vst v63  }
0xad: {  	_ =	swait.ge [sflag:s26], $0x2000  }
0xae: {  	[sflag:s26] =	ssyncset.done $0x0  }
0xaf: {  	[sflag:s26] =	ssyncadd.s32 $0xFFFFE000  }
0xb0: {  	_ =	swait.ge [sflag:s6], $0x2000  }
0xb1: {  	[sflag:s6] =	ssyncset.done $0x0  }
0xb2: {  	[sflag:s6] =	ssyncadd.s32 $0xFFFFE000  }
0xb3: {  	[tilespmem:s7], [sflag:$0x4] =	stream.indirect.gather [hbm4b:s2+s29], $0x80, s11, s29, $0xb8;
	[tilespmem:$0x1E800] =	vst v63  }
0xb4: {  	_ = 	snop  }
0xb5: {  	[spmem:s3] =	stream.indirect.scatter.add.f32 [tilespmem:s25], [sflag:$0x5], $0x80, s12, s29, $0xb8;
	[tilespmem:$0x1E800] =	vst v63  }
0xb6: {  	_ =	swait.ge [sflag:s26], $0x2000  }
0xb7: {  	[sflag:s26] =	ssyncset.done $0x0  }
0xb8: {  	[sflag:s26] =	ssyncadd.s32 $0xFFFFE000  }
0xb9: {  	_ =	swait.ge [sflag:s8], $0x2000  }
0xba: {  	[sflag:s8] =	ssyncset.done $0x0  }
0xbb: {  	[sflag:s8] =	ssyncadd.s32 $0xFFFFE000  }
0xbc: {  	[spmem:s3] =	stream.indirect.scatter.add.f32 [tilespmem:s31], [sflag:$0x5], $0x80, s13, s29, $0xb8;
	[tilespmem:$0x1E800] =	vst v63  }
0xbd: {  	_ =	swait.ge [sflag:s26], $0x2000  }
0xbe: {  	[sflag:s26] =	ssyncset.done $0x0  }
0xbf: {  	[sflag:s26] =	ssyncadd.s32 $0xFFFFE000  }
0xc0: {  	_ =	swait.ge [sflag:s9], $0x2000  }
0xc1: {  	[sflag:s9] =	ssyncset.done $0x0  }
0xc2: {  	[sflag:s9] =	ssyncadd.s32 $0xFFFFE000  }
0xc3: {  	[spmem:s3] =	stream.indirect.scatter.add.f32 [tilespmem:s1], [sflag:$0x5], $0x80, s14, s29, $0xb8;
	[tilespmem:$0x1E800] =	vst v63  }
0xc4: {  	_ =	swait.ge [sflag:s26], $0x2000  }
0xc5: {  	[sflag:s26] =	ssyncset.done $0x0  }
0xc6: {  	[sflag:s26] =	ssyncadd.s32 $0xFFFFE000  }
0xc7: {  	_ =	swait.ge [sflag:s10], $0x2000  }
0xc8: {  	[sflag:s10] =	ssyncset.done $0x0  }
0xc9: {  	[sflag:s10] =	ssyncadd.s32 $0xFFFFE000  }
0xca: {  	[spmem:s3] =	stream.indirect.scatter.add.f32 [tilespmem:s7], [sflag:$0x5], $0x80, s15, s29, $0xb8;
	[tilespmem:$0x1E800] =	vst v63  }
0xcb: {  	_ =	swait.ge [sflag:s26], $0x2000  }
0xcc: {  	[sflag:s26] =	ssyncset.done $0x0  }
0xcd: {  	s16 =	simm.s32 $0x0;
	s17 =	rddreg [dreg:$0xf];
	[sflag:s26] =	ssyncadd.s32 $0xFFFFE000  }
0xce: {  	[tilespmem:s16], [sflag:$0x5] =	stream.linear.gather [hbm4b:s17+s16], $0x1400, $0x38;
	[tilespmem:$0x1E800] =	vst v63  }
0xcf: {  	_ =	swait.ge [sflag:s26], $0x1400  }
0xd0: {  	[sflag:s26] =	ssyncset.done $0x0  }
0xd1: {  	s18 =	rddreg [dreg:$0x10];
	[sflag:s26] =	ssyncadd.s32 $0xFFFFEC00  }
0xd2: {  	[tilespmem:s28], [sflag:$0x5] =	stream.linear.gather [hbm4b:s18+s16], $0x1400, $0x38;
	[tilespmem:$0x1E800] =	vst v63  }
0xd3: {  	_ =	swait.ge [sflag:s26], $0x1400  }
0xd4: {  	[sflag:s26] =	ssyncset.done $0x0  }
0xd5: {  	[sflag:s26] =	ssyncadd.s32 $0xFFFFEC00  }
0xd6: {  	[tilespmem:s25], [sflag:$0x1] =	stream.indirect.gather [hbm4b:s2+s29], $0x80, s16, s29, $0xb8;
	[tilespmem:$0x1E800] =	vst v63  }
0xd7: {  	_ = 	snop  }
0xd8: {  	[tilespmem:s31], [sflag:$0x2] =	stream.indirect.gather [hbm4b:s2+s29], $0x80, s30, s29, $0xb8;
	[tilespmem:$0x1E800] =	vst v63  }
0xd9: {  	_ = 	snop  }
0xda: {  	[tilespmem:s1], [sflag:$0x3] =	stream.indirect.gather [hbm4b:s2+s29], $0x80, s0, s29, $0xb8;
	[tilespmem:$0x1E800] =	vst v63  }
0xdb: {  	_ =	swait.ge [sflag:s6], $0x2000  }
0xdc: {  	[sflag:s6] =	ssyncset.done $0x0  }
0xdd: {  	s17 =	simm.s32 $0x180;
	[sflag:s6] =	ssyncadd.s32 $0xFFFFE000  }
0xde: {  	[tilespmem:s7], [sflag:$0x4] =	stream.indirect.gather [hbm4b:s2+s29], $0x80, s17, s29, $0xb8;
	[tilespmem:$0x1E800] =	vst v63  }
0xdf: {  	s18 =	simm.s32 $0x1400  }
0xe0: {  	[spmem:s3] =	stream.indirect.scatter.add.f32 [tilespmem:s25], [sflag:$0x5], $0x80, s18, s29, $0xb8;
	[tilespmem:$0x1E800] =	vst v63  }
0xe1: {  	_ =	swait.ge [sflag:s26], $0x2000  }
0xe2: {  	[sflag:s26] =	ssyncset.done $0x0  }
0xe3: {  	[sflag:s26] =	ssyncadd.s32 $0xFFFFE000  }
0xe4: {  	_ =	swait.ge [sflag:s8], $0x2000  }
0xe5: {  	[sflag:s8] =	ssyncset.done $0x0  }
0xe6: {  	s17 =	simm.s32 $0x200;
	[sflag:s8] =	ssyncadd.s32 $0xFFFFE000  }
0xe7: {  	[tilespmem:s25], [sflag:$0x1] =	stream.indirect.gather [hbm4b:s2+s29], $0x80, s17, s29, $0xb8;
	[tilespmem:$0x1E800] =	vst v63  }
0xe8: {  	s18 =	simm.s32 $0x1480  }
0xe9: {  	[spmem:s3] =	stream.indirect.scatter.add.f32 [tilespmem:s31], [sflag:$0x5], $0x80, s18, s29, $0xb8;
	[tilespmem:$0x1E800] =	vst v63  }
0xea: {  	_ =	swait.ge [sflag:s26], $0x2000  }
0xeb: {  	[sflag:s26] =	ssyncset.done $0x0  }
0xec: {  	[sflag:s26] =	ssyncadd.s32 $0xFFFFE000  }
0xed: {  	_ =	swait.ge [sflag:s9], $0x2000  }
0xee: {  	[sflag:s9] =	ssyncset.done $0x0  }
0xef: {  	s17 =	simm.s32 $0x280;
	[sflag:s9] =	ssyncadd.s32 $0xFFFFE000  }
0xf0: {  	[tilespmem:s31], [sflag:$0x2] =	stream.indirect.gather [hbm4b:s2+s29], $0x80, s17, s29, $0xb8;
	[tilespmem:$0x1E800] =	vst v63  }
0xf1: {  	s18 =	simm.s32 $0x1500  }
0xf2: {  	[spmem:s3] =	stream.indirect.scatter.add.f32 [tilespmem:s1], [sflag:$0x5], $0x80, s18, s29, $0xb8;
	[tilespmem:$0x1E800] =	vst v63  }
0xf3: {  	_ =	swait.ge [sflag:s26], $0x2000  }
0xf4: {  	[sflag:s26] =	ssyncset.done $0x0  }
0xf5: {  	[sflag:s26] =	ssyncadd.s32 $0xFFFFE000  }
0xf6: {  	_ =	swait.ge [sflag:s10], $0x2000  }
0xf7: {  	[sflag:s10] =	ssyncset.done $0x0  }
0xf8: {  	s17 =	simm.s32 $0x300;
	[sflag:s10] =	ssyncadd.s32 $0xFFFFE000  }
0xf9: {  	[tilespmem:s1], [sflag:$0x3] =	stream.indirect.gather [hbm4b:s2+s29], $0x80, s17, s29, $0xb8;
	[tilespmem:$0x1E800] =	vst v63  }
0xfa: {  	s18 =	simm.s32 $0x1580  }
0xfb: {  	[spmem:s3] =	stream.indirect.scatter.add.f32 [tilespmem:s7], [sflag:$0x5], $0x80, s18, s29, $0xb8;
	[tilespmem:$0x1E800] =	vst v63  }
0xfc: {  	_ =	swait.ge [sflag:s26], $0x2000  }
0xfd: {  	s16 =	simm.s32 $0x800;
	[sflag:s26] =	ssyncset.done $0x0  }
.LBB2_6:
0xfe: {  	p0 =	sne.s32 s16, $0x4000  }
0xff: {  	[sflag:s26] =	ssyncadd.s32 $0xFFFFE000;
	s17 =	smov.u32 s16;
	s16 =	sadd.s32 $0x800, s16  }
0x100: {  	_ = 	snop  }
0x101: {  	_ =	swait.ge [sflag:s6], $0x2000  }
0x102: {  	s17 =	sshra.s32 s17, $0x2;
	[sflag:s6] =	ssyncset.done $0x0  }
0x103: {  	s18 =	sadd.s32 $0x180, s17;
	[sflag:s6] =	ssyncadd.s32 $0xFFFFE000  }
0x104: {  	[tilespmem:s7], [sflag:$0x4] =	stream.indirect.gather [hbm4b:s2+s29], $0x80, s18, s29, $0xb8;
	[tilespmem:$0x1E800] =	vst v63  }
0x105: {  	s18 =	sadd.s32 $0x1400, s17  }
0x106: {  	[spmem:s3] =	stream.indirect.scatter.add.f32 [tilespmem:s25], [sflag:$0x5], $0x80, s18, s29, $0xb8;
	[tilespmem:$0x1E800] =	vst v63  }
0x107: {  	_ =	swait.ge [sflag:s26], $0x2000  }
0x108: {  	[sflag:s26] =	ssyncset.done $0x0  }
0x109: {  	[sflag:s26] =	ssyncadd.s32 $0xFFFFE000  }
0x10a: {  	_ =	swait.ge [sflag:s8], $0x2000  }
0x10b: {  	[sflag:s8] =	ssyncset.done $0x0  }
0x10c: {  	s18 =	sadd.s32 $0x200, s17;
	[sflag:s8] =	ssyncadd.s32 $0xFFFFE000  }
0x10d: {  	[tilespmem:s25], [sflag:$0x1] =	stream.indirect.gather [hbm4b:s2+s29], $0x80, s18, s29, $0xb8;
	[tilespmem:$0x1E800] =	vst v63  }
0x10e: {  	s18 =	sadd.s32 $0x1480, s17  }
0x10f: {  	[spmem:s3] =	stream.indirect.scatter.add.f32 [tilespmem:s31], [sflag:$0x5], $0x80, s18, s29, $0xb8;
	[tilespmem:$0x1E800] =	vst v63  }
0x110: {  	_ =	swait.ge [sflag:s26], $0x2000  }
0x111: {  	[sflag:s26] =	ssyncset.done $0x0  }
0x112: {  	[sflag:s26] =	ssyncadd.s32 $0xFFFFE000  }
0x113: {  	_ =	swait.ge [sflag:s9], $0x2000  }
0x114: {  	[sflag:s9] =	ssyncset.done $0x0  }
0x115: {  	s18 =	sadd.s32 $0x280, s17;
	[sflag:s9] =	ssyncadd.s32 $0xFFFFE000  }
0x116: {  	[tilespmem:s31], [sflag:$0x2] =	stream.indirect.gather [hbm4b:s2+s29], $0x80, s18, s29, $0xb8;
	[tilespmem:$0x1E800] =	vst v63  }
0x117: {  	s18 =	sadd.s32 $0x1500, s17  }
0x118: {  	[spmem:s3] =	stream.indirect.scatter.add.f32 [tilespmem:s1], [sflag:$0x5], $0x80, s18, s29, $0xb8;
	[tilespmem:$0x1E800] =	vst v63  }
0x119: {  	_ =	swait.ge [sflag:s26], $0x2000  }
0x11a: {  	[sflag:s26] =	ssyncset.done $0x0  }
0x11b: {  	[sflag:s26] =	ssyncadd.s32 $0xFFFFE000  }
0x11c: {  	_ =	swait.ge [sflag:s10], $0x2000  }
0x11d: {  	[sflag:s10] =	ssyncset.done $0x0  }
0x11e: {  	s18 =	sadd.s32 $0x300, s17;
	[sflag:s10] =	ssyncadd.s32 $0xFFFFE000  }
0x11f: {  	[tilespmem:s1], [sflag:$0x3] =	stream.indirect.gather [hbm4b:s2+s29], $0x80, s18, s29, $0xb8;
	[tilespmem:$0x1E800] =	vst v63  }
.Ltmp2:
0x120: {  	_ = 	snop;
	(pc) =	sbr.rel @p0 .LBB2_6-.Ltmp2, $4  }
0x121: {  	s17 =	sadd.s32 $0x1580, s17  }
0x122: {  	[spmem:s3] =	stream.indirect.scatter.add.f32 [tilespmem:s7], [sflag:$0x5], $0x80, s17, s29, $0xb8;
	[tilespmem:$0x1E800] =	vst v63  }
0x123: {  	_ =	swait.ge [sflag:s26], $0x2000  }
0x124: {  	[sflag:s26] =	ssyncset.done $0x0  }
0x125: {  	[sflag:s26] =	ssyncadd.s32 $0xFFFFE000  }
0x126: {  	_ =	swait.ge [sflag:s6], $0x2000  }
0x127: {  	[sflag:s6] =	ssyncset.done $0x0  }
0x128: {  	[sflag:s6] =	ssyncadd.s32 $0xFFFFE000  }
0x129: {  	[tilespmem:s7], [sflag:$0x4] =	stream.indirect.gather [hbm4b:s2+s29], $0x80, s11, s29, $0xb8;
	[tilespmem:$0x1E800] =	vst v63  }
0x12a: {  	_ = 	snop  }
0x12b: {  	[spmem:s3] =	stream.indirect.scatter.add.f32 [tilespmem:s25], [sflag:$0x5], $0x80, s12, s29, $0xb8;
	[tilespmem:$0x1E800] =	vst v63  }
0x12c: {  	_ =	swait.ge [sflag:s26], $0x2000  }
0x12d: {  	[sflag:s26] =	ssyncset.done $0x0  }
0x12e: {  	[sflag:s26] =	ssyncadd.s32 $0xFFFFE000  }
0x12f: {  	_ =	swait.ge [sflag:s8], $0x2000  }
0x130: {  	[sflag:s8] =	ssyncset.done $0x0  }
0x131: {  	[sflag:s8] =	ssyncadd.s32 $0xFFFFE000  }
0x132: {  	[spmem:s3] =	stream.indirect.scatter.add.f32 [tilespmem:s31], [sflag:$0x5], $0x80, s13, s29, $0xb8;
	[tilespmem:$0x1E800] =	vst v63  }
0x133: {  	_ =	swait.ge [sflag:s26], $0x2000  }
0x134: {  	[sflag:s26] =	ssyncset.done $0x0  }
0x135: {  	[sflag:s26] =	ssyncadd.s32 $0xFFFFE000  }
0x136: {  	_ =	swait.ge [sflag:s9], $0x2000  }
0x137: {  	[sflag:s9] =	ssyncset.done $0x0  }
0x138: {  	[sflag:s9] =	ssyncadd.s32 $0xFFFFE000  }
0x139: {  	[spmem:s3] =	stream.indirect.scatter.add.f32 [tilespmem:s1], [sflag:$0x5], $0x80, s14, s29, $0xb8;
	[tilespmem:$0x1E800] =	vst v63  }
0x13a: {  	_ =	swait.ge [sflag:s26], $0x2000  }
0x13b: {  	[sflag:s26] =	ssyncset.done $0x0  }
0x13c: {  	[sflag:s26] =	ssyncadd.s32 $0xFFFFE000  }
0x13d: {  	_ =	swait.ge [sflag:s10], $0x2000  }
0x13e: {  	[sflag:s10] =	ssyncset.done $0x0  }
0x13f: {  	[sflag:s10] =	ssyncadd.s32 $0xFFFFE000  }
0x140: {  	[spmem:s3] =	stream.indirect.scatter.add.f32 [tilespmem:s7], [sflag:$0x5], $0x80, s15, s29, $0xb8;
	[tilespmem:$0x1E800] =	vst v63  }
0x141: {  	_ =	swait.ge [sflag:s26], $0x2000  }
0x142: {  	[sflag:s26] =	ssyncset.done $0x0  }
0x143: {  	s16 =	simm.s32 $0x0;
	[sflag:s26] =	ssyncadd.s32 $0xFFFFE000  }
0x144: {  	[tilespmem:s16], [sflag:$0x5] =	stream.linear.gather [hbm4b:s19+s16], $0x1400, $0x38;
	[tilespmem:$0x1E800] =	vst v63  }
0x145: {  	_ =	swait.ge [sflag:s26], $0x1400  }
0x146: {  	[sflag:s26] =	ssyncset.done $0x0  }
0x147: {  	[sflag:s26] =	ssyncadd.s32 $0xFFFFEC00  }
0x148: {  	[tilespmem:s28], [sflag:$0x5] =	stream.linear.gather [hbm4b:s20+s16], $0x1400, $0x38;
	[tilespmem:$0x1E800] =	vst v63  }
0x149: {  	_ =	swait.ge [sflag:s26], $0x1400  }
0x14a: {  	[sflag:s26] =	ssyncset.done $0x0  }
0x14b: {  	[sflag:s26] =	ssyncadd.s32 $0xFFFFEC00  }
0x14c: {  	[tilespmem:s25], [sflag:$0x1] =	stream.indirect.gather [hbm4b:s2+s29], $0x80, s16, s29, $0xb8;
	[tilespmem:$0x1E800] =	vst v63  }
0x14d: {  	_ = 	snop  }
0x14e: {  	[tilespmem:s31], [sflag:$0x2] =	stream.indirect.gather [hbm4b:s2+s29], $0x80, s30, s29, $0xb8;
	[tilespmem:$0x1E800] =	vst v63  }
0x14f: {  	_ = 	snop  }
0x150: {  	[tilespmem:s1], [sflag:$0x3] =	stream.indirect.gather [hbm4b:s2+s29], $0x80, s0, s29, $0xb8;
	[tilespmem:$0x1E800] =	vst v63  }
0x151: {  	_ =	swait.ge [sflag:s6], $0x2000  }
0x152: {  	[sflag:s6] =	ssyncset.done $0x0  }
0x153: {  	s17 =	simm.s32 $0x180;
	[sflag:s6] =	ssyncadd.s32 $0xFFFFE000  }
0x154: {  	[tilespmem:s7], [sflag:$0x4] =	stream.indirect.gather [hbm4b:s2+s29], $0x80, s17, s29, $0xb8;
	[tilespmem:$0x1E800] =	vst v63  }
0x155: {  	s18 =	simm.s32 $0x1400  }
0x156: {  	[spmem:s3] =	stream.indirect.scatter.add.f32 [tilespmem:s25], [sflag:$0x5], $0x80, s18, s29, $0xb8;
	[tilespmem:$0x1E800] =	vst v63  }
0x157: {  	_ =	swait.ge [sflag:s26], $0x2000  }
0x158: {  	[sflag:s26] =	ssyncset.done $0x0  }
0x159: {  	[sflag:s26] =	ssyncadd.s32 $0xFFFFE000  }
0x15a: {  	_ =	swait.ge [sflag:s8], $0x2000  }
0x15b: {  	[sflag:s8] =	ssyncset.done $0x0  }
0x15c: {  	s17 =	simm.s32 $0x200;
	[sflag:s8] =	ssyncadd.s32 $0xFFFFE000  }
0x15d: {  	[tilespmem:s25], [sflag:$0x1] =	stream.indirect.gather [hbm4b:s2+s29], $0x80, s17, s29, $0xb8;
	[tilespmem:$0x1E800] =	vst v63  }
0x15e: {  	s18 =	simm.s32 $0x1480  }
0x15f: {  	[spmem:s3] =	stream.indirect.scatter.add.f32 [tilespmem:s31], [sflag:$0x5], $0x80, s18, s29, $0xb8;
	[tilespmem:$0x1E800] =	vst v63  }
0x160: {  	_ =	swait.ge [sflag:s26], $0x2000  }
0x161: {  	[sflag:s26] =	ssyncset.done $0x0  }
0x162: {  	[sflag:s26] =	ssyncadd.s32 $0xFFFFE000  }
0x163: {  	_ =	swait.ge [sflag:s9], $0x2000  }
0x164: {  	[sflag:s9] =	ssyncset.done $0x0  }
0x165: {  	s17 =	simm.s32 $0x280;
	[sflag:s9] =	ssyncadd.s32 $0xFFFFE000  }
0x166: {  	[tilespmem:s31], [sflag:$0x2] =	stream.indirect.gather [hbm4b:s2+s29], $0x80, s17, s29, $0xb8;
	[tilespmem:$0x1E800] =	vst v63  }
0x167: {  	s18 =	simm.s32 $0x1500  }
0x168: {  	[spmem:s3] =	stream.indirect.scatter.add.f32 [tilespmem:s1], [sflag:$0x5], $0x80, s18, s29, $0xb8;
	[tilespmem:$0x1E800] =	vst v63  }
0x169: {  	_ =	swait.ge [sflag:s26], $0x2000  }
0x16a: {  	[sflag:s26] =	ssyncset.done $0x0  }
0x16b: {  	[sflag:s26] =	ssyncadd.s32 $0xFFFFE000  }
0x16c: {  	_ =	swait.ge [sflag:s10], $0x2000  }
0x16d: {  	[sflag:s10] =	ssyncset.done $0x0  }
0x16e: {  	s17 =	simm.s32 $0x300;
	[sflag:s10] =	ssyncadd.s32 $0xFFFFE000  }
0x16f: {  	[tilespmem:s1], [sflag:$0x3] =	stream.indirect.gather [hbm4b:s2+s29], $0x80, s17, s29, $0xb8;
	[tilespmem:$0x1E800] =	vst v63  }
0x170: {  	s18 =	simm.s32 $0x1580  }
0x171: {  	[spmem:s3] =	stream.indirect.scatter.add.f32 [tilespmem:s7], [sflag:$0x5], $0x80, s18, s29, $0xb8;
	[tilespmem:$0x1E800] =	vst v63  }
0x172: {  	_ =	swait.ge [sflag:s26], $0x2000  }
0x173: {  	s16 =	simm.s32 $0x800;
	[sflag:s26] =	ssyncset.done $0x0  }
.LBB2_8:
0x174: {  	p0 =	sne.s32 s16, $0x4000  }
0x175: {  	[sflag:s26] =	ssyncadd.s32 $0xFFFFE000;
	s17 =	smov.u32 s16;
	s16 =	sadd.s32 $0x800, s16  }
0x176: {  	_ = 	snop  }
0x177: {  	_ =	swait.ge [sflag:s6], $0x2000  }
0x178: {  	s17 =	sshra.s32 s17, $0x2;
	[sflag:s6] =	ssyncset.done $0x0  }
0x179: {  	s18 =	sadd.s32 $0x180, s17;
	[sflag:s6] =	ssyncadd.s32 $0xFFFFE000  }
0x17a: {  	[tilespmem:s7], [sflag:$0x4] =	stream.indirect.gather [hbm4b:s2+s29], $0x80, s18, s29, $0xb8;
	[tilespmem:$0x1E800] =	vst v63  }
0x17b: {  	s18 =	sadd.s32 $0x1400, s17  }
0x17c: {  	[spmem:s3] =	stream.indirect.scatter.add.f32 [tilespmem:s25], [sflag:$0x5], $0x80, s18, s29, $0xb8;
	[tilespmem:$0x1E800] =	vst v63  }
0x17d: {  	_ =	swait.ge [sflag:s26], $0x2000  }
0x17e: {  	[sflag:s26] =	ssyncset.done $0x0  }
0x17f: {  	[sflag:s26] =	ssyncadd.s32 $0xFFFFE000  }
0x180: {  	_ =	swait.ge [sflag:s8], $0x2000  }
0x181: {  	[sflag:s8] =	ssyncset.done $0x0  }
0x182: {  	s18 =	sadd.s32 $0x200, s17;
	[sflag:s8] =	ssyncadd.s32 $0xFFFFE000  }
0x183: {  	[tilespmem:s25], [sflag:$0x1] =	stream.indirect.gather [hbm4b:s2+s29], $0x80, s18, s29, $0xb8;
	[tilespmem:$0x1E800] =	vst v63  }
0x184: {  	s18 =	sadd.s32 $0x1480, s17  }
0x185: {  	[spmem:s3] =	stream.indirect.scatter.add.f32 [tilespmem:s31], [sflag:$0x5], $0x80, s18, s29, $0xb8;
	[tilespmem:$0x1E800] =	vst v63  }
0x186: {  	_ =	swait.ge [sflag:s26], $0x2000  }
0x187: {  	[sflag:s26] =	ssyncset.done $0x0  }
0x188: {  	[sflag:s26] =	ssyncadd.s32 $0xFFFFE000  }
0x189: {  	_ =	swait.ge [sflag:s9], $0x2000  }
0x18a: {  	[sflag:s9] =	ssyncset.done $0x0  }
0x18b: {  	s18 =	sadd.s32 $0x280, s17;
	[sflag:s9] =	ssyncadd.s32 $0xFFFFE000  }
0x18c: {  	[tilespmem:s31], [sflag:$0x2] =	stream.indirect.gather [hbm4b:s2+s29], $0x80, s18, s29, $0xb8;
	[tilespmem:$0x1E800] =	vst v63  }
0x18d: {  	s18 =	sadd.s32 $0x1500, s17  }
0x18e: {  	[spmem:s3] =	stream.indirect.scatter.add.f32 [tilespmem:s1], [sflag:$0x5], $0x80, s18, s29, $0xb8;
	[tilespmem:$0x1E800] =	vst v63  }
0x18f: {  	_ =	swait.ge [sflag:s26], $0x2000  }
0x190: {  	[sflag:s26] =	ssyncset.done $0x0  }
0x191: {  	[sflag:s26] =	ssyncadd.s32 $0xFFFFE000  }
0x192: {  	_ =	swait.ge [sflag:s10], $0x2000  }
0x193: {  	[sflag:s10] =	ssyncset.done $0x0  }
0x194: {  	s18 =	sadd.s32 $0x300, s17;
	[sflag:s10] =	ssyncadd.s32 $0xFFFFE000  }
0x195: {  	[tilespmem:s1], [sflag:$0x3] =	stream.indirect.gather [hbm4b:s2+s29], $0x80, s18, s29, $0xb8;
	[tilespmem:$0x1E800] =	vst v63  }
.Ltmp3:
0x196: {  	_ = 	snop;
	(pc) =	sbr.rel @p0 .LBB2_8-.Ltmp3, $4  }
0x197: {  	s17 =	sadd.s32 $0x1580, s17  }
0x198: {  	[spmem:s3] =	stream.indirect.scatter.add.f32 [tilespmem:s7], [sflag:$0x5], $0x80, s17, s29, $0xb8;
	[tilespmem:$0x1E800] =	vst v63  }
0x199: {  	_ =	swait.ge [sflag:s26], $0x2000  }
0x19a: {  	[sflag:s26] =	ssyncset.done $0x0  }
0x19b: {  	[sflag:s26] =	ssyncadd.s32 $0xFFFFE000  }
0x19c: {  	_ =	swait.ge [sflag:s6], $0x2000  }
0x19d: {  	[sflag:s6] =	ssyncset.done $0x0  }
0x19e: {  	[sflag:s6] =	ssyncadd.s32 $0xFFFFE000  }
0x19f: {  	[tilespmem:s7], [sflag:$0x4] =	stream.indirect.gather [hbm4b:s2+s29], $0x80, s11, s29, $0xb8;
	[tilespmem:$0x1E800] =	vst v63  }
0x1a0: {  	_ = 	snop  }
0x1a1: {  	[spmem:s3] =	stream.indirect.scatter.add.f32 [tilespmem:s25], [sflag:$0x5], $0x80, s12, s29, $0xb8;
	[tilespmem:$0x1E800] =	vst v63  }
0x1a2: {  	_ =	swait.ge [sflag:s26], $0x2000  }
0x1a3: {  	[sflag:s26] =	ssyncset.done $0x0  }
0x1a4: {  	[sflag:s26] =	ssyncadd.s32 $0xFFFFE000  }
0x1a5: {  	_ =	swait.ge [sflag:s8], $0x2000  }
0x1a6: {  	[sflag:s8] =	ssyncset.done $0x0  }
0x1a7: {  	[sflag:s8] =	ssyncadd.s32 $0xFFFFE000  }
0x1a8: {  	[spmem:s3] =	stream.indirect.scatter.add.f32 [tilespmem:s31], [sflag:$0x5], $0x80, s13, s29, $0xb8;
	[tilespmem:$0x1E800] =	vst v63  }
0x1a9: {  	_ =	swait.ge [sflag:s26], $0x2000  }
0x1aa: {  	[sflag:s26] =	ssyncset.done $0x0  }
0x1ab: {  	[sflag:s26] =	ssyncadd.s32 $0xFFFFE000  }
0x1ac: {  	_ =	swait.ge [sflag:s9], $0x2000  }
0x1ad: {  	[sflag:s9] =	ssyncset.done $0x0  }
0x1ae: {  	[sflag:s9] =	ssyncadd.s32 $0xFFFFE000  }
0x1af: {  	[spmem:s3] =	stream.indirect.scatter.add.f32 [tilespmem:s1], [sflag:$0x5], $0x80, s14, s29, $0xb8;
	[tilespmem:$0x1E800] =	vst v63  }
0x1b0: {  	_ =	swait.ge [sflag:s26], $0x2000  }
0x1b1: {  	[sflag:s26] =	ssyncset.done $0x0  }
0x1b2: {  	[sflag:s26] =	ssyncadd.s32 $0xFFFFE000  }
0x1b3: {  	_ =	swait.ge [sflag:s10], $0x2000  }
0x1b4: {  	[sflag:s10] =	ssyncset.done $0x0  }
0x1b5: {  	[sflag:s10] =	ssyncadd.s32 $0xFFFFE000  }
0x1b6: {  	[spmem:s3] =	stream.indirect.scatter.add.f32 [tilespmem:s7], [sflag:$0x5], $0x80, s15, s29, $0xb8;
	[tilespmem:$0x1E800] =	vst v63  }
0x1b7: {  	_ =	swait.ge [sflag:s26], $0x2000  }
0x1b8: {  	[sflag:s26] =	ssyncset.done $0x0  }
0x1b9: {  	s16 =	simm.s32 $0x0;
	[sflag:s26] =	ssyncadd.s32 $0xFFFFE000  }
0x1ba: {  	[tilespmem:s16], [sflag:$0x5] =	stream.linear.gather [hbm4b:s21+s16], $0x1400, $0x38;
	[tilespmem:$0x1E800] =	vst v63  }
0x1bb: {  	_ =	swait.ge [sflag:s26], $0x1400  }
0x1bc: {  	[sflag:s26] =	ssyncset.done $0x0  }
0x1bd: {  	[sflag:s26] =	ssyncadd.s32 $0xFFFFEC00  }
0x1be: {  	[tilespmem:s28], [sflag:$0x5] =	stream.linear.gather [hbm4b:s22+s16], $0x1400, $0x38;
	[tilespmem:$0x1E800] =	vst v63  }
0x1bf: {  	_ =	swait.ge [sflag:s26], $0x1400  }
0x1c0: {  	[sflag:s26] =	ssyncset.done $0x0  }
0x1c1: {  	[sflag:s26] =	ssyncadd.s32 $0xFFFFEC00  }
0x1c2: {  	[tilespmem:s25], [sflag:$0x1] =	stream.indirect.gather [hbm4b:s2+s29], $0x80, s16, s29, $0xb8;
	[tilespmem:$0x1E800] =	vst v63  }
0x1c3: {  	_ = 	snop  }
0x1c4: {  	[tilespmem:s31], [sflag:$0x2] =	stream.indirect.gather [hbm4b:s2+s29], $0x80, s30, s29, $0xb8;
	[tilespmem:$0x1E800] =	vst v63  }
0x1c5: {  	_ = 	snop  }
0x1c6: {  	[tilespmem:s1], [sflag:$0x3] =	stream.indirect.gather [hbm4b:s2+s29], $0x80, s0, s29, $0xb8;
	[tilespmem:$0x1E800] =	vst v63  }
0x1c7: {  	_ =	swait.ge [sflag:s6], $0x2000  }
0x1c8: {  	[sflag:s6] =	ssyncset.done $0x0  }
0x1c9: {  	s17 =	simm.s32 $0x180;
	[sflag:s6] =	ssyncadd.s32 $0xFFFFE000  }
0x1ca: {  	[tilespmem:s7], [sflag:$0x4] =	stream.indirect.gather [hbm4b:s2+s29], $0x80, s17, s29, $0xb8;
	[tilespmem:$0x1E800] =	vst v63  }
0x1cb: {  	s18 =	simm.s32 $0x1400  }
0x1cc: {  	[spmem:s3] =	stream.indirect.scatter.add.f32 [tilespmem:s25], [sflag:$0x5], $0x80, s18, s29, $0xb8;
	[tilespmem:$0x1E800] =	vst v63  }
0x1cd: {  	_ =	swait.ge [sflag:s26], $0x2000  }
0x1ce: {  	[sflag:s26] =	ssyncset.done $0x0  }
0x1cf: {  	[sflag:s26] =	ssyncadd.s32 $0xFFFFE000  }
0x1d0: {  	_ =	swait.ge [sflag:s8], $0x2000  }
0x1d1: {  	[sflag:s8] =	ssyncset.done $0x0  }
0x1d2: {  	s17 =	simm.s32 $0x200;
	[sflag:s8] =	ssyncadd.s32 $0xFFFFE000  }
0x1d3: {  	[tilespmem:s25], [sflag:$0x1] =	stream.indirect.gather [hbm4b:s2+s29], $0x80, s17, s29, $0xb8;
	[tilespmem:$0x1E800] =	vst v63  }
0x1d4: {  	s18 =	simm.s32 $0x1480  }
0x1d5: {  	[spmem:s3] =	stream.indirect.scatter.add.f32 [tilespmem:s31], [sflag:$0x5], $0x80, s18, s29, $0xb8;
	[tilespmem:$0x1E800] =	vst v63  }
0x1d6: {  	_ =	swait.ge [sflag:s26], $0x2000  }
0x1d7: {  	[sflag:s26] =	ssyncset.done $0x0  }
0x1d8: {  	[sflag:s26] =	ssyncadd.s32 $0xFFFFE000  }
0x1d9: {  	_ =	swait.ge [sflag:s9], $0x2000  }
0x1da: {  	[sflag:s9] =	ssyncset.done $0x0  }
0x1db: {  	s17 =	simm.s32 $0x280;
	[sflag:s9] =	ssyncadd.s32 $0xFFFFE000  }
0x1dc: {  	[tilespmem:s31], [sflag:$0x2] =	stream.indirect.gather [hbm4b:s2+s29], $0x80, s17, s29, $0xb8;
	[tilespmem:$0x1E800] =	vst v63  }
0x1dd: {  	s18 =	simm.s32 $0x1500  }
0x1de: {  	[spmem:s3] =	stream.indirect.scatter.add.f32 [tilespmem:s1], [sflag:$0x5], $0x80, s18, s29, $0xb8;
	[tilespmem:$0x1E800] =	vst v63  }
0x1df: {  	_ =	swait.ge [sflag:s26], $0x2000  }
0x1e0: {  	[sflag:s26] =	ssyncset.done $0x0  }
0x1e1: {  	[sflag:s26] =	ssyncadd.s32 $0xFFFFE000  }
0x1e2: {  	_ =	swait.ge [sflag:s10], $0x2000  }
0x1e3: {  	[sflag:s10] =	ssyncset.done $0x0  }
0x1e4: {  	s17 =	simm.s32 $0x300;
	[sflag:s10] =	ssyncadd.s32 $0xFFFFE000  }
0x1e5: {  	[tilespmem:s1], [sflag:$0x3] =	stream.indirect.gather [hbm4b:s2+s29], $0x80, s17, s29, $0xb8;
	[tilespmem:$0x1E800] =	vst v63  }
0x1e6: {  	s18 =	simm.s32 $0x1580  }
0x1e7: {  	[spmem:s3] =	stream.indirect.scatter.add.f32 [tilespmem:s7], [sflag:$0x5], $0x80, s18, s29, $0xb8;
	[tilespmem:$0x1E800] =	vst v63  }
0x1e8: {  	_ =	swait.ge [sflag:s26], $0x2000  }
0x1e9: {  	s16 =	simm.s32 $0x800;
	[sflag:s26] =	ssyncset.done $0x0  }
.LBB2_10:
0x1ea: {  	p0 =	sne.s32 s16, $0x4000  }
0x1eb: {  	[sflag:s26] =	ssyncadd.s32 $0xFFFFE000;
	s17 =	smov.u32 s16;
	s16 =	sadd.s32 $0x800, s16  }
0x1ec: {  	_ = 	snop  }
0x1ed: {  	_ =	swait.ge [sflag:s6], $0x2000  }
0x1ee: {  	s17 =	sshra.s32 s17, $0x2;
	[sflag:s6] =	ssyncset.done $0x0  }
0x1ef: {  	s18 =	sadd.s32 $0x180, s17;
	[sflag:s6] =	ssyncadd.s32 $0xFFFFE000  }
0x1f0: {  	[tilespmem:s7], [sflag:$0x4] =	stream.indirect.gather [hbm4b:s2+s29], $0x80, s18, s29, $0xb8;
	[tilespmem:$0x1E800] =	vst v63  }
0x1f1: {  	s18 =	sadd.s32 $0x1400, s17  }
0x1f2: {  	[spmem:s3] =	stream.indirect.scatter.add.f32 [tilespmem:s25], [sflag:$0x5], $0x80, s18, s29, $0xb8;
	[tilespmem:$0x1E800] =	vst v63  }
0x1f3: {  	_ =	swait.ge [sflag:s26], $0x2000  }
0x1f4: {  	[sflag:s26] =	ssyncset.done $0x0  }
0x1f5: {  	[sflag:s26] =	ssyncadd.s32 $0xFFFFE000  }
0x1f6: {  	_ =	swait.ge [sflag:s8], $0x2000  }
0x1f7: {  	[sflag:s8] =	ssyncset.done $0x0  }
0x1f8: {  	s18 =	sadd.s32 $0x200, s17;
	[sflag:s8] =	ssyncadd.s32 $0xFFFFE000  }
0x1f9: {  	[tilespmem:s25], [sflag:$0x1] =	stream.indirect.gather [hbm4b:s2+s29], $0x80, s18, s29, $0xb8;
	[tilespmem:$0x1E800] =	vst v63  }
0x1fa: {  	s18 =	sadd.s32 $0x1480, s17  }
0x1fb: {  	[spmem:s3] =	stream.indirect.scatter.add.f32 [tilespmem:s31], [sflag:$0x5], $0x80, s18, s29, $0xb8;
	[tilespmem:$0x1E800] =	vst v63  }
0x1fc: {  	_ =	swait.ge [sflag:s26], $0x2000  }
0x1fd: {  	[sflag:s26] =	ssyncset.done $0x0  }
0x1fe: {  	[sflag:s26] =	ssyncadd.s32 $0xFFFFE000  }
0x1ff: {  	_ =	swait.ge [sflag:s9], $0x2000  }
0x200: {  	[sflag:s9] =	ssyncset.done $0x0  }
0x201: {  	s18 =	sadd.s32 $0x280, s17;
	[sflag:s9] =	ssyncadd.s32 $0xFFFFE000  }
0x202: {  	[tilespmem:s31], [sflag:$0x2] =	stream.indirect.gather [hbm4b:s2+s29], $0x80, s18, s29, $0xb8;
	[tilespmem:$0x1E800] =	vst v63  }
0x203: {  	s18 =	sadd.s32 $0x1500, s17  }
0x204: {  	[spmem:s3] =	stream.indirect.scatter.add.f32 [tilespmem:s1], [sflag:$0x5], $0x80, s18, s29, $0xb8;
	[tilespmem:$0x1E800] =	vst v63  }
0x205: {  	_ =	swait.ge [sflag:s26], $0x2000  }
0x206: {  	[sflag:s26] =	ssyncset.done $0x0  }
0x207: {  	[sflag:s26] =	ssyncadd.s32 $0xFFFFE000  }
0x208: {  	_ =	swait.ge [sflag:s10], $0x2000  }
0x209: {  	[sflag:s10] =	ssyncset.done $0x0  }
0x20a: {  	s18 =	sadd.s32 $0x300, s17;
	[sflag:s10] =	ssyncadd.s32 $0xFFFFE000  }
0x20b: {  	[tilespmem:s1], [sflag:$0x3] =	stream.indirect.gather [hbm4b:s2+s29], $0x80, s18, s29, $0xb8;
	[tilespmem:$0x1E800] =	vst v63  }
.Ltmp4:
0x20c: {  	_ = 	snop;
	(pc) =	sbr.rel @p0 .LBB2_10-.Ltmp4, $4  }
0x20d: {  	s17 =	sadd.s32 $0x1580, s17  }
0x20e: {  	[spmem:s3] =	stream.indirect.scatter.add.f32 [tilespmem:s7], [sflag:$0x5], $0x80, s17, s29, $0xb8;
	[tilespmem:$0x1E800] =	vst v63  }
0x20f: {  	_ =	swait.ge [sflag:s26], $0x2000  }
0x210: {  	[sflag:s26] =	ssyncset.done $0x0  }
0x211: {  	[sflag:s26] =	ssyncadd.s32 $0xFFFFE000  }
0x212: {  	_ =	swait.ge [sflag:s6], $0x2000  }
0x213: {  	[sflag:s6] =	ssyncset.done $0x0  }
0x214: {  	[sflag:s6] =	ssyncadd.s32 $0xFFFFE000  }
0x215: {  	[tilespmem:s7], [sflag:$0x4] =	stream.indirect.gather [hbm4b:s2+s29], $0x80, s11, s29, $0xb8;
	[tilespmem:$0x1E800] =	vst v63  }
0x216: {  	_ = 	snop  }
0x217: {  	[spmem:s3] =	stream.indirect.scatter.add.f32 [tilespmem:s25], [sflag:$0x5], $0x80, s12, s29, $0xb8;
	[tilespmem:$0x1E800] =	vst v63  }
0x218: {  	_ =	swait.ge [sflag:s26], $0x2000  }
0x219: {  	[sflag:s26] =	ssyncset.done $0x0  }
0x21a: {  	[sflag:s26] =	ssyncadd.s32 $0xFFFFE000  }
0x21b: {  	_ =	swait.ge [sflag:s8], $0x2000  }
0x21c: {  	[sflag:s8] =	ssyncset.done $0x0  }
0x21d: {  	[sflag:s8] =	ssyncadd.s32 $0xFFFFE000  }
0x21e: {  	[spmem:s3] =	stream.indirect.scatter.add.f32 [tilespmem:s31], [sflag:$0x5], $0x80, s13, s29, $0xb8;
	[tilespmem:$0x1E800] =	vst v63  }
0x21f: {  	_ =	swait.ge [sflag:s26], $0x2000  }
0x220: {  	[sflag:s26] =	ssyncset.done $0x0  }
0x221: {  	[sflag:s26] =	ssyncadd.s32 $0xFFFFE000  }
0x222: {  	_ =	swait.ge [sflag:s9], $0x2000  }
0x223: {  	[sflag:s9] =	ssyncset.done $0x0  }
0x224: {  	[sflag:s9] =	ssyncadd.s32 $0xFFFFE000  }
0x225: {  	[spmem:s3] =	stream.indirect.scatter.add.f32 [tilespmem:s1], [sflag:$0x5], $0x80, s14, s29, $0xb8;
	[tilespmem:$0x1E800] =	vst v63  }
0x226: {  	_ =	swait.ge [sflag:s26], $0x2000  }
0x227: {  	[sflag:s26] =	ssyncset.done $0x0  }
0x228: {  	[sflag:s26] =	ssyncadd.s32 $0xFFFFE000  }
0x229: {  	_ =	swait.ge [sflag:s10], $0x2000  }
0x22a: {  	[sflag:s10] =	ssyncset.done $0x0  }
0x22b: {  	[sflag:s10] =	ssyncadd.s32 $0xFFFFE000  }
0x22c: {  	[spmem:s3] =	stream.indirect.scatter.add.f32 [tilespmem:s7], [sflag:$0x5], $0x80, s15, s29, $0xb8;
	[tilespmem:$0x1E800] =	vst v63  }
0x22d: {  	s16 =	stileid.u32;
	_ =	swait.ge [sflag:s26], $0x2000  }
0x22e: {  	s17 =	sshrl.u32 s5, $0x3;
	s4 =	sadd.s32 $0x1, s4;
	[sflag:s26] =	ssyncset.done $0x0  }
0x22f: {  	s16 =	sshll.u32 s16, $0x6;
	p0 =	sne.s32 s4, s24;
	[sflag:s26] =	ssyncadd.s32 $0xFFFFE000  }
.Ltmp5:
0x230: {  	s16 =	sor.u32 $0x1C05, s16;
	[bflag:$0x0] =	sbarrier.arrive $0xFFFF;
	(pc) =	sbr.rel @p0 .LBB2_1-.Ltmp5, $4  }
0x231: {  	[hbm:s23], [sflag:s16] =	dma.local [spmem:s17], $0x2800  }
0x232: {  	_ =	swait.ge [sflag:s26], $0x2800  }
0x233: {  	[sflag:s26] =	ssyncset.done $0x0  }
0x234: {  	[sflag:s26] =	ssyncadd.s32 $0xFFFFD800  }
0x235: {  	_ =	sfence.sel $0x180000  }
0x236: {  	[bflag:$0x0] =	sbarrier.arrive $0xFFFF  }
0x237: {  	_ =	strace $0x9000004A  }
0x238: {  	s0 =	stileid.u32;
	[bflag:$0x2] =	sbarrier.arrive $0xFFFF  }
0x239: {  	p0 =	sne.s32 s0, $0x0;
	s0 =	rddreg [dreg:$0x3]  }
0x23a: {  	s0 =	sadd.s32 @!p0 $0x100000, s0  }
0x23b: {  	[sflag:s0] =	ssyncadd.tile.s32 @!p0 $0x1;
	_ =	shalt  }
.Lfunc_end2:
_tile_overlayer_lowered:
.L_overlay_start_2:
0x23c: {  	(tag) =	ssettag $0x2  }
0x23d: {  	s0 =	rddreg [dreg:$0x0];
	s2 =	stileid.u32  }
0x23e: {  	s1 =	rddreg [dreg:$0x1];
	p0 =	sne.s32 s2, $0x0  }
0x23f: {  	s3 =	rddreg [dreg:$0x2];
	[bflag:$0x3] =	sbarrier.arrive $0xFFFF;
	s2 =	simm.s32 @!p0 $0x1C05  }
0x240: {  	[timem:s3], [sflag:s2] =	dma.local @!p0 [hbm:s0], s1  }
0x241: {  	s0 =	simm.s32 @!p0 $0x5  }
0x242: {  	_ =	swait.ge @!p0 [sflag:s0], s1  }
0x243: {  	s1 =	ssub.s32 @!p0 $0x0, s1;
	[sflag:s0] =	ssyncset.done @!p0 $0x0  }
0x244: {  	[sflag:s0] =	ssyncadd.s32 @!p0 s1  }
0x245: {  	[bflag:$0x3] =	sbarrier.arrive $0xFFFF  }
0x246: {  	_ =	shalt  }

</sc_bundles>
